<compile_context>
chip_gen: v7x
topology: tpu7x:2x2x1
jax: 0.10.2.dev20260603
libtpu: 0.0.44.dev20260713+nightly
codegen_flags: <defaults>
</compile_context>

<pallas_src>
import functools
import math

import jax
import jax.numpy as jnp
from jax import lax
from jax.experimental import pallas as pl
from jax.experimental.pallas import tpu as pltpu
from jax.experimental.pallas import tpu_sc as plsc

_VOCAB = 100000
_CTX_DIM = 32
_T2V_DIM = 8
_D = 128
_B = 1024
_T = 200

_TCH = (2, 15, 36, 48, 60, 39)
_R = 3 * _B



def _pick_chunk(n_per_w):
    for c in range(320, 0, -8):
        if n_per_w % c == 0:
            return c
    return n_per_w


def _sc_gather(table, idx_flat, off, n):
    info = plsc.get_sparse_core_info()
    nc, ns = info.num_cores, info.num_subcores
    nw = nc * ns
    d = table.shape[1]
    n_per_w = n // nw
    ch = _pick_chunk(n_per_w)
    n_ch = n_per_w // ch
    mesh = plsc.VectorSubcoreMesh(core_axis_name="c", subcore_axis_name="s")

    @functools.partial(
        pl.kernel,
        mesh=mesh,
        out_type=jax.ShapeDtypeStruct((n, d), jnp.float32),
        scratch_types=[
            pltpu.VMEM((ch,), jnp.int32),
            pltpu.VMEM((ch,), jnp.int32),
            pltpu.VMEM((ch, d), jnp.float32),
            pltpu.VMEM((ch, d), jnp.float32),
            pltpu.SemaphoreType.DMA,
            pltpu.SemaphoreType.DMA,
        ],
    )
    def k(table_hbm, idx_hbm, out_hbm, idx_v0, idx_v1, rows_v0, rows_v1,
          sem0, sem1):
        wid = lax.axis_index("s") * nc + lax.axis_index("c")
        base = wid * n_per_w
        idx_bufs = (idx_v0, idx_v1)
        row_bufs = (rows_v0, rows_v1)
        sem_bufs = (sem0, sem1)
        pltpu.sync_copy(idx_hbm.at[pl.ds(off + base, ch)], idx_bufs[0])
        copies = [pltpu.async_copy(
            table_hbm.at[idx_bufs[0]], row_bufs[0], sem_bufs[0])]
        for g in range(n_ch):
            b = g % 2
            if g + 1 < n_ch:
                nxt = 1 - b
                pltpu.sync_copy(
                    idx_hbm.at[pl.ds(off + base + (g + 1) * ch, ch)],
                    idx_bufs[nxt])
                copies.append(pltpu.async_copy(
                    table_hbm.at[idx_bufs[nxt]], row_bufs[nxt], sem_bufs[nxt]))
            copies[g].wait()
            pltpu.sync_copy(row_bufs[b],
                            out_hbm.at[pl.ds(base + g * ch, ch)])

    return k(table, idx_flat)



def _layernorm(x, gamma, beta):
    jmat = jnp.full((_D, _D), 1.0 / _D, dtype=jnp.float32)
    m1 = jnp.dot(x, jmat, preferred_element_type=jnp.float32)
    m2 = jnp.dot(x * x, jmat, preferred_element_type=jnp.float32)
    var = m2 - m1 * m1
    return (x - m1) * lax.rsqrt(var + 1e-5) * gamma + beta


def _time_vec(td_ref, fw_ref, fb_ref, wt_ref):
    n = td_ref.shape[2]
    args8 = jnp.broadcast_to(td_ref[0], (_T2V_DIM, n)) * fw_ref[:] + fb_ref[:]
    s8 = jnp.sin(args8)
    rowmask = lax.broadcasted_iota(jnp.int32, (_T2V_DIM, n), 0) == 0
    pt = jnp.where(rowmask, args8, s8)
    return lax.dot_general(
        pt, wt_ref[:], (((0,), (0,)), ((), ())),
        preferred_element_type=jnp.float32)


def _ev_body(tok_ref, td_ref, wt_ref, fw_ref, fb_ref, gamma_ref, beta_ref,
             out_ref):
    gamma = gamma_ref[:].reshape(1, _D)
    beta = beta_ref[:].reshape(1, _D)
    tv = _time_vec(td_ref, fw_ref, fb_ref, wt_ref)
    ev = (tok_ref[:] + tv) * (1.0 / math.sqrt(_D))
    out_ref[:] = _layernorm(ev, gamma, beta)


def _head_body(tok_ref, td_ref, pc_ref, wt_ref, cw_ref, ctxtok_ref,
               fw_ref, fb_ref, gamma_ref, beta_ref, out_ref):
    i = pl.program_id(0)
    gamma = gamma_ref[:].reshape(1, _D)
    beta = beta_ref[:].reshape(1, _D)
    tv = _time_vec(td_ref, fw_ref, fb_ref, wt_ref)
    ev = (tok_ref[:] + tv) * (1.0 / math.sqrt(_D))
    ctx = ctxtok_ref[:].reshape(1, _D) + jnp.dot(
        pc_ref[:], cw_ref[:], preferred_element_type=jnp.float32)
    x = jnp.where(i == 0, ctx, ev)
    out_ref[:] = _layernorm(x, gamma, beta)


_NROW = (_T + 1) * _B


def _small_specs():
    return [
        pl.BlockSpec((_T2V_DIM, _D), lambda i: (0, 0)),
        pl.BlockSpec((_T2V_DIM, 1), lambda i: (0, 0)),
        pl.BlockSpec((_T2V_DIM, 1), lambda i: (0, 0)),
        pl.BlockSpec((_D,), lambda i: (0,)),
        pl.BlockSpec((_D,), lambda i: (0,)),
    ]


def _head_chunk(tok, td, pc, wt, cw, ctok, fw, fb, gamma, beta, nsteps):
    grid = (nsteps,)
    in_specs = [
        pl.BlockSpec((_B, _D), lambda i: (jnp.maximum(i - 1, 0), 0)),
        pl.BlockSpec((1, 1, _B), lambda i: (i, 0, 0)),
        pl.BlockSpec((_B, _CTX_DIM), lambda i: (0, 0)),
        pl.BlockSpec((_T2V_DIM, _D), lambda i: (0, 0)),
        pl.BlockSpec((_CTX_DIM, _D), lambda i: (0, 0)),
        pl.BlockSpec((_D,), lambda i: (0,)),
        pl.BlockSpec((_T2V_DIM, 1), lambda i: (0, 0)),
        pl.BlockSpec((_T2V_DIM, 1), lambda i: (0, 0)),
        pl.BlockSpec((_D,), lambda i: (0,)),
        pl.BlockSpec((_D,), lambda i: (0,)),
    ]
    return pl.pallas_call(
        _head_body,
        grid=grid,
        in_specs=in_specs,
        out_specs=pl.BlockSpec((_B, _D), lambda i: (i, 0)),
        out_shape=jax.ShapeDtypeStruct((_NROW, _D), jnp.float32),
    )(tok, td, pc, wt, cw, ctok, fw, fb, gamma, beta)


def _ev_chunk(out_prev, tok, td, weights, r0, nsteps):
    def out_map(i, r0=r0):
        return (r0 + i, 0)

    def td_map(i, r0=r0):
        return (r0 + i, 0, 0)

    return pl.pallas_call(
        lambda prev_ref, *refs: _ev_body(*refs),
        grid=(nsteps,),
        in_specs=[
            pl.BlockSpec(memory_space=pl.ANY),
            pl.BlockSpec((_R, _D), lambda i: (i, 0)),
            pl.BlockSpec((1, 1, _R), td_map),
        ] + _small_specs(),
        out_specs=pl.BlockSpec((_R, _D), out_map),
        out_shape=jax.ShapeDtypeStruct((_NROW, _D), jnp.float32),
        input_output_aliases={0: 0},
    )(out_prev, tok, td, *weights)


def kernel(token_ids, time_deltas, patient_contexts, token_table, t2v_lin_w,
           t2v_lin_b, t2v_freq_w, t2v_freq_b, time_proj_w, ctx_token,
           context_proj_w, ln_gamma, ln_beta):
    idx_tm = token_ids.T.reshape(-1)
    td_tm = time_deltas.T.reshape(-1)

    wt = time_proj_w.T
    cw = context_proj_w.T
    fw = jnp.concatenate([t2v_lin_w.reshape(1), t2v_freq_w.reshape(-1)],
                         axis=0).reshape(_T2V_DIM, 1)
    fb = jnp.concatenate([t2v_lin_b, t2v_freq_b], axis=0).reshape(_T2V_DIM, 1)
    weights = (wt, fw, fb, ln_gamma, ln_beta)

    t0s = [sum(_TCH[:s]) for s in range(len(_TCH))]
    toks = [_sc_gather(token_table, idx_tm, t0 * _B, tc * _B)
            for t0, tc in zip(t0s, _TCH)]

    td_pad = jnp.concatenate([jnp.zeros((_B,), jnp.float32), td_tm])
    td_head = td_pad[:(1 + _TCH[0]) * _B].reshape(-1, 1, _B)
    td_ev = td_pad.reshape(-1, 1, _R)

    out = _head_chunk(toks[0], td_head, patient_contexts, wt, cw, ctx_token,
                      fw, fb, ln_gamma, ln_beta, nsteps=1 + _TCH[0])

    for s in range(1, len(_TCH)):
        t0, tc = t0s[s], _TCH[s]
        out = _ev_chunk(out, toks[s], td_ev, weights,
                        r0=(1 + t0) * _B // _R, nsteps=tc * _B // _R)

    return out.reshape(_T + 1, _B, _D).swapaxes(0, 1)

# --- scband reference (transcript-rebuilt; emitter-appended) ---
"""Pipeline reference for scband-emrembedding-18339510354838 (READ-ONLY COPY).

The authoritative reference and input builder live on the scoring server;
editing this copy changes nothing except your own understanding.
"""

import jax, jax.numpy as jnp
import numpy as np
import math

VOCAB = 100000
CTX_DIM = 32
T2V_DIM = 8
EMBED_DIM = 128
PAD_IDX = 0

def setup_inputs(seed: int = 0) -> dict:
    key = jax.random.key(seed)
    ks = jax.random.split(key, 10)
    token_ids = jax.random.randint(ks[0], (1024, 200), 0, VOCAB, dtype=jnp.int64 if jax.config.jax_enable_x64 else jnp.int32).astype(jnp.int32)
    time_deltas = jax.random.uniform(ks[1], (1024, 200), dtype=jnp.float32)
    patient_contexts = jax.random.normal(ks[2], (1024, CTX_DIM), dtype=jnp.float32)
    token_table = jax.random.normal(ks[3], (VOCAB, EMBED_DIM), dtype=jnp.float32)
    token_table = token_table.at[PAD_IDX].set(0.0)
    t2v_lin_w = jax.random.normal(ks[4], (1, 1), dtype=jnp.float32)
    t2v_lin_b = jax.random.normal(ks[5], (1,), dtype=jnp.float32) * 0.1
    t2v_freq_w = jax.random.normal(ks[6], (T2V_DIM - 1, 1), dtype=jnp.float32)
    t2v_freq_b = jax.random.normal(ks[7], (T2V_DIM - 1,), dtype=jnp.float32) * 0.1
    time_proj_w = jax.random.normal(ks[8], (EMBED_DIM, T2V_DIM), dtype=jnp.float32) / math.sqrt(T2V_DIM)
    k2 = jax.random.split(ks[9], 4)
    ctx_token = jax.random.normal(k2[0], (EMBED_DIM,), dtype=jnp.float32)
    context_proj_w = jax.random.normal(k2[1], (EMBED_DIM, CTX_DIM), dtype=jnp.float32) / math.sqrt(CTX_DIM)
    ln_gamma = jnp.ones((EMBED_DIM,), dtype=jnp.float32)
    ln_beta = jnp.zeros((EMBED_DIM,), dtype=jnp.float32)
    return {
        'token_ids': token_ids,
        'time_deltas': time_deltas,
        'patient_contexts': patient_contexts,
        'token_table': token_table,
        't2v_lin_w': t2v_lin_w,
        't2v_lin_b': t2v_lin_b,
        't2v_freq_w': t2v_freq_w,
        't2v_freq_b': t2v_freq_b,
        'time_proj_w': time_proj_w,
        'ctx_token': ctx_token,
        'context_proj_w': context_proj_w,
        'ln_gamma': ln_gamma,
        'ln_beta': ln_beta,
    }

def _layernorm(x, gamma, beta, eps=1e-5):
    mean = jnp.mean(x, axis=-1, keepdims=True)
    var = jnp.mean((x - mean) ** 2, axis=-1, keepdims=True)
    return (x - mean) / jnp.sqrt(var + eps) * gamma + beta

def reference(token_ids, time_deltas, patient_contexts, token_table, t2v_lin_w, t2v_lin_b, t2v_freq_w, t2v_freq_b, time_proj_w, ctx_token, context_proj_w, ln_gamma, ln_beta):
    scale = math.sqrt(EMBED_DIM)
    # token embedding (gather)
    tok_vec = jnp.take(token_table, token_ids, axis=0)  # [B, T, D]
    # Time2Vec
    t = time_deltas[..., None]  # [B, T, 1]
    linear_out = t @ t2v_lin_w.T + t2v_lin_b  # [B, T, 1]
    periodic_out = jnp.sin(t @ t2v_freq_w.T + t2v_freq_b)  # [B, T, k-1]
    t2v = jnp.concatenate([linear_out, periodic_out], axis=-1)  # [B, T, T2V_DIM]
    time_vec = t2v @ time_proj_w.T  # [B, T, D]
    ev_vec = (tok_vec + time_vec) / scale
    # dropout p=0.0 -> identity
    ctx_vec = ctx_token + patient_contexts @ context_proj_w.T  # [B, D]
    ctx_vec = ctx_vec[:, None, :]
    seq = jnp.concatenate([ctx_vec, ev_vec], axis=1)  # [B, T+1, D]
    seq = _layernorm(seq, ln_gamma, ln_beta)
    return seq

if __name__ == "__main__":
    import jax
    _d = setup_inputs()
    print(jax.jit(kernel)(*tuple(_d.values())))

</pallas_src>

<mosaic_0001>
#map = affine_map<(d0, d1) -> (0, 0)>
#map1 = affine_map<(d0, d1) -> (0)>
module attributes {stable_mosaic.version = 14 : i64} {
  func.func @k(%arg0: i32, %arg1: i32, %arg2: memref<100000x128xf32, #tpu.memory_space<hbm>>, %arg3: memref<204800xi32, #tpu.memory_space<hbm>>, %arg4: memref<15360x128xf32, #tpu.memory_space<hbm>>, %arg5: memref<240xi32, #tpu.memory_space<vmem>>, %arg6: memref<240xi32, #tpu.memory_space<vmem>>, %arg7: memref<240x128xf32, #tpu.memory_space<vmem>>, %arg8: memref<240x128xf32, #tpu.memory_space<vmem>>, %arg9: memref<!tpu.dma_semaphore, #tpu.memory_space<semaphore_mem>>, %arg10: memref<!tpu.dma_semaphore, #tpu.memory_space<semaphore_mem>>) attributes {dimension_semantics = [#tpu.dimension_semantics<core_parallel>, #tpu.dimension_semantics<subcore_parallel>], iteration_bounds = array<i64: 2, 16>, scalar_prefetch = 0 : i64, scratch_operands = 6 : i64, tpu.core_type = #tpu.core_type<sc_vector_subcore>, window_params = [{transform_indices = #map}, {transform_indices = #map1}, {transform_indices = #map}]} {
    %mul3A = arith.constant 2 : i32
    %mul3A_0 = arith.muli %arg1, %mul3A : i32
    %add3A = arith.addi %mul3A_0, %arg0 : i32
    %mul3A_1 = arith.constant 480 : i32
    %mul3A_2 = arith.muli %add3A, %mul3A_1 : i32
    %add3A_3 = arith.constant 2048 : i32
    %add3A_4 = arith.addi %add3A_3, %mul3A_2 : i32
    "tpu.region"() ({
      %run_scoped3A = tpu.sem_alloc : memref<!tpu.dma_semaphore, #tpu.memory_space<semaphore_mem>>
      %dma_start3A_23 = tpu.memref_slice %arg3[%add3A_4] : memref<204800xi32, #tpu.memory_space<hbm>> -> memref<240xi32, #tpu.memory_space<hbm>>
      %dma_start3A_24 = tpu.memref_slice %arg3[%add3A_4] : memref<204800xi32, #tpu.memory_space<hbm>> -> memref<240xi32, #tpu.memory_space<hbm>>
      tpu.enqueue_dma source(%dma_start3A_24 : memref<240xi32, #tpu.memory_space<hbm>>) target(%arg5 : memref<240xi32, #tpu.memory_space<vmem>>) target_semaphore(%run_scoped3A : memref<!tpu.dma_semaphore, #tpu.memory_space<semaphore_mem>>)
      %dma_wait3A_25 = tpu.memref_slice %arg3[%add3A_4] : memref<204800xi32, #tpu.memory_space<hbm>> -> memref<240xi32, #tpu.memory_space<hbm>>
      %dma_wait3A_26 = tpu.memref_slice %arg3[%add3A_4] : memref<204800xi32, #tpu.memory_space<hbm>> -> memref<240xi32, #tpu.memory_space<hbm>>
      tpu.wait_dma2 semaphore(%run_scoped3A : memref<!tpu.dma_semaphore, #tpu.memory_space<semaphore_mem>>) src(%dma_wait3A_26 : memref<240xi32, #tpu.memory_space<hbm>>) dst(%arg5 : memref<240xi32, #tpu.memory_space<vmem>>)
      tpu.yield
    }) : () -> ()
    %dma_start3A = arith.constant 0 : i32
    %dma_start3A_5 = arith.constant 0 : i32
    %dma_start3A_6 = tpu.memref_slice %arg2[%dma_start3A, %dma_start3A_5] : memref<100000x128xf32, #tpu.memory_space<hbm>> -> memref<100000x128xf32, #tpu.memory_space<hbm>>
    tpu.enqueue_indirect_dma source(%dma_start3A_6 : memref<100000x128xf32, #tpu.memory_space<hbm>>) target(%arg7 : memref<240x128xf32, #tpu.memory_space<vmem>>) offsets(%arg5 : memref<240xi32, #tpu.memory_space<vmem>>) semaphore(%arg9 : memref<!tpu.dma_semaphore, #tpu.memory_space<semaphore_mem>>)
    %add3A_7 = arith.constant 2048 : i32
    %add3A_8 = arith.addi %add3A_7, %mul3A_2 : i32
    %add3A_9 = arith.constant 240 : i32
    %add3A_10 = arith.addi %add3A_8, %add3A_9 : i32
    "tpu.region"() ({
      %run_scoped3A = tpu.sem_alloc : memref<!tpu.dma_semaphore, #tpu.memory_space<semaphore_mem>>
      %dma_start3A_23 = tpu.memref_slice %arg3[%add3A_10] : memref<204800xi32, #tpu.memory_space<hbm>> -> memref<240xi32, #tpu.memory_space<hbm>>
      %dma_start3A_24 = tpu.memref_slice %arg3[%add3A_10] : memref<204800xi32, #tpu.memory_space<hbm>> -> memref<240xi32, #tpu.memory_space<hbm>>
      tpu.enqueue_dma source(%dma_start3A_24 : memref<240xi32, #tpu.memory_space<hbm>>) target(%arg6 : memref<240xi32, #tpu.memory_space<vmem>>) target_semaphore(%run_scoped3A : memref<!tpu.dma_semaphore, #tpu.memory_space<semaphore_mem>>)
      %dma_wait3A_25 = tpu.memref_slice %arg3[%add3A_10] : memref<204800xi32, #tpu.memory_space<hbm>> -> memref<240xi32, #tpu.memory_space<hbm>>
      %dma_wait3A_26 = tpu.memref_slice %arg3[%add3A_10] : memref<204800xi32, #tpu.memory_space<hbm>> -> memref<240xi32, #tpu.memory_space<hbm>>
      tpu.wait_dma2 semaphore(%run_scoped3A : memref<!tpu.dma_semaphore, #tpu.memory_space<semaphore_mem>>) src(%dma_wait3A_26 : memref<240xi32, #tpu.memory_space<hbm>>) dst(%arg6 : memref<240xi32, #tpu.memory_space<vmem>>)
      tpu.yield
    }) : () -> ()
    %dma_start3A_11 = arith.constant 0 : i32
    %dma_start3A_12 = arith.constant 0 : i32
    %dma_start3A_13 = tpu.memref_slice %arg2[%dma_start3A_11, %dma_start3A_12] : memref<100000x128xf32, #tpu.memory_space<hbm>> -> memref<100000x128xf32, #tpu.memory_space<hbm>>
    tpu.enqueue_indirect_dma source(%dma_start3A_13 : memref<100000x128xf32, #tpu.memory_space<hbm>>) target(%arg8 : memref<240x128xf32, #tpu.memory_space<vmem>>) offsets(%arg6 : memref<240xi32, #tpu.memory_space<vmem>>) semaphore(%arg10 : memref<!tpu.dma_semaphore, #tpu.memory_space<semaphore_mem>>)
    %dma_wait3A = arith.constant 0 : i32
    %dma_wait3A_14 = arith.constant 0 : i32
    %dma_wait3A_15 = tpu.memref_slice %arg2[%dma_wait3A, %dma_wait3A_14] : memref<100000x128xf32, #tpu.memory_space<hbm>> -> memref<100000x128xf32, #tpu.memory_space<hbm>>
    tpu.wait_indirect_dma semaphore(%arg9 : memref<!tpu.dma_semaphore, #tpu.memory_space<semaphore_mem>>) src(%dma_wait3A_15 : memref<100000x128xf32, #tpu.memory_space<hbm>>) dst(%arg7 : memref<240x128xf32, #tpu.memory_space<vmem>>)
    %add3A_16 = arith.constant 0 : i32
    %add3A_17 = arith.addi %mul3A_2, %add3A_16 : i32
    "tpu.region"() ({
      %run_scoped3A = tpu.sem_alloc : memref<!tpu.dma_semaphore, #tpu.memory_space<semaphore_mem>>
      %dma_start3A_23 = arith.constant 0 : i32
      %dma_start3A_24 = tpu.memref_slice %arg4[%add3A_17, %dma_start3A_23] : memref<15360x128xf32, #tpu.memory_space<hbm>> -> memref<240x128xf32, #tpu.memory_space<hbm>>
      %dma_start3A_25 = arith.constant 0 : i32
      %dma_start3A_26 = tpu.memref_slice %arg4[%add3A_17, %dma_start3A_25] : memref<15360x128xf32, #tpu.memory_space<hbm>> -> memref<240x128xf32, #tpu.memory_space<hbm>>
      tpu.enqueue_dma source(%arg7 : memref<240x128xf32, #tpu.memory_space<vmem>>) target(%dma_start3A_26 : memref<240x128xf32, #tpu.memory_space<hbm>>) target_semaphore(%run_scoped3A : memref<!tpu.dma_semaphore, #tpu.memory_space<semaphore_mem>>)
      %dma_wait3A_27 = arith.constant 0 : i32
      %dma_wait3A_28 = tpu.memref_slice %arg4[%add3A_17, %dma_wait3A_27] : memref<15360x128xf32, #tpu.memory_space<hbm>> -> memref<240x128xf32, #tpu.memory_space<hbm>>
      %dma_wait3A_29 = arith.constant 0 : i32
      %dma_wait3A_30 = tpu.memref_slice %arg4[%add3A_17, %dma_wait3A_29] : memref<15360x128xf32, #tpu.memory_space<hbm>> -> memref<240x128xf32, #tpu.memory_space<hbm>>
      tpu.wait_dma2 semaphore(%run_scoped3A : memref<!tpu.dma_semaphore, #tpu.memory_space<semaphore_mem>>) src(%arg7 : memref<240x128xf32, #tpu.memory_space<vmem>>) dst(%dma_wait3A_30 : memref<240x128xf32, #tpu.memory_space<hbm>>)
      tpu.yield
    }) : () -> ()
    %dma_wait3A_18 = arith.constant 0 : i32
    %dma_wait3A_19 = arith.constant 0 : i32
    %dma_wait3A_20 = tpu.memref_slice %arg2[%dma_wait3A_18, %dma_wait3A_19] : memref<100000x128xf32, #tpu.memory_space<hbm>> -> memref<100000x128xf32, #tpu.memory_space<hbm>>
    tpu.wait_indirect_dma semaphore(%arg10 : memref<!tpu.dma_semaphore, #tpu.memory_space<semaphore_mem>>) src(%dma_wait3A_20 : memref<100000x128xf32, #tpu.memory_space<hbm>>) dst(%arg8 : memref<240x128xf32, #tpu.memory_space<vmem>>)
    %add3A_21 = arith.constant 240 : i32
    %add3A_22 = arith.addi %mul3A_2, %add3A_21 : i32
    "tpu.region"() ({
      %run_scoped3A = tpu.sem_alloc : memref<!tpu.dma_semaphore, #tpu.memory_space<semaphore_mem>>
      %dma_start3A_23 = arith.constant 0 : i32
      %dma_start3A_24 = tpu.memref_slice %arg4[%add3A_22, %dma_start3A_23] : memref<15360x128xf32, #tpu.memory_space<hbm>> -> memref<240x128xf32, #tpu.memory_space<hbm>>
      %dma_start3A_25 = arith.constant 0 : i32
      %dma_start3A_26 = tpu.memref_slice %arg4[%add3A_22, %dma_start3A_25] : memref<15360x128xf32, #tpu.memory_space<hbm>> -> memref<240x128xf32, #tpu.memory_space<hbm>>
      tpu.enqueue_dma source(%arg8 : memref<240x128xf32, #tpu.memory_space<vmem>>) target(%dma_start3A_26 : memref<240x128xf32, #tpu.memory_space<hbm>>) target_semaphore(%run_scoped3A : memref<!tpu.dma_semaphore, #tpu.memory_space<semaphore_mem>>)
      %dma_wait3A_27 = arith.constant 0 : i32
      %dma_wait3A_28 = tpu.memref_slice %arg4[%add3A_22, %dma_wait3A_27] : memref<15360x128xf32, #tpu.memory_space<hbm>> -> memref<240x128xf32, #tpu.memory_space<hbm>>
      %dma_wait3A_29 = arith.constant 0 : i32
      %dma_wait3A_30 = tpu.memref_slice %arg4[%add3A_22, %dma_wait3A_29] : memref<15360x128xf32, #tpu.memory_space<hbm>> -> memref<240x128xf32, #tpu.memory_space<hbm>>
      tpu.wait_dma2 semaphore(%run_scoped3A : memref<!tpu.dma_semaphore, #tpu.memory_space<semaphore_mem>>) src(%arg8 : memref<240x128xf32, #tpu.memory_space<vmem>>) dst(%dma_wait3A_30 : memref<240x128xf32, #tpu.memory_space<hbm>>)
      tpu.yield
    }) : () -> ()
    return
  }
}

#map = affine_map<(d0, d1) -> (0, 0)>
#map1 = affine_map<(d0, d1) -> (0)>
module attributes {stable_mosaic.version = 14 : i64} {
  func.func @k(%arg0: i32, %arg1: i32, %arg2: memref<100000x128xf32, #tpu.memory_space<hbm>>, %arg3: memref<204800xi32, #tpu.memory_space<hbm>>, %arg4: memref<36864x128xf32, #tpu.memory_space<hbm>>, %arg5: memref<288xi32, #tpu.memory_space<vmem>>, %arg6: memref<288xi32, #tpu.memory_space<vmem>>, %arg7: memref<288x128xf32, #tpu.memory_space<vmem>>, %arg8: memref<288x128xf32, #tpu.memory_space<vmem>>, %arg9: memref<!tpu.dma_semaphore, #tpu.memory_space<semaphore_mem>>, %arg10: memref<!tpu.dma_semaphore, #tpu.memory_space<semaphore_mem>>) attributes {dimension_semantics = [#tpu.dimension_semantics<core_parallel>, #tpu.dimension_semantics<subcore_parallel>], iteration_bounds = array<i64: 2, 16>, scalar_prefetch = 0 : i64, scratch_operands = 6 : i64, tpu.core_type = #tpu.core_type<sc_vector_subcore>, window_params = [{transform_indices = #map}, {transform_indices = #map1}, {transform_indices = #map}]} {
    %mul3A = arith.constant 2 : i32
    %mul3A_0 = arith.muli %arg1, %mul3A : i32
    %add3A = arith.addi %mul3A_0, %arg0 : i32
    %mul3A_1 = arith.constant 1152 : i32
    %mul3A_2 = arith.muli %add3A, %mul3A_1 : i32
    %add3A_3 = arith.constant 17408 : i32
    %add3A_4 = arith.addi %add3A_3, %mul3A_2 : i32
    "tpu.region"() ({
      %run_scoped3A = tpu.sem_alloc : memref<!tpu.dma_semaphore, #tpu.memory_space<semaphore_mem>>
      %dma_start3A_47 = tpu.memref_slice %arg3[%add3A_4] : memref<204800xi32, #tpu.memory_space<hbm>> -> memref<288xi32, #tpu.memory_space<hbm>>
      %dma_start3A_48 = tpu.memref_slice %arg3[%add3A_4] : memref<204800xi32, #tpu.memory_space<hbm>> -> memref<288xi32, #tpu.memory_space<hbm>>
      tpu.enqueue_dma source(%dma_start3A_48 : memref<288xi32, #tpu.memory_space<hbm>>) target(%arg5 : memref<288xi32, #tpu.memory_space<vmem>>) target_semaphore(%run_scoped3A : memref<!tpu.dma_semaphore, #tpu.memory_space<semaphore_mem>>)
      %dma_wait3A_49 = tpu.memref_slice %arg3[%add3A_4] : memref<204800xi32, #tpu.memory_space<hbm>> -> memref<288xi32, #tpu.memory_space<hbm>>
      %dma_wait3A_50 = tpu.memref_slice %arg3[%add3A_4] : memref<204800xi32, #tpu.memory_space<hbm>> -> memref<288xi32, #tpu.memory_space<hbm>>
      tpu.wait_dma2 semaphore(%run_scoped3A : memref<!tpu.dma_semaphore, #tpu.memory_space<semaphore_mem>>) src(%dma_wait3A_50 : memref<288xi32, #tpu.memory_space<hbm>>) dst(%arg5 : memref<288xi32, #tpu.memory_space<vmem>>)
      tpu.yield
    }) : () -> ()
    %dma_start3A = arith.constant 0 : i32
    %dma_start3A_5 = arith.constant 0 : i32
    %dma_start3A_6 = tpu.memref_slice %arg2[%dma_start3A, %dma_start3A_5] : memref<100000x128xf32, #tpu.memory_space<hbm>> -> memref<100000x128xf32, #tpu.memory_space<hbm>>
    tpu.enqueue_indirect_dma source(%dma_start3A_6 : memref<100000x128xf32, #tpu.memory_space<hbm>>) target(%arg7 : memref<288x128xf32, #tpu.memory_space<vmem>>) offsets(%arg5 : memref<288xi32, #tpu.memory_space<vmem>>) semaphore(%arg9 : memref<!tpu.dma_semaphore, #tpu.memory_space<semaphore_mem>>)
    %add3A_7 = arith.constant 17408 : i32
    %add3A_8 = arith.addi %add3A_7, %mul3A_2 : i32
    %add3A_9 = arith.constant 288 : i32
    %add3A_10 = arith.addi %add3A_8, %add3A_9 : i32
    "tpu.region"() ({
      %run_scoped3A = tpu.sem_alloc : memref<!tpu.dma_semaphore, #tpu.memory_space<semaphore_mem>>
      %dma_start3A_47 = tpu.memref_slice %arg3[%add3A_10] : memref<204800xi32, #tpu.memory_space<hbm>> -> memref<288xi32, #tpu.memory_space<hbm>>
      %dma_start3A_48 = tpu.memref_slice %arg3[%add3A_10] : memref<204800xi32, #tpu.memory_space<hbm>> -> memref<288xi32, #tpu.memory_space<hbm>>
      tpu.enqueue_dma source(%dma_start3A_48 : memref<288xi32, #tpu.memory_space<hbm>>) target(%arg6 : memref<288xi32, #tpu.memory_space<vmem>>) target_semaphore(%run_scoped3A : memref<!tpu.dma_semaphore, #tpu.memory_space<semaphore_mem>>)
      %dma_wait3A_49 = tpu.memref_slice %arg3[%add3A_10] : memref<204800xi32, #tpu.memory_space<hbm>> -> memref<288xi32, #tpu.memory_space<hbm>>
      %dma_wait3A_50 = tpu.memref_slice %arg3[%add3A_10] : memref<204800xi32, #tpu.memory_space<hbm>> -> memref<288xi32, #tpu.memory_space<hbm>>
      tpu.wait_dma2 semaphore(%run_scoped3A : memref<!tpu.dma_semaphore, #tpu.memory_space<semaphore_mem>>) src(%dma_wait3A_50 : memref<288xi32, #tpu.memory_space<hbm>>) dst(%arg6 : memref<288xi32, #tpu.memory_space<vmem>>)
      tpu.yield
    }) : () -> ()
    %dma_start3A_11 = arith.constant 0 : i32
    %dma_start3A_12 = arith.constant 0 : i32
    %dma_start3A_13 = tpu.memref_slice %arg2[%dma_start3A_11, %dma_start3A_12] : memref<100000x128xf32, #tpu.memory_space<hbm>> -> memref<100000x128xf32, #tpu.memory_space<hbm>>
    tpu.enqueue_indirect_dma source(%dma_start3A_13 : memref<100000x128xf32, #tpu.memory_space<hbm>>) target(%arg8 : memref<288x128xf32, #tpu.memory_space<vmem>>) offsets(%arg6 : memref<288xi32, #tpu.memory_space<vmem>>) semaphore(%arg10 : memref<!tpu.dma_semaphore, #tpu.memory_space<semaphore_mem>>)
    %dma_wait3A = arith.constant 0 : i32
    %dma_wait3A_14 = arith.constant 0 : i32
    %dma_wait3A_15 = tpu.memref_slice %arg2[%dma_wait3A, %dma_wait3A_14] : memref<100000x128xf32, #tpu.memory_space<hbm>> -> memref<100000x128xf32, #tpu.memory_space<hbm>>
    tpu.wait_indirect_dma semaphore(%arg9 : memref<!tpu.dma_semaphore, #tpu.memory_space<semaphore_mem>>) src(%dma_wait3A_15 : memref<100000x128xf32, #tpu.memory_space<hbm>>) dst(%arg7 : memref<288x128xf32, #tpu.memory_space<vmem>>)
    %add3A_16 = arith.constant 0 : i32
    %add3A_17 = arith.addi %mul3A_2, %add3A_16 : i32
    "tpu.region"() ({
      %run_scoped3A = tpu.sem_alloc : memref<!tpu.dma_semaphore, #tpu.memory_space<semaphore_mem>>
      %dma_start3A_47 = arith.constant 0 : i32
      %dma_start3A_48 = tpu.memref_slice %arg4[%add3A_17, %dma_start3A_47] : memref<36864x128xf32, #tpu.memory_space<hbm>> -> memref<288x128xf32, #tpu.memory_space<hbm>>
      %dma_start3A_49 = arith.constant 0 : i32
      %dma_start3A_50 = tpu.memref_slice %arg4[%add3A_17, %dma_start3A_49] : memref<36864x128xf32, #tpu.memory_space<hbm>> -> memref<288x128xf32, #tpu.memory_space<hbm>>
      tpu.enqueue_dma source(%arg7 : memref<288x128xf32, #tpu.memory_space<vmem>>) target(%dma_start3A_50 : memref<288x128xf32, #tpu.memory_space<hbm>>) target_semaphore(%run_scoped3A : memref<!tpu.dma_semaphore, #tpu.memory_space<semaphore_mem>>)
      %dma_wait3A_51 = arith.constant 0 : i32
      %dma_wait3A_52 = tpu.memref_slice %arg4[%add3A_17, %dma_wait3A_51] : memref<36864x128xf32, #tpu.memory_space<hbm>> -> memref<288x128xf32, #tpu.memory_space<hbm>>
      %dma_wait3A_53 = arith.constant 0 : i32
      %dma_wait3A_54 = tpu.memref_slice %arg4[%add3A_17, %dma_wait3A_53] : memref<36864x128xf32, #tpu.memory_space<hbm>> -> memref<288x128xf32, #tpu.memory_space<hbm>>
      tpu.wait_dma2 semaphore(%run_scoped3A : memref<!tpu.dma_semaphore, #tpu.memory_space<semaphore_mem>>) src(%arg7 : memref<288x128xf32, #tpu.memory_space<vmem>>) dst(%dma_wait3A_54 : memref<288x128xf32, #tpu.memory_space<hbm>>)
      tpu.yield
    }) : () -> ()
    %add3A_18 = arith.constant 17408 : i32
    %add3A_19 = arith.addi %add3A_18, %mul3A_2 : i32
    %add3A_20 = arith.constant 576 : i32
    %add3A_21 = arith.addi %add3A_19, %add3A_20 : i32
    "tpu.region"() ({
      %run_scoped3A = tpu.sem_alloc : memref<!tpu.dma_semaphore, #tpu.memory_space<semaphore_mem>>
      %dma_start3A_47 = tpu.memref_slice %arg3[%add3A_21] : memref<204800xi32, #tpu.memory_space<hbm>> -> memref<288xi32, #tpu.memory_space<hbm>>
      %dma_start3A_48 = tpu.memref_slice %arg3[%add3A_21] : memref<204800xi32, #tpu.memory_space<hbm>> -> memref<288xi32, #tpu.memory_space<hbm>>
      tpu.enqueue_dma source(%dma_start3A_48 : memref<288xi32, #tpu.memory_space<hbm>>) target(%arg5 : memref<288xi32, #tpu.memory_space<vmem>>) target_semaphore(%run_scoped3A : memref<!tpu.dma_semaphore, #tpu.memory_space<semaphore_mem>>)
      %dma_wait3A_49 = tpu.memref_slice %arg3[%add3A_21] : memref<204800xi32, #tpu.memory_space<hbm>> -> memref<288xi32, #tpu.memory_space<hbm>>
      %dma_wait3A_50 = tpu.memref_slice %arg3[%add3A_21] : memref<204800xi32, #tpu.memory_space<hbm>> -> memref<288xi32, #tpu.memory_space<hbm>>
      tpu.wait_dma2 semaphore(%run_scoped3A : memref<!tpu.dma_semaphore, #tpu.memory_space<semaphore_mem>>) src(%dma_wait3A_50 : memref<288xi32, #tpu.memory_space<hbm>>) dst(%arg5 : memref<288xi32, #tpu.memory_space<vmem>>)
      tpu.yield
    }) : () -> ()
    %dma_start3A_22 = arith.constant 0 : i32
    %dma_start3A_23 = arith.constant 0 : i32
    %dma_start3A_24 = tpu.memref_slice %arg2[%dma_start3A_22, %dma_start3A_23] : memref<100000x128xf32, #tpu.memory_space<hbm>> -> memref<100000x128xf32, #tpu.memory_space<hbm>>
    tpu.enqueue_indirect_dma source(%dma_start3A_24 : memref<100000x128xf32, #tpu.memory_space<hbm>>) target(%arg7 : memref<288x128xf32, #tpu.memory_space<vmem>>) offsets(%arg5 : memref<288xi32, #tpu.memory_space<vmem>>) semaphore(%arg9 : memref<!tpu.dma_semaphore, #tpu.memory_space<semaphore_mem>>)
    %dma_wait3A_25 = arith.constant 0 : i32
    %dma_wait3A_26 = arith.constant 0 : i32
    %dma_wait3A_27 = tpu.memref_slice %arg2[%dma_wait3A_25, %dma_wait3A_26] : memref<100000x128xf32, #tpu.memory_space<hbm>> -> memref<100000x128xf32, #tpu.memory_space<hbm>>
    tpu.wait_indirect_dma semaphore(%arg10 : memref<!tpu.dma_semaphore, #tpu.memory_space<semaphore_mem>>) src(%dma_wait3A_27 : memref<100000x128xf32, #tpu.memory_space<hbm>>) dst(%arg8 : memref<288x128xf32, #tpu.memory_space<vmem>>)
    %add3A_28 = arith.constant 288 : i32
    %add3A_29 = arith.addi %mul3A_2, %add3A_28 : i32
    "tpu.region"() ({
      %run_scoped3A = tpu.sem_alloc : memref<!tpu.dma_semaphore, #tpu.memory_space<semaphore_mem>>
      %dma_start3A_47 = arith.constant 0 : i32
      %dma_start3A_48 = tpu.memref_slice %arg4[%add3A_29, %dma_start3A_47] : memref<36864x128xf32, #tpu.memory_space<hbm>> -> memref<288x128xf32, #tpu.memory_space<hbm>>
      %dma_start3A_49 = arith.constant 0 : i32
      %dma_start3A_50 = tpu.memref_slice %arg4[%add3A_29, %dma_start3A_49] : memref<36864x128xf32, #tpu.memory_space<hbm>> -> memref<288x128xf32, #tpu.memory_space<hbm>>
      tpu.enqueue_dma source(%arg8 : memref<288x128xf32, #tpu.memory_space<vmem>>) target(%dma_start3A_50 : memref<288x128xf32, #tpu.memory_space<hbm>>) target_semaphore(%run_scoped3A : memref<!tpu.dma_semaphore, #tpu.memory_space<semaphore_mem>>)
      %dma_wait3A_51 = arith.constant 0 : i32
      %dma_wait3A_52 = tpu.memref_slice %arg4[%add3A_29, %dma_wait3A_51] : memref<36864x128xf32, #tpu.memory_space<hbm>> -> memref<288x128xf32, #tpu.memory_space<hbm>>
      %dma_wait3A_53 = arith.constant 0 : i32
      %dma_wait3A_54 = tpu.memref_slice %arg4[%add3A_29, %dma_wait3A_53] : memref<36864x128xf32, #tpu.memory_space<hbm>> -> memref<288x128xf32, #tpu.memory_space<hbm>>
      tpu.wait_dma2 semaphore(%run_scoped3A : memref<!tpu.dma_semaphore, #tpu.memory_space<semaphore_mem>>) src(%arg8 : memref<288x128xf32, #tpu.memory_space<vmem>>) dst(%dma_wait3A_54 : memref<288x128xf32, #tpu.memory_space<hbm>>)
      tpu.yield
    }) : () -> ()
    %add3A_30 = arith.constant 17408 : i32
    %add3A_31 = arith.addi %add3A_30, %mul3A_2 : i32
    %add3A_32 = arith.constant 864 : i32
    %add3A_33 = arith.addi %add3A_31, %add3A_32 : i32
    "tpu.region"() ({
      %run_scoped3A = tpu.sem_alloc : memref<!tpu.dma_semaphore, #tpu.memory_space<semaphore_mem>>
      %dma_start3A_47 = tpu.memref_slice %arg3[%add3A_33] : memref<204800xi32, #tpu.memory_space<hbm>> -> memref<288xi32, #tpu.memory_space<hbm>>
      %dma_start3A_48 = tpu.memref_slice %arg3[%add3A_33] : memref<204800xi32, #tpu.memory_space<hbm>> -> memref<288xi32, #tpu.memory_space<hbm>>
      tpu.enqueue_dma source(%dma_start3A_48 : memref<288xi32, #tpu.memory_space<hbm>>) target(%arg6 : memref<288xi32, #tpu.memory_space<vmem>>) target_semaphore(%run_scoped3A : memref<!tpu.dma_semaphore, #tpu.memory_space<semaphore_mem>>)
      %dma_wait3A_49 = tpu.memref_slice %arg3[%add3A_33] : memref<204800xi32, #tpu.memory_space<hbm>> -> memref<288xi32, #tpu.memory_space<hbm>>
      %dma_wait3A_50 = tpu.memref_slice %arg3[%add3A_33] : memref<204800xi32, #tpu.memory_space<hbm>> -> memref<288xi32, #tpu.memory_space<hbm>>
      tpu.wait_dma2 semaphore(%run_scoped3A : memref<!tpu.dma_semaphore, #tpu.memory_space<semaphore_mem>>) src(%dma_wait3A_50 : memref<288xi32, #tpu.memory_space<hbm>>) dst(%arg6 : memref<288xi32, #tpu.memory_space<vmem>>)
      tpu.yield
    }) : () -> ()
    %dma_start3A_34 = arith.constant 0 : i32
    %dma_start3A_35 = arith.constant 0 : i32
    %dma_start3A_36 = tpu.memref_slice %arg2[%dma_start3A_34, %dma_start3A_35] : memref<100000x128xf32, #tpu.memory_space<hbm>> -> memref<100000x128xf32, #tpu.memory_space<hbm>>
    tpu.enqueue_indirect_dma source(%dma_start3A_36 : memref<100000x128xf32, #tpu.memory_space<hbm>>) target(%arg8 : memref<288x128xf32, #tpu.memory_space<vmem>>) offsets(%arg6 : memref<288xi32, #tpu.memory_space<vmem>>) semaphore(%arg10 : memref<!tpu.dma_semaphore, #tpu.memory_space<semaphore_mem>>)
    %dma_wait3A_37 = arith.constant 0 : i32
    %dma_wait3A_38 = arith.constant 0 : i32
    %dma_wait3A_39 = tpu.memref_slice %arg2[%dma_wait3A_37, %dma_wait3A_38] : memref<100000x128xf32, #tpu.memory_space<hbm>> -> memref<100000x128xf32, #tpu.memory_space<hbm>>
    tpu.wait_indirect_dma semaphore(%arg9 : memref<!tpu.dma_semaphore, #tpu.memory_space<semaphore_mem>>) src(%dma_wait3A_39 : memref<100000x128xf32, #tpu.memory_space<hbm>>) dst(%arg7 : memref<288x128xf32, #tpu.memory_space<vmem>>)
    %add3A_40 = arith.constant 576 : i32
    %add3A_41 = arith.addi %mul3A_2, %add3A_40 : i32
    "tpu.region"() ({
      %run_scoped3A = tpu.sem_alloc : memref<!tpu.dma_semaphore, #tpu.memory_space<semaphore_mem>>
      %dma_start3A_47 = arith.constant 0 : i32
      %dma_start3A_48 = tpu.memref_slice %arg4[%add3A_41, %dma_start3A_47] : memref<36864x128xf32, #tpu.memory_space<hbm>> -> memref<288x128xf32, #tpu.memory_space<hbm>>
      %dma_start3A_49 = arith.constant 0 : i32
      %dma_start3A_50 = tpu.memref_slice %arg4[%add3A_41, %dma_start3A_49] : memref<36864x128xf32, #tpu.memory_space<hbm>> -> memref<288x128xf32, #tpu.memory_space<hbm>>
      tpu.enqueue_dma source(%arg7 : memref<288x128xf32, #tpu.memory_space<vmem>>) target(%dma_start3A_50 : memref<288x128xf32, #tpu.memory_space<hbm>>) target_semaphore(%run_scoped3A : memref<!tpu.dma_semaphore, #tpu.memory_space<semaphore_mem>>)
      %dma_wait3A_51 = arith.constant 0 : i32
      %dma_wait3A_52 = tpu.memref_slice %arg4[%add3A_41, %dma_wait3A_51] : memref<36864x128xf32, #tpu.memory_space<hbm>> -> memref<288x128xf32, #tpu.memory_space<hbm>>
      %dma_wait3A_53 = arith.constant 0 : i32
      %dma_wait3A_54 = tpu.memref_slice %arg4[%add3A_41, %dma_wait3A_53] : memref<36864x128xf32, #tpu.memory_space<hbm>> -> memref<288x128xf32, #tpu.memory_space<hbm>>
      tpu.wait_dma2 semaphore(%run_scoped3A : memref<!tpu.dma_semaphore, #tpu.memory_space<semaphore_mem>>) src(%arg7 : memref<288x128xf32, #tpu.memory_space<vmem>>) dst(%dma_wait3A_54 : memref<288x128xf32, #tpu.memory_space<hbm>>)
      tpu.yield
    }) : () -> ()
    %dma_wait3A_42 = arith.constant 0 : i32
    %dma_wait3A_43 = arith.constant 0 : i32
    %dma_wait3A_44 = tpu.memref_slice %arg2[%dma_wait3A_42, %dma_wait3A_43] : memref<100000x128xf32, #tpu.memory_space<hbm>> -> memref<100000x128xf32, #tpu.memory_space<hbm>>
    tpu.wait_indirect_dma semaphore(%arg10 : memref<!tpu.dma_semaphore, #tpu.memory_space<semaphore_mem>>) src(%dma_wait3A_44 : memref<100000x128xf32, #tpu.memory_space<hbm>>) dst(%arg8 : memref<288x128xf32, #tpu.memory_space<vmem>>)
    %add3A_45 = arith.constant 864 : i32
    %add3A_46 = arith.addi %mul3A_2, %add3A_45 : i32
    "tpu.region"() ({
      %run_scoped3A = tpu.sem_alloc : memref<!tpu.dma_semaphore, #tpu.memory_space<semaphore_mem>>
      %dma_start3A_47 = arith.constant 0 : i32
      %dma_start3A_48 = tpu.memref_slice %arg4[%add3A_46, %dma_start3A_47] : memref<36864x128xf32, #tpu.memory_space<hbm>> -> memref<288x128xf32, #tpu.memory_space<hbm>>
      %dma_start3A_49 = arith.constant 0 : i32
      %dma_start3A_50 = tpu.memref_slice %arg4[%add3A_46, %dma_start3A_49] : memref<36864x128xf32, #tpu.memory_space<hbm>> -> memref<288x128xf32, #tpu.memory_space<hbm>>
      tpu.enqueue_dma source(%arg8 : memref<288x128xf32, #tpu.memory_space<vmem>>) target(%dma_start3A_50 : memref<288x128xf32, #tpu.memory_space<hbm>>) target_semaphore(%run_scoped3A : memref<!tpu.dma_semaphore, #tpu.memory_space<semaphore_mem>>)
      %dma_wait3A_51 = arith.constant 0 : i32
      %dma_wait3A_52 = tpu.memref_slice %arg4[%add3A_46, %dma_wait3A_51] : memref<36864x128xf32, #tpu.memory_space<hbm>> -> memref<288x128xf32, #tpu.memory_space<hbm>>
      %dma_wait3A_53 = arith.constant 0 : i32
      %dma_wait3A_54 = tpu.memref_slice %arg4[%add3A_46, %dma_wait3A_53] : memref<36864x128xf32, #tpu.memory_space<hbm>> -> memref<288x128xf32, #tpu.memory_space<hbm>>
      tpu.wait_dma2 semaphore(%run_scoped3A : memref<!tpu.dma_semaphore, #tpu.memory_space<semaphore_mem>>) src(%arg8 : memref<288x128xf32, #tpu.memory_space<vmem>>) dst(%dma_wait3A_54 : memref<288x128xf32, #tpu.memory_space<hbm>>)
      tpu.yield
    }) : () -> ()
    return
  }
}

#map = affine_map<(d0, d1) -> (0, 0)>
#map1 = affine_map<(d0, d1) -> (0)>
module attributes {stable_mosaic.version = 14 : i64} {
  func.func @k(%arg0: i32, %arg1: i32, %arg2: memref<100000x128xf32, #tpu.memory_space<hbm>>, %arg3: memref<204800xi32, #tpu.memory_space<hbm>>, %arg4: memref<49152x128xf32, #tpu.memory_space<hbm>>, %arg5: memref<256xi32, #tpu.memory_space<vmem>>, %arg6: memref<256xi32, #tpu.memory_space<vmem>>, %arg7: memref<256x128xf32, #tpu.memory_space<vmem>>, %arg8: memref<256x128xf32, #tpu.memory_space<vmem>>, %arg9: memref<!tpu.dma_semaphore, #tpu.memory_space<semaphore_mem>>, %arg10: memref<!tpu.dma_semaphore, #tpu.memory_space<semaphore_mem>>) attributes {dimension_semantics = [#tpu.dimension_semantics<core_parallel>, #tpu.dimension_semantics<subcore_parallel>], iteration_bounds = array<i64: 2, 16>, scalar_prefetch = 0 : i64, scratch_operands = 6 : i64, tpu.core_type = #tpu.core_type<sc_vector_subcore>, window_params = [{transform_indices = #map}, {transform_indices = #map1}, {transform_indices = #map}]} {
    %mul3A = arith.constant 2 : i32
    %mul3A_0 = arith.muli %arg1, %mul3A : i32
    %add3A = arith.addi %mul3A_0, %arg0 : i32
    %mul3A_1 = arith.constant 1536 : i32
    %mul3A_2 = arith.muli %add3A, %mul3A_1 : i32
    %add3A_3 = arith.constant 54272 : i32
    %add3A_4 = arith.addi %add3A_3, %mul3A_2 : i32
    "tpu.region"() ({
      %run_scoped3A = tpu.sem_alloc : memref<!tpu.dma_semaphore, #tpu.memory_space<semaphore_mem>>
      %dma_start3A_71 = tpu.memref_slice %arg3[%add3A_4] : memref<204800xi32, #tpu.memory_space<hbm>> -> memref<256xi32, #tpu.memory_space<hbm>>
      %dma_start3A_72 = tpu.memref_slice %arg3[%add3A_4] : memref<204800xi32, #tpu.memory_space<hbm>> -> memref<256xi32, #tpu.memory_space<hbm>>
      tpu.enqueue_dma source(%dma_start3A_72 : memref<256xi32, #tpu.memory_space<hbm>>) target(%arg5 : memref<256xi32, #tpu.memory_space<vmem>>) target_semaphore(%run_scoped3A : memref<!tpu.dma_semaphore, #tpu.memory_space<semaphore_mem>>)
      %dma_wait3A_73 = tpu.memref_slice %arg3[%add3A_4] : memref<204800xi32, #tpu.memory_space<hbm>> -> memref<256xi32, #tpu.memory_space<hbm>>
      %dma_wait3A_74 = tpu.memref_slice %arg3[%add3A_4] : memref<204800xi32, #tpu.memory_space<hbm>> -> memref<256xi32, #tpu.memory_space<hbm>>
      tpu.wait_dma2 semaphore(%run_scoped3A : memref<!tpu.dma_semaphore, #tpu.memory_space<semaphore_mem>>) src(%dma_wait3A_74 : memref<256xi32, #tpu.memory_space<hbm>>) dst(%arg5 : memref<256xi32, #tpu.memory_space<vmem>>)
      tpu.yield
    }) : () -> ()
    %dma_start3A = arith.constant 0 : i32
    %dma_start3A_5 = arith.constant 0 : i32
    %dma_start3A_6 = tpu.memref_slice %arg2[%dma_start3A, %dma_start3A_5] : memref<100000x128xf32, #tpu.memory_space<hbm>> -> memref<100000x128xf32, #tpu.memory_space<hbm>>
    tpu.enqueue_indirect_dma source(%dma_start3A_6 : memref<100000x128xf32, #tpu.memory_space<hbm>>) target(%arg7 : memref<256x128xf32, #tpu.memory_space<vmem>>) offsets(%arg5 : memref<256xi32, #tpu.memory_space<vmem>>) semaphore(%arg9 : memref<!tpu.dma_semaphore, #tpu.memory_space<semaphore_mem>>)
    %add3A_7 = arith.constant 54272 : i32
    %add3A_8 = arith.addi %add3A_7, %mul3A_2 : i32
    %add3A_9 = arith.constant 256 : i32
    %add3A_10 = arith.addi %add3A_8, %add3A_9 : i32
    "tpu.region"() ({
      %run_scoped3A = tpu.sem_alloc : memref<!tpu.dma_semaphore, #tpu.memory_space<semaphore_mem>>
      %dma_start3A_71 = tpu.memref_slice %arg3[%add3A_10] : memref<204800xi32, #tpu.memory_space<hbm>> -> memref<256xi32, #tpu.memory_space<hbm>>
      %dma_start3A_72 = tpu.memref_slice %arg3[%add3A_10] : memref<204800xi32, #tpu.memory_space<hbm>> -> memref<256xi32, #tpu.memory_space<hbm>>
      tpu.enqueue_dma source(%dma_start3A_72 : memref<256xi32, #tpu.memory_space<hbm>>) target(%arg6 : memref<256xi32, #tpu.memory_space<vmem>>) target_semaphore(%run_scoped3A : memref<!tpu.dma_semaphore, #tpu.memory_space<semaphore_mem>>)
      %dma_wait3A_73 = tpu.memref_slice %arg3[%add3A_10] : memref<204800xi32, #tpu.memory_space<hbm>> -> memref<256xi32, #tpu.memory_space<hbm>>
      %dma_wait3A_74 = tpu.memref_slice %arg3[%add3A_10] : memref<204800xi32, #tpu.memory_space<hbm>> -> memref<256xi32, #tpu.memory_space<hbm>>
      tpu.wait_dma2 semaphore(%run_scoped3A : memref<!tpu.dma_semaphore, #tpu.memory_space<semaphore_mem>>) src(%dma_wait3A_74 : memref<256xi32, #tpu.memory_space<hbm>>) dst(%arg6 : memref<256xi32, #tpu.memory_space<vmem>>)
      tpu.yield
    }) : () -> ()
    %dma_start3A_11 = arith.constant 0 : i32
    %dma_start3A_12 = arith.constant 0 : i32
    %dma_start3A_13 = tpu.memref_slice %arg2[%dma_start3A_11, %dma_start3A_12] : memref<100000x128xf32, #tpu.memory_space<hbm>> -> memref<100000x128xf32, #tpu.memory_space<hbm>>
    tpu.enqueue_indirect_dma source(%dma_start3A_13 : memref<100000x128xf32, #tpu.memory_space<hbm>>) target(%arg8 : memref<256x128xf32, #tpu.memory_space<vmem>>) offsets(%arg6 : memref<256xi32, #tpu.memory_space<vmem>>) semaphore(%arg10 : memref<!tpu.dma_semaphore, #tpu.memory_space<semaphore_mem>>)
    %dma_wait3A = arith.constant 0 : i32
    %dma_wait3A_14 = arith.constant 0 : i32
    %dma_wait3A_15 = tpu.memref_slice %arg2[%dma_wait3A, %dma_wait3A_14] : memref<100000x128xf32, #tpu.memory_space<hbm>> -> memref<100000x128xf32, #tpu.memory_space<hbm>>
    tpu.wait_indirect_dma semaphore(%arg9 : memref<!tpu.dma_semaphore, #tpu.memory_space<semaphore_mem>>) src(%dma_wait3A_15 : memref<100000x128xf32, #tpu.memory_space<hbm>>) dst(%arg7 : memref<256x128xf32, #tpu.memory_space<vmem>>)
    %add3A_16 = arith.constant 0 : i32
    %add3A_17 = arith.addi %mul3A_2, %add3A_16 : i32
    "tpu.region"() ({
      %run_scoped3A = tpu.sem_alloc : memref<!tpu.dma_semaphore, #tpu.memory_space<semaphore_mem>>
      %dma_start3A_71 = arith.constant 0 : i32
      %dma_start3A_72 = tpu.memref_slice %arg4[%add3A_17, %dma_start3A_71] : memref<49152x128xf32, #tpu.memory_space<hbm>> -> memref<256x128xf32, #tpu.memory_space<hbm>>
      %dma_start3A_73 = arith.constant 0 : i32
      %dma_start3A_74 = tpu.memref_slice %arg4[%add3A_17, %dma_start3A_73] : memref<49152x128xf32, #tpu.memory_space<hbm>> -> memref<256x128xf32, #tpu.memory_space<hbm>>
      tpu.enqueue_dma source(%arg7 : memref<256x128xf32, #tpu.memory_space<vmem>>) target(%dma_start3A_74 : memref<256x128xf32, #tpu.memory_space<hbm>>) target_semaphore(%run_scoped3A : memref<!tpu.dma_semaphore, #tpu.memory_space<semaphore_mem>>)
      %dma_wait3A_75 = arith.constant 0 : i32
      %dma_wait3A_76 = tpu.memref_slice %arg4[%add3A_17, %dma_wait3A_75] : memref<49152x128xf32, #tpu.memory_space<hbm>> -> memref<256x128xf32, #tpu.memory_space<hbm>>
      %dma_wait3A_77 = arith.constant 0 : i32
      %dma_wait3A_78 = tpu.memref_slice %arg4[%add3A_17, %dma_wait3A_77] : memref<49152x128xf32, #tpu.memory_space<hbm>> -> memref<256x128xf32, #tpu.memory_space<hbm>>
      tpu.wait_dma2 semaphore(%run_scoped3A : memref<!tpu.dma_semaphore, #tpu.memory_space<semaphore_mem>>) src(%arg7 : memref<256x128xf32, #tpu.memory_space<vmem>>) dst(%dma_wait3A_78 : memref<256x128xf32, #tpu.memory_space<hbm>>)
      tpu.yield
    }) : () -> ()
    %add3A_18 = arith.constant 54272 : i32
    %add3A_19 = arith.addi %add3A_18, %mul3A_2 : i32
    %add3A_20 = arith.constant 512 : i32
    %add3A_21 = arith.addi %add3A_19, %add3A_20 : i32
    "tpu.region"() ({
      %run_scoped3A = tpu.sem_alloc : memref<!tpu.dma_semaphore, #tpu.memory_space<semaphore_mem>>
      %dma_start3A_71 = tpu.memref_slice %arg3[%add3A_21] : memref<204800xi32, #tpu.memory_space<hbm>> -> memref<256xi32, #tpu.memory_space<hbm>>
      %dma_start3A_72 = tpu.memref_slice %arg3[%add3A_21] : memref<204800xi32, #tpu.memory_space<hbm>> -> memref<256xi32, #tpu.memory_space<hbm>>
      tpu.enqueue_dma source(%dma_start3A_72 : memref<256xi32, #tpu.memory_space<hbm>>) target(%arg5 : memref<256xi32, #tpu.memory_space<vmem>>) target_semaphore(%run_scoped3A : memref<!tpu.dma_semaphore, #tpu.memory_space<semaphore_mem>>)
      %dma_wait3A_73 = tpu.memref_slice %arg3[%add3A_21] : memref<204800xi32, #tpu.memory_space<hbm>> -> memref<256xi32, #tpu.memory_space<hbm>>
      %dma_wait3A_74 = tpu.memref_slice %arg3[%add3A_21] : memref<204800xi32, #tpu.memory_space<hbm>> -> memref<256xi32, #tpu.memory_space<hbm>>
      tpu.wait_dma2 semaphore(%run_scoped3A : memref<!tpu.dma_semaphore, #tpu.memory_space<semaphore_mem>>) src(%dma_wait3A_74 : memref<256xi32, #tpu.memory_space<hbm>>) dst(%arg5 : memref<256xi32, #tpu.memory_space<vmem>>)
      tpu.yield
    }) : () -> ()
    %dma_start3A_22 = arith.constant 0 : i32
    %dma_start3A_23 = arith.constant 0 : i32
    %dma_start3A_24 = tpu.memref_slice %arg2[%dma_start3A_22, %dma_start3A_23] : memref<100000x128xf32, #tpu.memory_space<hbm>> -> memref<100000x128xf32, #tpu.memory_space<hbm>>
    tpu.enqueue_indirect_dma source(%dma_start3A_24 : memref<100000x128xf32, #tpu.memory_space<hbm>>) target(%arg7 : memref<256x128xf32, #tpu.memory_space<vmem>>) offsets(%arg5 : memref<256xi32, #tpu.memory_space<vmem>>) semaphore(%arg9 : memref<!tpu.dma_semaphore, #tpu.memory_space<semaphore_mem>>)
    %dma_wait3A_25 = arith.constant 0 : i32
    %dma_wait3A_26 = arith.constant 0 : i32
    %dma_wait3A_27 = tpu.memref_slice %arg2[%dma_wait3A_25, %dma_wait3A_26] : memref<100000x128xf32, #tpu.memory_space<hbm>> -> memref<100000x128xf32, #tpu.memory_space<hbm>>
    tpu.wait_indirect_dma semaphore(%arg10 : memref<!tpu.dma_semaphore, #tpu.memory_space<semaphore_mem>>) src(%dma_wait3A_27 : memref<100000x128xf32, #tpu.memory_space<hbm>>) dst(%arg8 : memref<256x128xf32, #tpu.memory_space<vmem>>)
    %add3A_28 = arith.constant 256 : i32
    %add3A_29 = arith.addi %mul3A_2, %add3A_28 : i32
    "tpu.region"() ({
      %run_scoped3A = tpu.sem_alloc : memref<!tpu.dma_semaphore, #tpu.memory_space<semaphore_mem>>
      %dma_start3A_71 = arith.constant 0 : i32
      %dma_start3A_72 = tpu.memref_slice %arg4[%add3A_29, %dma_start3A_71] : memref<49152x128xf32, #tpu.memory_space<hbm>> -> memref<256x128xf32, #tpu.memory_space<hbm>>
      %dma_start3A_73 = arith.constant 0 : i32
      %dma_start3A_74 = tpu.memref_slice %arg4[%add3A_29, %dma_start3A_73] : memref<49152x128xf32, #tpu.memory_space<hbm>> -> memref<256x128xf32, #tpu.memory_space<hbm>>
      tpu.enqueue_dma source(%arg8 : memref<256x128xf32, #tpu.memory_space<vmem>>) target(%dma_start3A_74 : memref<256x128xf32, #tpu.memory_space<hbm>>) target_semaphore(%run_scoped3A : memref<!tpu.dma_semaphore, #tpu.memory_space<semaphore_mem>>)
      %dma_wait3A_75 = arith.constant 0 : i32
      %dma_wait3A_76 = tpu.memref_slice %arg4[%add3A_29, %dma_wait3A_75] : memref<49152x128xf32, #tpu.memory_space<hbm>> -> memref<256x128xf32, #tpu.memory_space<hbm>>
      %dma_wait3A_77 = arith.constant 0 : i32
      %dma_wait3A_78 = tpu.memref_slice %arg4[%add3A_29, %dma_wait3A_77] : memref<49152x128xf32, #tpu.memory_space<hbm>> -> memref<256x128xf32, #tpu.memory_space<hbm>>
      tpu.wait_dma2 semaphore(%run_scoped3A : memref<!tpu.dma_semaphore, #tpu.memory_space<semaphore_mem>>) src(%arg8 : memref<256x128xf32, #tpu.memory_space<vmem>>) dst(%dma_wait3A_78 : memref<256x128xf32, #tpu.memory_space<hbm>>)
      tpu.yield
    }) : () -> ()
    %add3A_30 = arith.constant 54272 : i32
    %add3A_31 = arith.addi %add3A_30, %mul3A_2 : i32
    %add3A_32 = arith.constant 768 : i32
    %add3A_33 = arith.addi %add3A_31, %add3A_32 : i32
    "tpu.region"() ({
      %run_scoped3A = tpu.sem_alloc : memref<!tpu.dma_semaphore, #tpu.memory_space<semaphore_mem>>
      %dma_start3A_71 = tpu.memref_slice %arg3[%add3A_33] : memref<204800xi32, #tpu.memory_space<hbm>> -> memref<256xi32, #tpu.memory_space<hbm>>
      %dma_start3A_72 = tpu.memref_slice %arg3[%add3A_33] : memref<204800xi32, #tpu.memory_space<hbm>> -> memref<256xi32, #tpu.memory_space<hbm>>
      tpu.enqueue_dma source(%dma_start3A_72 : memref<256xi32, #tpu.memory_space<hbm>>) target(%arg6 : memref<256xi32, #tpu.memory_space<vmem>>) target_semaphore(%run_scoped3A : memref<!tpu.dma_semaphore, #tpu.memory_space<semaphore_mem>>)
      %dma_wait3A_73 = tpu.memref_slice %arg3[%add3A_33] : memref<204800xi32, #tpu.memory_space<hbm>> -> memref<256xi32, #tpu.memory_space<hbm>>
      %dma_wait3A_74 = tpu.memref_slice %arg3[%add3A_33] : memref<204800xi32, #tpu.memory_space<hbm>> -> memref<256xi32, #tpu.memory_space<hbm>>
      tpu.wait_dma2 semaphore(%run_scoped3A : memref<!tpu.dma_semaphore, #tpu.memory_space<semaphore_mem>>) src(%dma_wait3A_74 : memref<256xi32, #tpu.memory_space<hbm>>) dst(%arg6 : memref<256xi32, #tpu.memory_space<vmem>>)
      tpu.yield
    }) : () -> ()
    %dma_start3A_34 = arith.constant 0 : i32
    %dma_start3A_35 = arith.constant 0 : i32
    %dma_start3A_36 = tpu.memref_slice %arg2[%dma_start3A_34, %dma_start3A_35] : memref<100000x128xf32, #tpu.memory_space<hbm>> -> memref<100000x128xf32, #tpu.memory_space<hbm>>
    tpu.enqueue_indirect_dma source(%dma_start3A_36 : memref<100000x128xf32, #tpu.memory_space<hbm>>) target(%arg8 : memref<256x128xf32, #tpu.memory_space<vmem>>) offsets(%arg6 : memref<256xi32, #tpu.memory_space<vmem>>) semaphore(%arg10 : memref<!tpu.dma_semaphore, #tpu.memory_space<semaphore_mem>>)
    %dma_wait3A_37 = arith.constant 0 : i32
    %dma_wait3A_38 = arith.constant 0 : i32
    %dma_wait3A_39 = tpu.memref_slice %arg2[%dma_wait3A_37, %dma_wait3A_38] : memref<100000x128xf32, #tpu.memory_space<hbm>> -> memref<100000x128xf32, #tpu.memory_space<hbm>>
    tpu.wait_indirect_dma semaphore(%arg9 : memref<!tpu.dma_semaphore, #tpu.memory_space<semaphore_mem>>) src(%dma_wait3A_39 : memref<100000x128xf32, #tpu.memory_space<hbm>>) dst(%arg7 : memref<256x128xf32, #tpu.memory_space<vmem>>)
    %add3A_40 = arith.constant 512 : i32
    %add3A_41 = arith.addi %mul3A_2, %add3A_40 : i32
    "tpu.region"() ({
      %run_scoped3A = tpu.sem_alloc : memref<!tpu.dma_semaphore, #tpu.memory_space<semaphore_mem>>
      %dma_start3A_71 = arith.constant 0 : i32
      %dma_start3A_72 = tpu.memref_slice %arg4[%add3A_41, %dma_start3A_71] : memref<49152x128xf32, #tpu.memory_space<hbm>> -> memref<256x128xf32, #tpu.memory_space<hbm>>
      %dma_start3A_73 = arith.constant 0 : i32
      %dma_start3A_74 = tpu.memref_slice %arg4[%add3A_41, %dma_start3A_73] : memref<49152x128xf32, #tpu.memory_space<hbm>> -> memref<256x128xf32, #tpu.memory_space<hbm>>
      tpu.enqueue_dma source(%arg7 : memref<256x128xf32, #tpu.memory_space<vmem>>) target(%dma_start3A_74 : memref<256x128xf32, #tpu.memory_space<hbm>>) target_semaphore(%run_scoped3A : memref<!tpu.dma_semaphore, #tpu.memory_space<semaphore_mem>>)
      %dma_wait3A_75 = arith.constant 0 : i32
      %dma_wait3A_76 = tpu.memref_slice %arg4[%add3A_41, %dma_wait3A_75] : memref<49152x128xf32, #tpu.memory_space<hbm>> -> memref<256x128xf32, #tpu.memory_space<hbm>>
      %dma_wait3A_77 = arith.constant 0 : i32
      %dma_wait3A_78 = tpu.memref_slice %arg4[%add3A_41, %dma_wait3A_77] : memref<49152x128xf32, #tpu.memory_space<hbm>> -> memref<256x128xf32, #tpu.memory_space<hbm>>
      tpu.wait_dma2 semaphore(%run_scoped3A : memref<!tpu.dma_semaphore, #tpu.memory_space<semaphore_mem>>) src(%arg7 : memref<256x128xf32, #tpu.memory_space<vmem>>) dst(%dma_wait3A_78 : memref<256x128xf32, #tpu.memory_space<hbm>>)
      tpu.yield
    }) : () -> ()
    %add3A_42 = arith.constant 54272 : i32
    %add3A_43 = arith.addi %add3A_42, %mul3A_2 : i32
    %add3A_44 = arith.constant 1024 : i32
    %add3A_45 = arith.addi %add3A_43, %add3A_44 : i32
    "tpu.region"() ({
      %run_scoped3A = tpu.sem_alloc : memref<!tpu.dma_semaphore, #tpu.memory_space<semaphore_mem>>
      %dma_start3A_71 = tpu.memref_slice %arg3[%add3A_45] : memref<204800xi32, #tpu.memory_space<hbm>> -> memref<256xi32, #tpu.memory_space<hbm>>
      %dma_start3A_72 = tpu.memref_slice %arg3[%add3A_45] : memref<204800xi32, #tpu.memory_space<hbm>> -> memref<256xi32, #tpu.memory_space<hbm>>
      tpu.enqueue_dma source(%dma_start3A_72 : memref<256xi32, #tpu.memory_space<hbm>>) target(%arg5 : memref<256xi32, #tpu.memory_space<vmem>>) target_semaphore(%run_scoped3A : memref<!tpu.dma_semaphore, #tpu.memory_space<semaphore_mem>>)
      %dma_wait3A_73 = tpu.memref_slice %arg3[%add3A_45] : memref<204800xi32, #tpu.memory_space<hbm>> -> memref<256xi32, #tpu.memory_space<hbm>>
      %dma_wait3A_74 = tpu.memref_slice %arg3[%add3A_45] : memref<204800xi32, #tpu.memory_space<hbm>> -> memref<256xi32, #tpu.memory_space<hbm>>
      tpu.wait_dma2 semaphore(%run_scoped3A : memref<!tpu.dma_semaphore, #tpu.memory_space<semaphore_mem>>) src(%dma_wait3A_74 : memref<256xi32, #tpu.memory_space<hbm>>) dst(%arg5 : memref<256xi32, #tpu.memory_space<vmem>>)
      tpu.yield
    }) : () -> ()
    %dma_start3A_46 = arith.constant 0 : i32
    %dma_start3A_47 = arith.constant 0 : i32
    %dma_start3A_48 = tpu.memref_slice %arg2[%dma_start3A_46, %dma_start3A_47] : memref<100000x128xf32, #tpu.memory_space<hbm>> -> memref<100000x128xf32, #tpu.memory_space<hbm>>
    tpu.enqueue_indirect_dma source(%dma_start3A_48 : memref<100000x128xf32, #tpu.memory_space<hbm>>) target(%arg7 : memref<256x128xf32, #tpu.memory_space<vmem>>) offsets(%arg5 : memref<256xi32, #tpu.memory_space<vmem>>) semaphore(%arg9 : memref<!tpu.dma_semaphore, #tpu.memory_space<semaphore_mem>>)
    %dma_wait3A_49 = arith.constant 0 : i32
    %dma_wait3A_50 = arith.constant 0 : i32
    %dma_wait3A_51 = tpu.memref_slice %arg2[%dma_wait3A_49, %dma_wait3A_50] : memref<100000x128xf32, #tpu.memory_space<hbm>> -> memref<100000x128xf32, #tpu.memory_space<hbm>>
    tpu.wait_indirect_dma semaphore(%arg10 : memref<!tpu.dma_semaphore, #tpu.memory_space<semaphore_mem>>) src(%dma_wait3A_51 : memref<100000x128xf32, #tpu.memory_space<hbm>>) dst(%arg8 : memref<256x128xf32, #tpu.memory_space<vmem>>)
    %add3A_52 = arith.constant 768 : i32
    %add3A_53 = arith.addi %mul3A_2, %add3A_52 : i32
    "tpu.region"() ({
      %run_scoped3A = tpu.sem_alloc : memref<!tpu.dma_semaphore, #tpu.memory_space<semaphore_mem>>
      %dma_start3A_71 = arith.constant 0 : i32
      %dma_start3A_72 = tpu.memref_slice %arg4[%add3A_53, %dma_start3A_71] : memref<49152x128xf32, #tpu.memory_space<hbm>> -> memref<256x128xf32, #tpu.memory_space<hbm>>
      %dma_start3A_73 = arith.constant 0 : i32
      %dma_start3A_74 = tpu.memref_slice %arg4[%add3A_53, %dma_start3A_73] : memref<49152x128xf32, #tpu.memory_space<hbm>> -> memref<256x128xf32, #tpu.memory_space<hbm>>
      tpu.enqueue_dma source(%arg8 : memref<256x128xf32, #tpu.memory_space<vmem>>) target(%dma_start3A_74 : memref<256x128xf32, #tpu.memory_space<hbm>>) target_semaphore(%run_scoped3A : memref<!tpu.dma_semaphore, #tpu.memory_space<semaphore_mem>>)
      %dma_wait3A_75 = arith.constant 0 : i32
      %dma_wait3A_76 = tpu.memref_slice %arg4[%add3A_53, %dma_wait3A_75] : memref<49152x128xf32, #tpu.memory_space<hbm>> -> memref<256x128xf32, #tpu.memory_space<hbm>>
      %dma_wait3A_77 = arith.constant 0 : i32
      %dma_wait3A_78 = tpu.memref_slice %arg4[%add3A_53, %dma_wait3A_77] : memref<49152x128xf32, #tpu.memory_space<hbm>> -> memref<256x128xf32, #tpu.memory_space<hbm>>
      tpu.wait_dma2 semaphore(%run_scoped3A : memref<!tpu.dma_semaphore, #tpu.memory_space<semaphore_mem>>) src(%arg8 : memref<256x128xf32, #tpu.memory_space<vmem>>) dst(%dma_wait3A_78 : memref<256x128xf32, #tpu.memory_space<hbm>>)
      tpu.yield
    }) : () -> ()
    %add3A_54 = arith.constant 54272 : i32
    %add3A_55 = arith.addi %add3A_54, %mul3A_2 : i32
    %add3A_56 = arith.constant 1280 : i32
    %add3A_57 = arith.addi %add3A_55, %add3A_56 : i32
    "tpu.region"() ({
      %run_scoped3A = tpu.sem_alloc : memref<!tpu.dma_semaphore, #tpu.memory_space<semaphore_mem>>
      %dma_start3A_71 = tpu.memref_slice %arg3[%add3A_57] : memref<204800xi32, #tpu.memory_space<hbm>> -> memref<256xi32, #tpu.memory_space<hbm>>
      %dma_start3A_72 = tpu.memref_slice %arg3[%add3A_57] : memref<204800xi32, #tpu.memory_space<hbm>> -> memref<256xi32, #tpu.memory_space<hbm>>
      tpu.enqueue_dma source(%dma_start3A_72 : memref<256xi32, #tpu.memory_space<hbm>>) target(%arg6 : memref<256xi32, #tpu.memory_space<vmem>>) target_semaphore(%run_scoped3A : memref<!tpu.dma_semaphore, #tpu.memory_space<semaphore_mem>>)
      %dma_wait3A_73 = tpu.memref_slice %arg3[%add3A_57] : memref<204800xi32, #tpu.memory_space<hbm>> -> memref<256xi32, #tpu.memory_space<hbm>>
      %dma_wait3A_74 = tpu.memref_slice %arg3[%add3A_57] : memref<204800xi32, #tpu.memory_space<hbm>> -> memref<256xi32, #tpu.memory_space<hbm>>
      tpu.wait_dma2 semaphore(%run_scoped3A : memref<!tpu.dma_semaphore, #tpu.memory_space<semaphore_mem>>) src(%dma_wait3A_74 : memref<256xi32, #tpu.memory_space<hbm>>) dst(%arg6 : memref<256xi32, #tpu.memory_space<vmem>>)
      tpu.yield
    }) : () -> ()
    %dma_start3A_58 = arith.constant 0 : i32
    %dma_start3A_59 = arith.constant 0 : i32
    %dma_start3A_60 = tpu.memref_slice %arg2[%dma_start3A_58, %dma_start3A_59] : memref<100000x128xf32, #tpu.memory_space<hbm>> -> memref<100000x128xf32, #tpu.memory_space<hbm>>
    tpu.enqueue_indirect_dma source(%dma_start3A_60 : memref<100000x128xf32, #tpu.memory_space<hbm>>) target(%arg8 : memref<256x128xf32, #tpu.memory_space<vmem>>) offsets(%arg6 : memref<256xi32, #tpu.memory_space<vmem>>) semaphore(%arg10 : memref<!tpu.dma_semaphore, #tpu.memory_space<semaphore_mem>>)
    %dma_wait3A_61 = arith.constant 0 : i32
    %dma_wait3A_62 = arith.constant 0 : i32
    %dma_wait3A_63 = tpu.memref_slice %arg2[%dma_wait3A_61, %dma_wait3A_62] : memref<100000x128xf32, #tpu.memory_space<hbm>> -> memref<100000x128xf32, #tpu.memory_space<hbm>>
    tpu.wait_indirect_dma semaphore(%arg9 : memref<!tpu.dma_semaphore, #tpu.memory_space<semaphore_mem>>) src(%dma_wait3A_63 : memref<100000x128xf32, #tpu.memory_space<hbm>>) dst(%arg7 : memref<256x128xf32, #tpu.memory_space<vmem>>)
    %add3A_64 = arith.constant 1024 : i32
    %add3A_65 = arith.addi %mul3A_2, %add3A_64 : i32
    "tpu.region"() ({
      %run_scoped3A = tpu.sem_alloc : memref<!tpu.dma_semaphore, #tpu.memory_space<semaphore_mem>>
      %dma_start3A_71 = arith.constant 0 : i32
      %dma_start3A_72 = tpu.memref_slice %arg4[%add3A_65, %dma_start3A_71] : memref<49152x128xf32, #tpu.memory_space<hbm>> -> memref<256x128xf32, #tpu.memory_space<hbm>>
      %dma_start3A_73 = arith.constant 0 : i32
      %dma_start3A_74 = tpu.memref_slice %arg4[%add3A_65, %dma_start3A_73] : memref<49152x128xf32, #tpu.memory_space<hbm>> -> memref<256x128xf32, #tpu.memory_space<hbm>>
      tpu.enqueue_dma source(%arg7 : memref<256x128xf32, #tpu.memory_space<vmem>>) target(%dma_start3A_74 : memref<256x128xf32, #tpu.memory_space<hbm>>) target_semaphore(%run_scoped3A : memref<!tpu.dma_semaphore, #tpu.memory_space<semaphore_mem>>)
      %dma_wait3A_75 = arith.constant 0 : i32
      %dma_wait3A_76 = tpu.memref_slice %arg4[%add3A_65, %dma_wait3A_75] : memref<49152x128xf32, #tpu.memory_space<hbm>> -> memref<256x128xf32, #tpu.memory_space<hbm>>
      %dma_wait3A_77 = arith.constant 0 : i32
      %dma_wait3A_78 = tpu.memref_slice %arg4[%add3A_65, %dma_wait3A_77] : memref<49152x128xf32, #tpu.memory_space<hbm>> -> memref<256x128xf32, #tpu.memory_space<hbm>>
      tpu.wait_dma2 semaphore(%run_scoped3A : memref<!tpu.dma_semaphore, #tpu.memory_space<semaphore_mem>>) src(%arg7 : memref<256x128xf32, #tpu.memory_space<vmem>>) dst(%dma_wait3A_78 : memref<256x128xf32, #tpu.memory_space<hbm>>)
      tpu.yield
    }) : () -> ()
    %dma_wait3A_66 = arith.constant 0 : i32
    %dma_wait3A_67 = arith.constant 0 : i32
    %dma_wait3A_68 = tpu.memref_slice %arg2[%dma_wait3A_66, %dma_wait3A_67] : memref<100000x128xf32, #tpu.memory_space<hbm>> -> memref<100000x128xf32, #tpu.memory_space<hbm>>
    tpu.wait_indirect_dma semaphore(%arg10 : memref<!tpu.dma_semaphore, #tpu.memory_space<semaphore_mem>>) src(%dma_wait3A_68 : memref<100000x128xf32, #tpu.memory_space<hbm>>) dst(%arg8 : memref<256x128xf32, #tpu.memory_space<vmem>>)
    %add3A_69 = arith.constant 1280 : i32
    %add3A_70 = arith.addi %mul3A_2, %add3A_69 : i32
    "tpu.region"() ({
      %run_scoped3A = tpu.sem_alloc : memref<!tpu.dma_semaphore, #tpu.memory_space<semaphore_mem>>
      %dma_start3A_71 = arith.constant 0 : i32
      %dma_start3A_72 = tpu.memref_slice %arg4[%add3A_70, %dma_start3A_71] : memref<49152x128xf32, #tpu.memory_space<hbm>> -> memref<256x128xf32, #tpu.memory_space<hbm>>
      %dma_start3A_73 = arith.constant 0 : i32
      %dma_start3A_74 = tpu.memref_slice %arg4[%add3A_70, %dma_start3A_73] : memref<49152x128xf32, #tpu.memory_space<hbm>> -> memref<256x128xf32, #tpu.memory_space<hbm>>
      tpu.enqueue_dma source(%arg8 : memref<256x128xf32, #tpu.memory_space<vmem>>) target(%dma_start3A_74 : memref<256x128xf32, #tpu.memory_space<hbm>>) target_semaphore(%run_scoped3A : memref<!tpu.dma_semaphore, #tpu.memory_space<semaphore_mem>>)
      %dma_wait3A_75 = arith.constant 0 : i32
      %dma_wait3A_76 = tpu.memref_slice %arg4[%add3A_70, %dma_wait3A_75] : memref<49152x128xf32, #tpu.memory_space<hbm>> -> memref<256x128xf32, #tpu.memory_space<hbm>>
      %dma_wait3A_77 = arith.constant 0 : i32
      %dma_wait3A_78 = tpu.memref_slice %arg4[%add3A_70, %dma_wait3A_77] : memref<49152x128xf32, #tpu.memory_space<hbm>> -> memref<256x128xf32, #tpu.memory_space<hbm>>
      tpu.wait_dma2 semaphore(%run_scoped3A : memref<!tpu.dma_semaphore, #tpu.memory_space<semaphore_mem>>) src(%arg8 : memref<256x128xf32, #tpu.memory_space<vmem>>) dst(%dma_wait3A_78 : memref<256x128xf32, #tpu.memory_space<hbm>>)
      tpu.yield
    }) : () -> ()
    return
  }
}

#map = affine_map<(d0, d1) -> (0, 0)>
#map1 = affine_map<(d0, d1) -> (0)>
module attributes {stable_mosaic.version = 14 : i64} {
  func.func @k(%arg0: i32, %arg1: i32, %arg2: memref<100000x128xf32, #tpu.memory_space<hbm>>, %arg3: memref<204800xi32, #tpu.memory_space<hbm>>, %arg4: memref<2048x128xf32, #tpu.memory_space<hbm>>, %arg5: memref<64xi32, #tpu.memory_space<vmem>>, %arg6: memref<64xi32, #tpu.memory_space<vmem>>, %arg7: memref<64x128xf32, #tpu.memory_space<vmem>>, %arg8: memref<64x128xf32, #tpu.memory_space<vmem>>, %arg9: memref<!tpu.dma_semaphore, #tpu.memory_space<semaphore_mem>>, %arg10: memref<!tpu.dma_semaphore, #tpu.memory_space<semaphore_mem>>) attributes {dimension_semantics = [#tpu.dimension_semantics<core_parallel>, #tpu.dimension_semantics<subcore_parallel>], iteration_bounds = array<i64: 2, 16>, scalar_prefetch = 0 : i64, scratch_operands = 6 : i64, tpu.core_type = #tpu.core_type<sc_vector_subcore>, window_params = [{transform_indices = #map}, {transform_indices = #map1}, {transform_indices = #map}]} {
    %mul3A = arith.constant 2 : i32
    %mul3A_0 = arith.muli %arg1, %mul3A : i32
    %add3A = arith.addi %mul3A_0, %arg0 : i32
    %mul3A_1 = arith.constant 64 : i32
    %mul3A_2 = arith.muli %add3A, %mul3A_1 : i32
    %add3A_3 = arith.constant 0 : i32
    %add3A_4 = arith.addi %add3A_3, %mul3A_2 : i32
    "tpu.region"() ({
      %run_scoped3A = tpu.sem_alloc : memref<!tpu.dma_semaphore, #tpu.memory_space<semaphore_mem>>
      %dma_start3A_11 = tpu.memref_slice %arg3[%add3A_4] : memref<204800xi32, #tpu.memory_space<hbm>> -> memref<64xi32, #tpu.memory_space<hbm>>
      %dma_start3A_12 = tpu.memref_slice %arg3[%add3A_4] : memref<204800xi32, #tpu.memory_space<hbm>> -> memref<64xi32, #tpu.memory_space<hbm>>
      tpu.enqueue_dma source(%dma_start3A_12 : memref<64xi32, #tpu.memory_space<hbm>>) target(%arg5 : memref<64xi32, #tpu.memory_space<vmem>>) target_semaphore(%run_scoped3A : memref<!tpu.dma_semaphore, #tpu.memory_space<semaphore_mem>>)
      %dma_wait3A_13 = tpu.memref_slice %arg3[%add3A_4] : memref<204800xi32, #tpu.memory_space<hbm>> -> memref<64xi32, #tpu.memory_space<hbm>>
      %dma_wait3A_14 = tpu.memref_slice %arg3[%add3A_4] : memref<204800xi32, #tpu.memory_space<hbm>> -> memref<64xi32, #tpu.memory_space<hbm>>
      tpu.wait_dma2 semaphore(%run_scoped3A : memref<!tpu.dma_semaphore, #tpu.memory_space<semaphore_mem>>) src(%dma_wait3A_14 : memref<64xi32, #tpu.memory_space<hbm>>) dst(%arg5 : memref<64xi32, #tpu.memory_space<vmem>>)
      tpu.yield
    }) : () -> ()
    %dma_start3A = arith.constant 0 : i32
    %dma_start3A_5 = arith.constant 0 : i32
    %dma_start3A_6 = tpu.memref_slice %arg2[%dma_start3A, %dma_start3A_5] : memref<100000x128xf32, #tpu.memory_space<hbm>> -> memref<100000x128xf32, #tpu.memory_space<hbm>>
    tpu.enqueue_indirect_dma source(%dma_start3A_6 : memref<100000x128xf32, #tpu.memory_space<hbm>>) target(%arg7 : memref<64x128xf32, #tpu.memory_space<vmem>>) offsets(%arg5 : memref<64xi32, #tpu.memory_space<vmem>>) semaphore(%arg9 : memref<!tpu.dma_semaphore, #tpu.memory_space<semaphore_mem>>)
    %dma_wait3A = arith.constant 0 : i32
    %dma_wait3A_7 = arith.constant 0 : i32
    %dma_wait3A_8 = tpu.memref_slice %arg2[%dma_wait3A, %dma_wait3A_7] : memref<100000x128xf32, #tpu.memory_space<hbm>> -> memref<100000x128xf32, #tpu.memory_space<hbm>>
    tpu.wait_indirect_dma semaphore(%arg9 : memref<!tpu.dma_semaphore, #tpu.memory_space<semaphore_mem>>) src(%dma_wait3A_8 : memref<100000x128xf32, #tpu.memory_space<hbm>>) dst(%arg7 : memref<64x128xf32, #tpu.memory_space<vmem>>)
    %add3A_9 = arith.constant 0 : i32
    %add3A_10 = arith.addi %mul3A_2, %add3A_9 : i32
    "tpu.region"() ({
      %run_scoped3A = tpu.sem_alloc : memref<!tpu.dma_semaphore, #tpu.memory_space<semaphore_mem>>
      %dma_start3A_11 = arith.constant 0 : i32
      %dma_start3A_12 = tpu.memref_slice %arg4[%add3A_10, %dma_start3A_11] : memref<2048x128xf32, #tpu.memory_space<hbm>> -> memref<64x128xf32, #tpu.memory_space<hbm>>
      %dma_start3A_13 = arith.constant 0 : i32
      %dma_start3A_14 = tpu.memref_slice %arg4[%add3A_10, %dma_start3A_13] : memref<2048x128xf32, #tpu.memory_space<hbm>> -> memref<64x128xf32, #tpu.memory_space<hbm>>
      tpu.enqueue_dma source(%arg7 : memref<64x128xf32, #tpu.memory_space<vmem>>) target(%dma_start3A_14 : memref<64x128xf32, #tpu.memory_space<hbm>>) target_semaphore(%run_scoped3A : memref<!tpu.dma_semaphore, #tpu.memory_space<semaphore_mem>>)
      %dma_wait3A_15 = arith.constant 0 : i32
      %dma_wait3A_16 = tpu.memref_slice %arg4[%add3A_10, %dma_wait3A_15] : memref<2048x128xf32, #tpu.memory_space<hbm>> -> memref<64x128xf32, #tpu.memory_space<hbm>>
      %dma_wait3A_17 = arith.constant 0 : i32
      %dma_wait3A_18 = tpu.memref_slice %arg4[%add3A_10, %dma_wait3A_17] : memref<2048x128xf32, #tpu.memory_space<hbm>> -> memref<64x128xf32, #tpu.memory_space<hbm>>
      tpu.wait_dma2 semaphore(%run_scoped3A : memref<!tpu.dma_semaphore, #tpu.memory_space<semaphore_mem>>) src(%arg7 : memref<64x128xf32, #tpu.memory_space<vmem>>) dst(%dma_wait3A_18 : memref<64x128xf32, #tpu.memory_space<hbm>>)
      tpu.yield
    }) : () -> ()
    return
  }
}

#map = affine_map<(d0, d1) -> (0, 0)>
#map1 = affine_map<(d0, d1) -> (0)>
module attributes {stable_mosaic.version = 14 : i64} {
  func.func @k(%arg0: i32, %arg1: i32, %arg2: memref<100000x128xf32, #tpu.memory_space<hbm>>, %arg3: memref<204800xi32, #tpu.memory_space<hbm>>, %arg4: memref<61440x128xf32, #tpu.memory_space<hbm>>, %arg5: memref<320xi32, #tpu.memory_space<vmem>>, %arg6: memref<320xi32, #tpu.memory_space<vmem>>, %arg7: memref<320x128xf32, #tpu.memory_space<vmem>>, %arg8: memref<320x128xf32, #tpu.memory_space<vmem>>, %arg9: memref<!tpu.dma_semaphore, #tpu.memory_space<semaphore_mem>>, %arg10: memref<!tpu.dma_semaphore, #tpu.memory_space<semaphore_mem>>) attributes {dimension_semantics = [#tpu.dimension_semantics<core_parallel>, #tpu.dimension_semantics<subcore_parallel>], iteration_bounds = array<i64: 2, 16>, scalar_prefetch = 0 : i64, scratch_operands = 6 : i64, tpu.core_type = #tpu.core_type<sc_vector_subcore>, window_params = [{transform_indices = #map}, {transform_indices = #map1}, {transform_indices = #map}]} {
    %mul3A = arith.constant 2 : i32
    %mul3A_0 = arith.muli %arg1, %mul3A : i32
    %add3A = arith.addi %mul3A_0, %arg0 : i32
    %mul3A_1 = arith.constant 1920 : i32
    %mul3A_2 = arith.muli %add3A, %mul3A_1 : i32
    %add3A_3 = arith.constant 103424 : i32
    %add3A_4 = arith.addi %add3A_3, %mul3A_2 : i32
    "tpu.region"() ({
      %run_scoped3A = tpu.sem_alloc : memref<!tpu.dma_semaphore, #tpu.memory_space<semaphore_mem>>
      %dma_start3A_71 = tpu.memref_slice %arg3[%add3A_4] : memref<204800xi32, #tpu.memory_space<hbm>> -> memref<320xi32, #tpu.memory_space<hbm>>
      %dma_start3A_72 = tpu.memref_slice %arg3[%add3A_4] : memref<204800xi32, #tpu.memory_space<hbm>> -> memref<320xi32, #tpu.memory_space<hbm>>
      tpu.enqueue_dma source(%dma_start3A_72 : memref<320xi32, #tpu.memory_space<hbm>>) target(%arg5 : memref<320xi32, #tpu.memory_space<vmem>>) target_semaphore(%run_scoped3A : memref<!tpu.dma_semaphore, #tpu.memory_space<semaphore_mem>>)
      %dma_wait3A_73 = tpu.memref_slice %arg3[%add3A_4] : memref<204800xi32, #tpu.memory_space<hbm>> -> memref<320xi32, #tpu.memory_space<hbm>>
      %dma_wait3A_74 = tpu.memref_slice %arg3[%add3A_4] : memref<204800xi32, #tpu.memory_space<hbm>> -> memref<320xi32, #tpu.memory_space<hbm>>
      tpu.wait_dma2 semaphore(%run_scoped3A : memref<!tpu.dma_semaphore, #tpu.memory_space<semaphore_mem>>) src(%dma_wait3A_74 : memref<320xi32, #tpu.memory_space<hbm>>) dst(%arg5 : memref<320xi32, #tpu.memory_space<vmem>>)
      tpu.yield
    }) : () -> ()
    %dma_start3A = arith.constant 0 : i32
    %dma_start3A_5 = arith.constant 0 : i32
    %dma_start3A_6 = tpu.memref_slice %arg2[%dma_start3A, %dma_start3A_5] : memref<100000x128xf32, #tpu.memory_space<hbm>> -> memref<100000x128xf32, #tpu.memory_space<hbm>>
    tpu.enqueue_indirect_dma source(%dma_start3A_6 : memref<100000x128xf32, #tpu.memory_space<hbm>>) target(%arg7 : memref<320x128xf32, #tpu.memory_space<vmem>>) offsets(%arg5 : memref<320xi32, #tpu.memory_space<vmem>>) semaphore(%arg9 : memref<!tpu.dma_semaphore, #tpu.memory_space<semaphore_mem>>)
    %add3A_7 = arith.constant 103424 : i32
    %add3A_8 = arith.addi %add3A_7, %mul3A_2 : i32
    %add3A_9 = arith.constant 320 : i32
    %add3A_10 = arith.addi %add3A_8, %add3A_9 : i32
    "tpu.region"() ({
      %run_scoped3A = tpu.sem_alloc : memref<!tpu.dma_semaphore, #tpu.memory_space<semaphore_mem>>
      %dma_start3A_71 = tpu.memref_slice %arg3[%add3A_10] : memref<204800xi32, #tpu.memory_space<hbm>> -> memref<320xi32, #tpu.memory_space<hbm>>
      %dma_start3A_72 = tpu.memref_slice %arg3[%add3A_10] : memref<204800xi32, #tpu.memory_space<hbm>> -> memref<320xi32, #tpu.memory_space<hbm>>
      tpu.enqueue_dma source(%dma_start3A_72 : memref<320xi32, #tpu.memory_space<hbm>>) target(%arg6 : memref<320xi32, #tpu.memory_space<vmem>>) target_semaphore(%run_scoped3A : memref<!tpu.dma_semaphore, #tpu.memory_space<semaphore_mem>>)
      %dma_wait3A_73 = tpu.memref_slice %arg3[%add3A_10] : memref<204800xi32, #tpu.memory_space<hbm>> -> memref<320xi32, #tpu.memory_space<hbm>>
      %dma_wait3A_74 = tpu.memref_slice %arg3[%add3A_10] : memref<204800xi32, #tpu.memory_space<hbm>> -> memref<320xi32, #tpu.memory_space<hbm>>
      tpu.wait_dma2 semaphore(%run_scoped3A : memref<!tpu.dma_semaphore, #tpu.memory_space<semaphore_mem>>) src(%dma_wait3A_74 : memref<320xi32, #tpu.memory_space<hbm>>) dst(%arg6 : memref<320xi32, #tpu.memory_space<vmem>>)
      tpu.yield
    }) : () -> ()
    %dma_start3A_11 = arith.constant 0 : i32
    %dma_start3A_12 = arith.constant 0 : i32
    %dma_start3A_13 = tpu.memref_slice %arg2[%dma_start3A_11, %dma_start3A_12] : memref<100000x128xf32, #tpu.memory_space<hbm>> -> memref<100000x128xf32, #tpu.memory_space<hbm>>
    tpu.enqueue_indirect_dma source(%dma_start3A_13 : memref<100000x128xf32, #tpu.memory_space<hbm>>) target(%arg8 : memref<320x128xf32, #tpu.memory_space<vmem>>) offsets(%arg6 : memref<320xi32, #tpu.memory_space<vmem>>) semaphore(%arg10 : memref<!tpu.dma_semaphore, #tpu.memory_space<semaphore_mem>>)
    %dma_wait3A = arith.constant 0 : i32
    %dma_wait3A_14 = arith.constant 0 : i32
    %dma_wait3A_15 = tpu.memref_slice %arg2[%dma_wait3A, %dma_wait3A_14] : memref<100000x128xf32, #tpu.memory_space<hbm>> -> memref<100000x128xf32, #tpu.memory_space<hbm>>
    tpu.wait_indirect_dma semaphore(%arg9 : memref<!tpu.dma_semaphore, #tpu.memory_space<semaphore_mem>>) src(%dma_wait3A_15 : memref<100000x128xf32, #tpu.memory_space<hbm>>) dst(%arg7 : memref<320x128xf32, #tpu.memory_space<vmem>>)
    %add3A_16 = arith.constant 0 : i32
    %add3A_17 = arith.addi %mul3A_2, %add3A_16 : i32
    "tpu.region"() ({
      %run_scoped3A = tpu.sem_alloc : memref<!tpu.dma_semaphore, #tpu.memory_space<semaphore_mem>>
      %dma_start3A_71 = arith.constant 0 : i32
      %dma_start3A_72 = tpu.memref_slice %arg4[%add3A_17, %dma_start3A_71] : memref<61440x128xf32, #tpu.memory_space<hbm>> -> memref<320x128xf32, #tpu.memory_space<hbm>>
      %dma_start3A_73 = arith.constant 0 : i32
      %dma_start3A_74 = tpu.memref_slice %arg4[%add3A_17, %dma_start3A_73] : memref<61440x128xf32, #tpu.memory_space<hbm>> -> memref<320x128xf32, #tpu.memory_space<hbm>>
      tpu.enqueue_dma source(%arg7 : memref<320x128xf32, #tpu.memory_space<vmem>>) target(%dma_start3A_74 : memref<320x128xf32, #tpu.memory_space<hbm>>) target_semaphore(%run_scoped3A : memref<!tpu.dma_semaphore, #tpu.memory_space<semaphore_mem>>)
      %dma_wait3A_75 = arith.constant 0 : i32
      %dma_wait3A_76 = tpu.memref_slice %arg4[%add3A_17, %dma_wait3A_75] : memref<61440x128xf32, #tpu.memory_space<hbm>> -> memref<320x128xf32, #tpu.memory_space<hbm>>
      %dma_wait3A_77 = arith.constant 0 : i32
      %dma_wait3A_78 = tpu.memref_slice %arg4[%add3A_17, %dma_wait3A_77] : memref<61440x128xf32, #tpu.memory_space<hbm>> -> memref<320x128xf32, #tpu.memory_space<hbm>>
      tpu.wait_dma2 semaphore(%run_scoped3A : memref<!tpu.dma_semaphore, #tpu.memory_space<semaphore_mem>>) src(%arg7 : memref<320x128xf32, #tpu.memory_space<vmem>>) dst(%dma_wait3A_78 : memref<320x128xf32, #tpu.memory_space<hbm>>)
      tpu.yield
    }) : () -> ()
    %add3A_18 = arith.constant 103424 : i32
    %add3A_19 = arith.addi %add3A_18, %mul3A_2 : i32
    %add3A_20 = arith.constant 640 : i32
    %add3A_21 = arith.addi %add3A_19, %add3A_20 : i32
    "tpu.region"() ({
      %run_scoped3A = tpu.sem_alloc : memref<!tpu.dma_semaphore, #tpu.memory_space<semaphore_mem>>
      %dma_start3A_71 = tpu.memref_slice %arg3[%add3A_21] : memref<204800xi32, #tpu.memory_space<hbm>> -> memref<320xi32, #tpu.memory_space<hbm>>
      %dma_start3A_72 = tpu.memref_slice %arg3[%add3A_21] : memref<204800xi32, #tpu.memory_space<hbm>> -> memref<320xi32, #tpu.memory_space<hbm>>
      tpu.enqueue_dma source(%dma_start3A_72 : memref<320xi32, #tpu.memory_space<hbm>>) target(%arg5 : memref<320xi32, #tpu.memory_space<vmem>>) target_semaphore(%run_scoped3A : memref<!tpu.dma_semaphore, #tpu.memory_space<semaphore_mem>>)
      %dma_wait3A_73 = tpu.memref_slice %arg3[%add3A_21] : memref<204800xi32, #tpu.memory_space<hbm>> -> memref<320xi32, #tpu.memory_space<hbm>>
      %dma_wait3A_74 = tpu.memref_slice %arg3[%add3A_21] : memref<204800xi32, #tpu.memory_space<hbm>> -> memref<320xi32, #tpu.memory_space<hbm>>
      tpu.wait_dma2 semaphore(%run_scoped3A : memref<!tpu.dma_semaphore, #tpu.memory_space<semaphore_mem>>) src(%dma_wait3A_74 : memref<320xi32, #tpu.memory_space<hbm>>) dst(%arg5 : memref<320xi32, #tpu.memory_space<vmem>>)
      tpu.yield
    }) : () -> ()
    %dma_start3A_22 = arith.constant 0 : i32
    %dma_start3A_23 = arith.constant 0 : i32
    %dma_start3A_24 = tpu.memref_slice %arg2[%dma_start3A_22, %dma_start3A_23] : memref<100000x128xf32, #tpu.memory_space<hbm>> -> memref<100000x128xf32, #tpu.memory_space<hbm>>
    tpu.enqueue_indirect_dma source(%dma_start3A_24 : memref<100000x128xf32, #tpu.memory_space<hbm>>) target(%arg7 : memref<320x128xf32, #tpu.memory_space<vmem>>) offsets(%arg5 : memref<320xi32, #tpu.memory_space<vmem>>) semaphore(%arg9 : memref<!tpu.dma_semaphore, #tpu.memory_space<semaphore_mem>>)
    %dma_wait3A_25 = arith.constant 0 : i32
    %dma_wait3A_26 = arith.constant 0 : i32
    %dma_wait3A_27 = tpu.memref_slice %arg2[%dma_wait3A_25, %dma_wait3A_26] : memref<100000x128xf32, #tpu.memory_space<hbm>> -> memref<100000x128xf32, #tpu.memory_space<hbm>>
    tpu.wait_indirect_dma semaphore(%arg10 : memref<!tpu.dma_semaphore, #tpu.memory_space<semaphore_mem>>) src(%dma_wait3A_27 : memref<100000x128xf32, #tpu.memory_space<hbm>>) dst(%arg8 : memref<320x128xf32, #tpu.memory_space<vmem>>)
    %add3A_28 = arith.constant 320 : i32
    %add3A_29 = arith.addi %mul3A_2, %add3A_28 : i32
    "tpu.region"() ({
      %run_scoped3A = tpu.sem_alloc : memref<!tpu.dma_semaphore, #tpu.memory_space<semaphore_mem>>
      %dma_start3A_71 = arith.constant 0 : i32
      %dma_start3A_72 = tpu.memref_slice %arg4[%add3A_29, %dma_start3A_71] : memref<61440x128xf32, #tpu.memory_space<hbm>> -> memref<320x128xf32, #tpu.memory_space<hbm>>
      %dma_start3A_73 = arith.constant 0 : i32
      %dma_start3A_74 = tpu.memref_slice %arg4[%add3A_29, %dma_start3A_73] : memref<61440x128xf32, #tpu.memory_space<hbm>> -> memref<320x128xf32, #tpu.memory_space<hbm>>
      tpu.enqueue_dma source(%arg8 : memref<320x128xf32, #tpu.memory_space<vmem>>) target(%dma_start3A_74 : memref<320x128xf32, #tpu.memory_space<hbm>>) target_semaphore(%run_scoped3A : memref<!tpu.dma_semaphore, #tpu.memory_space<semaphore_mem>>)
      %dma_wait3A_75 = arith.constant 0 : i32
      %dma_wait3A_76 = tpu.memref_slice %arg4[%add3A_29, %dma_wait3A_75] : memref<61440x128xf32, #tpu.memory_space<hbm>> -> memref<320x128xf32, #tpu.memory_space<hbm>>
      %dma_wait3A_77 = arith.constant 0 : i32
      %dma_wait3A_78 = tpu.memref_slice %arg4[%add3A_29, %dma_wait3A_77] : memref<61440x128xf32, #tpu.memory_space<hbm>> -> memref<320x128xf32, #tpu.memory_space<hbm>>
      tpu.wait_dma2 semaphore(%run_scoped3A : memref<!tpu.dma_semaphore, #tpu.memory_space<semaphore_mem>>) src(%arg8 : memref<320x128xf32, #tpu.memory_space<vmem>>) dst(%dma_wait3A_78 : memref<320x128xf32, #tpu.memory_space<hbm>>)
      tpu.yield
    }) : () -> ()
    %add3A_30 = arith.constant 103424 : i32
    %add3A_31 = arith.addi %add3A_30, %mul3A_2 : i32
    %add3A_32 = arith.constant 960 : i32
    %add3A_33 = arith.addi %add3A_31, %add3A_32 : i32
    "tpu.region"() ({
      %run_scoped3A = tpu.sem_alloc : memref<!tpu.dma_semaphore, #tpu.memory_space<semaphore_mem>>
      %dma_start3A_71 = tpu.memref_slice %arg3[%add3A_33] : memref<204800xi32, #tpu.memory_space<hbm>> -> memref<320xi32, #tpu.memory_space<hbm>>
      %dma_start3A_72 = tpu.memref_slice %arg3[%add3A_33] : memref<204800xi32, #tpu.memory_space<hbm>> -> memref<320xi32, #tpu.memory_space<hbm>>
      tpu.enqueue_dma source(%dma_start3A_72 : memref<320xi32, #tpu.memory_space<hbm>>) target(%arg6 : memref<320xi32, #tpu.memory_space<vmem>>) target_semaphore(%run_scoped3A : memref<!tpu.dma_semaphore, #tpu.memory_space<semaphore_mem>>)
      %dma_wait3A_73 = tpu.memref_slice %arg3[%add3A_33] : memref<204800xi32, #tpu.memory_space<hbm>> -> memref<320xi32, #tpu.memory_space<hbm>>
      %dma_wait3A_74 = tpu.memref_slice %arg3[%add3A_33] : memref<204800xi32, #tpu.memory_space<hbm>> -> memref<320xi32, #tpu.memory_space<hbm>>
      tpu.wait_dma2 semaphore(%run_scoped3A : memref<!tpu.dma_semaphore, #tpu.memory_space<semaphore_mem>>) src(%dma_wait3A_74 : memref<320xi32, #tpu.memory_space<hbm>>) dst(%arg6 : memref<320xi32, #tpu.memory_space<vmem>>)
      tpu.yield
    }) : () -> ()
    %dma_start3A_34 = arith.constant 0 : i32
    %dma_start3A_35 = arith.constant 0 : i32
    %dma_start3A_36 = tpu.memref_slice %arg2[%dma_start3A_34, %dma_start3A_35] : memref<100000x128xf32, #tpu.memory_space<hbm>> -> memref<100000x128xf32, #tpu.memory_space<hbm>>
    tpu.enqueue_indirect_dma source(%dma_start3A_36 : memref<100000x128xf32, #tpu.memory_space<hbm>>) target(%arg8 : memref<320x128xf32, #tpu.memory_space<vmem>>) offsets(%arg6 : memref<320xi32, #tpu.memory_space<vmem>>) semaphore(%arg10 : memref<!tpu.dma_semaphore, #tpu.memory_space<semaphore_mem>>)
    %dma_wait3A_37 = arith.constant 0 : i32
    %dma_wait3A_38 = arith.constant 0 : i32
    %dma_wait3A_39 = tpu.memref_slice %arg2[%dma_wait3A_37, %dma_wait3A_38] : memref<100000x128xf32, #tpu.memory_space<hbm>> -> memref<100000x128xf32, #tpu.memory_space<hbm>>
    tpu.wait_indirect_dma semaphore(%arg9 : memref<!tpu.dma_semaphore, #tpu.memory_space<semaphore_mem>>) src(%dma_wait3A_39 : memref<100000x128xf32, #tpu.memory_space<hbm>>) dst(%arg7 : memref<320x128xf32, #tpu.memory_space<vmem>>)
    %add3A_40 = arith.constant 640 : i32
    %add3A_41 = arith.addi %mul3A_2, %add3A_40 : i32
    "tpu.region"() ({
      %run_scoped3A = tpu.sem_alloc : memref<!tpu.dma_semaphore, #tpu.memory_space<semaphore_mem>>
      %dma_start3A_71 = arith.constant 0 : i32
      %dma_start3A_72 = tpu.memref_slice %arg4[%add3A_41, %dma_start3A_71] : memref<61440x128xf32, #tpu.memory_space<hbm>> -> memref<320x128xf32, #tpu.memory_space<hbm>>
      %dma_start3A_73 = arith.constant 0 : i32
      %dma_start3A_74 = tpu.memref_slice %arg4[%add3A_41, %dma_start3A_73] : memref<61440x128xf32, #tpu.memory_space<hbm>> -> memref<320x128xf32, #tpu.memory_space<hbm>>
      tpu.enqueue_dma source(%arg7 : memref<320x128xf32, #tpu.memory_space<vmem>>) target(%dma_start3A_74 : memref<320x128xf32, #tpu.memory_space<hbm>>) target_semaphore(%run_scoped3A : memref<!tpu.dma_semaphore, #tpu.memory_space<semaphore_mem>>)
      %dma_wait3A_75 = arith.constant 0 : i32
      %dma_wait3A_76 = tpu.memref_slice %arg4[%add3A_41, %dma_wait3A_75] : memref<61440x128xf32, #tpu.memory_space<hbm>> -> memref<320x128xf32, #tpu.memory_space<hbm>>
      %dma_wait3A_77 = arith.constant 0 : i32
      %dma_wait3A_78 = tpu.memref_slice %arg4[%add3A_41, %dma_wait3A_77] : memref<61440x128xf32, #tpu.memory_space<hbm>> -> memref<320x128xf32, #tpu.memory_space<hbm>>
      tpu.wait_dma2 semaphore(%run_scoped3A : memref<!tpu.dma_semaphore, #tpu.memory_space<semaphore_mem>>) src(%arg7 : memref<320x128xf32, #tpu.memory_space<vmem>>) dst(%dma_wait3A_78 : memref<320x128xf32, #tpu.memory_space<hbm>>)
      tpu.yield
    }) : () -> ()
    %add3A_42 = arith.constant 103424 : i32
    %add3A_43 = arith.addi %add3A_42, %mul3A_2 : i32
    %add3A_44 = arith.constant 1280 : i32
    %add3A_45 = arith.addi %add3A_43, %add3A_44 : i32
    "tpu.region"() ({
      %run_scoped3A = tpu.sem_alloc : memref<!tpu.dma_semaphore, #tpu.memory_space<semaphore_mem>>
      %dma_start3A_71 = tpu.memref_slice %arg3[%add3A_45] : memref<204800xi32, #tpu.memory_space<hbm>> -> memref<320xi32, #tpu.memory_space<hbm>>
      %dma_start3A_72 = tpu.memref_slice %arg3[%add3A_45] : memref<204800xi32, #tpu.memory_space<hbm>> -> memref<320xi32, #tpu.memory_space<hbm>>
      tpu.enqueue_dma source(%dma_start3A_72 : memref<320xi32, #tpu.memory_space<hbm>>) target(%arg5 : memref<320xi32, #tpu.memory_space<vmem>>) target_semaphore(%run_scoped3A : memref<!tpu.dma_semaphore, #tpu.memory_space<semaphore_mem>>)
      %dma_wait3A_73 = tpu.memref_slice %arg3[%add3A_45] : memref<204800xi32, #tpu.memory_space<hbm>> -> memref<320xi32, #tpu.memory_space<hbm>>
      %dma_wait3A_74 = tpu.memref_slice %arg3[%add3A_45] : memref<204800xi32, #tpu.memory_space<hbm>> -> memref<320xi32, #tpu.memory_space<hbm>>
      tpu.wait_dma2 semaphore(%run_scoped3A : memref<!tpu.dma_semaphore, #tpu.memory_space<semaphore_mem>>) src(%dma_wait3A_74 : memref<320xi32, #tpu.memory_space<hbm>>) dst(%arg5 : memref<320xi32, #tpu.memory_space<vmem>>)
      tpu.yield
    }) : () -> ()
    %dma_start3A_46 = arith.constant 0 : i32
    %dma_start3A_47 = arith.constant 0 : i32
    %dma_start3A_48 = tpu.memref_slice %arg2[%dma_start3A_46, %dma_start3A_47] : memref<100000x128xf32, #tpu.memory_space<hbm>> -> memref<100000x128xf32, #tpu.memory_space<hbm>>
    tpu.enqueue_indirect_dma source(%dma_start3A_48 : memref<100000x128xf32, #tpu.memory_space<hbm>>) target(%arg7 : memref<320x128xf32, #tpu.memory_space<vmem>>) offsets(%arg5 : memref<320xi32, #tpu.memory_space<vmem>>) semaphore(%arg9 : memref<!tpu.dma_semaphore, #tpu.memory_space<semaphore_mem>>)
    %dma_wait3A_49 = arith.constant 0 : i32
    %dma_wait3A_50 = arith.constant 0 : i32
    %dma_wait3A_51 = tpu.memref_slice %arg2[%dma_wait3A_49, %dma_wait3A_50] : memref<100000x128xf32, #tpu.memory_space<hbm>> -> memref<100000x128xf32, #tpu.memory_space<hbm>>
    tpu.wait_indirect_dma semaphore(%arg10 : memref<!tpu.dma_semaphore, #tpu.memory_space<semaphore_mem>>) src(%dma_wait3A_51 : memref<100000x128xf32, #tpu.memory_space<hbm>>) dst(%arg8 : memref<320x128xf32, #tpu.memory_space<vmem>>)
    %add3A_52 = arith.constant 960 : i32
    %add3A_53 = arith.addi %mul3A_2, %add3A_52 : i32
    "tpu.region"() ({
      %run_scoped3A = tpu.sem_alloc : memref<!tpu.dma_semaphore, #tpu.memory_space<semaphore_mem>>
      %dma_start3A_71 = arith.constant 0 : i32
      %dma_start3A_72 = tpu.memref_slice %arg4[%add3A_53, %dma_start3A_71] : memref<61440x128xf32, #tpu.memory_space<hbm>> -> memref<320x128xf32, #tpu.memory_space<hbm>>
      %dma_start3A_73 = arith.constant 0 : i32
      %dma_start3A_74 = tpu.memref_slice %arg4[%add3A_53, %dma_start3A_73] : memref<61440x128xf32, #tpu.memory_space<hbm>> -> memref<320x128xf32, #tpu.memory_space<hbm>>
      tpu.enqueue_dma source(%arg8 : memref<320x128xf32, #tpu.memory_space<vmem>>) target(%dma_start3A_74 : memref<320x128xf32, #tpu.memory_space<hbm>>) target_semaphore(%run_scoped3A : memref<!tpu.dma_semaphore, #tpu.memory_space<semaphore_mem>>)
      %dma_wait3A_75 = arith.constant 0 : i32
      %dma_wait3A_76 = tpu.memref_slice %arg4[%add3A_53, %dma_wait3A_75] : memref<61440x128xf32, #tpu.memory_space<hbm>> -> memref<320x128xf32, #tpu.memory_space<hbm>>
      %dma_wait3A_77 = arith.constant 0 : i32
      %dma_wait3A_78 = tpu.memref_slice %arg4[%add3A_53, %dma_wait3A_77] : memref<61440x128xf32, #tpu.memory_space<hbm>> -> memref<320x128xf32, #tpu.memory_space<hbm>>
      tpu.wait_dma2 semaphore(%run_scoped3A : memref<!tpu.dma_semaphore, #tpu.memory_space<semaphore_mem>>) src(%arg8 : memref<320x128xf32, #tpu.memory_space<vmem>>) dst(%dma_wait3A_78 : memref<320x128xf32, #tpu.memory_space<hbm>>)
      tpu.yield
    }) : () -> ()
    %add3A_54 = arith.constant 103424 : i32
    %add3A_55 = arith.addi %add3A_54, %mul3A_2 : i32
    %add3A_56 = arith.constant 1600 : i32
    %add3A_57 = arith.addi %add3A_55, %add3A_56 : i32
    "tpu.region"() ({
      %run_scoped3A = tpu.sem_alloc : memref<!tpu.dma_semaphore, #tpu.memory_space<semaphore_mem>>
      %dma_start3A_71 = tpu.memref_slice %arg3[%add3A_57] : memref<204800xi32, #tpu.memory_space<hbm>> -> memref<320xi32, #tpu.memory_space<hbm>>
      %dma_start3A_72 = tpu.memref_slice %arg3[%add3A_57] : memref<204800xi32, #tpu.memory_space<hbm>> -> memref<320xi32, #tpu.memory_space<hbm>>
      tpu.enqueue_dma source(%dma_start3A_72 : memref<320xi32, #tpu.memory_space<hbm>>) target(%arg6 : memref<320xi32, #tpu.memory_space<vmem>>) target_semaphore(%run_scoped3A : memref<!tpu.dma_semaphore, #tpu.memory_space<semaphore_mem>>)
      %dma_wait3A_73 = tpu.memref_slice %arg3[%add3A_57] : memref<204800xi32, #tpu.memory_space<hbm>> -> memref<320xi32, #tpu.memory_space<hbm>>
      %dma_wait3A_74 = tpu.memref_slice %arg3[%add3A_57] : memref<204800xi32, #tpu.memory_space<hbm>> -> memref<320xi32, #tpu.memory_space<hbm>>
      tpu.wait_dma2 semaphore(%run_scoped3A : memref<!tpu.dma_semaphore, #tpu.memory_space<semaphore_mem>>) src(%dma_wait3A_74 : memref<320xi32, #tpu.memory_space<hbm>>) dst(%arg6 : memref<320xi32, #tpu.memory_space<vmem>>)
      tpu.yield
    }) : () -> ()
    %dma_start3A_58 = arith.constant 0 : i32
    %dma_start3A_59 = arith.constant 0 : i32
    %dma_start3A_60 = tpu.memref_slice %arg2[%dma_start3A_58, %dma_start3A_59] : memref<100000x128xf32, #tpu.memory_space<hbm>> -> memref<100000x128xf32, #tpu.memory_space<hbm>>
    tpu.enqueue_indirect_dma source(%dma_start3A_60 : memref<100000x128xf32, #tpu.memory_space<hbm>>) target(%arg8 : memref<320x128xf32, #tpu.memory_space<vmem>>) offsets(%arg6 : memref<320xi32, #tpu.memory_space<vmem>>) semaphore(%arg10 : memref<!tpu.dma_semaphore, #tpu.memory_space<semaphore_mem>>)
    %dma_wait3A_61 = arith.constant 0 : i32
    %dma_wait3A_62 = arith.constant 0 : i32
    %dma_wait3A_63 = tpu.memref_slice %arg2[%dma_wait3A_61, %dma_wait3A_62] : memref<100000x128xf32, #tpu.memory_space<hbm>> -> memref<100000x128xf32, #tpu.memory_space<hbm>>
    tpu.wait_indirect_dma semaphore(%arg9 : memref<!tpu.dma_semaphore, #tpu.memory_space<semaphore_mem>>) src(%dma_wait3A_63 : memref<100000x128xf32, #tpu.memory_space<hbm>>) dst(%arg7 : memref<320x128xf32, #tpu.memory_space<vmem>>)
    %add3A_64 = arith.constant 1280 : i32
    %add3A_65 = arith.addi %mul3A_2, %add3A_64 : i32
    "tpu.region"() ({
      %run_scoped3A = tpu.sem_alloc : memref<!tpu.dma_semaphore, #tpu.memory_space<semaphore_mem>>
      %dma_start3A_71 = arith.constant 0 : i32
      %dma_start3A_72 = tpu.memref_slice %arg4[%add3A_65, %dma_start3A_71] : memref<61440x128xf32, #tpu.memory_space<hbm>> -> memref<320x128xf32, #tpu.memory_space<hbm>>
      %dma_start3A_73 = arith.constant 0 : i32
      %dma_start3A_74 = tpu.memref_slice %arg4[%add3A_65, %dma_start3A_73] : memref<61440x128xf32, #tpu.memory_space<hbm>> -> memref<320x128xf32, #tpu.memory_space<hbm>>
      tpu.enqueue_dma source(%arg7 : memref<320x128xf32, #tpu.memory_space<vmem>>) target(%dma_start3A_74 : memref<320x128xf32, #tpu.memory_space<hbm>>) target_semaphore(%run_scoped3A : memref<!tpu.dma_semaphore, #tpu.memory_space<semaphore_mem>>)
      %dma_wait3A_75 = arith.constant 0 : i32
      %dma_wait3A_76 = tpu.memref_slice %arg4[%add3A_65, %dma_wait3A_75] : memref<61440x128xf32, #tpu.memory_space<hbm>> -> memref<320x128xf32, #tpu.memory_space<hbm>>
      %dma_wait3A_77 = arith.constant 0 : i32
      %dma_wait3A_78 = tpu.memref_slice %arg4[%add3A_65, %dma_wait3A_77] : memref<61440x128xf32, #tpu.memory_space<hbm>> -> memref<320x128xf32, #tpu.memory_space<hbm>>
      tpu.wait_dma2 semaphore(%run_scoped3A : memref<!tpu.dma_semaphore, #tpu.memory_space<semaphore_mem>>) src(%arg7 : memref<320x128xf32, #tpu.memory_space<vmem>>) dst(%dma_wait3A_78 : memref<320x128xf32, #tpu.memory_space<hbm>>)
      tpu.yield
    }) : () -> ()
    %dma_wait3A_66 = arith.constant 0 : i32
    %dma_wait3A_67 = arith.constant 0 : i32
    %dma_wait3A_68 = tpu.memref_slice %arg2[%dma_wait3A_66, %dma_wait3A_67] : memref<100000x128xf32, #tpu.memory_space<hbm>> -> memref<100000x128xf32, #tpu.memory_space<hbm>>
    tpu.wait_indirect_dma semaphore(%arg10 : memref<!tpu.dma_semaphore, #tpu.memory_space<semaphore_mem>>) src(%dma_wait3A_68 : memref<100000x128xf32, #tpu.memory_space<hbm>>) dst(%arg8 : memref<320x128xf32, #tpu.memory_space<vmem>>)
    %add3A_69 = arith.constant 1600 : i32
    %add3A_70 = arith.addi %mul3A_2, %add3A_69 : i32
    "tpu.region"() ({
      %run_scoped3A = tpu.sem_alloc : memref<!tpu.dma_semaphore, #tpu.memory_space<semaphore_mem>>
      %dma_start3A_71 = arith.constant 0 : i32
      %dma_start3A_72 = tpu.memref_slice %arg4[%add3A_70, %dma_start3A_71] : memref<61440x128xf32, #tpu.memory_space<hbm>> -> memref<320x128xf32, #tpu.memory_space<hbm>>
      %dma_start3A_73 = arith.constant 0 : i32
      %dma_start3A_74 = tpu.memref_slice %arg4[%add3A_70, %dma_start3A_73] : memref<61440x128xf32, #tpu.memory_space<hbm>> -> memref<320x128xf32, #tpu.memory_space<hbm>>
      tpu.enqueue_dma source(%arg8 : memref<320x128xf32, #tpu.memory_space<vmem>>) target(%dma_start3A_74 : memref<320x128xf32, #tpu.memory_space<hbm>>) target_semaphore(%run_scoped3A : memref<!tpu.dma_semaphore, #tpu.memory_space<semaphore_mem>>)
      %dma_wait3A_75 = arith.constant 0 : i32
      %dma_wait3A_76 = tpu.memref_slice %arg4[%add3A_70, %dma_wait3A_75] : memref<61440x128xf32, #tpu.memory_space<hbm>> -> memref<320x128xf32, #tpu.memory_space<hbm>>
      %dma_wait3A_77 = arith.constant 0 : i32
      %dma_wait3A_78 = tpu.memref_slice %arg4[%add3A_70, %dma_wait3A_77] : memref<61440x128xf32, #tpu.memory_space<hbm>> -> memref<320x128xf32, #tpu.memory_space<hbm>>
      tpu.wait_dma2 semaphore(%run_scoped3A : memref<!tpu.dma_semaphore, #tpu.memory_space<semaphore_mem>>) src(%arg8 : memref<320x128xf32, #tpu.memory_space<vmem>>) dst(%dma_wait3A_78 : memref<320x128xf32, #tpu.memory_space<hbm>>)
      tpu.yield
    }) : () -> ()
    return
  }
}

#map = affine_map<(d0, d1) -> (0, 0)>
#map1 = affine_map<(d0, d1) -> (0)>
module attributes {stable_mosaic.version = 14 : i64} {
  func.func @k(%arg0: i32, %arg1: i32, %arg2: memref<100000x128xf32, #tpu.memory_space<hbm>>, %arg3: memref<204800xi32, #tpu.memory_space<hbm>>, %arg4: memref<39936x128xf32, #tpu.memory_space<hbm>>, %arg5: memref<312xi32, #tpu.memory_space<vmem>>, %arg6: memref<312xi32, #tpu.memory_space<vmem>>, %arg7: memref<312x128xf32, #tpu.memory_space<vmem>>, %arg8: memref<312x128xf32, #tpu.memory_space<vmem>>, %arg9: memref<!tpu.dma_semaphore, #tpu.memory_space<semaphore_mem>>, %arg10: memref<!tpu.dma_semaphore, #tpu.memory_space<semaphore_mem>>) attributes {dimension_semantics = [#tpu.dimension_semantics<core_parallel>, #tpu.dimension_semantics<subcore_parallel>], iteration_bounds = array<i64: 2, 16>, scalar_prefetch = 0 : i64, scratch_operands = 6 : i64, tpu.core_type = #tpu.core_type<sc_vector_subcore>, window_params = [{transform_indices = #map}, {transform_indices = #map1}, {transform_indices = #map}]} {
    %mul3A = arith.constant 2 : i32
    %mul3A_0 = arith.muli %arg1, %mul3A : i32
    %add3A = arith.addi %mul3A_0, %arg0 : i32
    %mul3A_1 = arith.constant 1248 : i32
    %mul3A_2 = arith.muli %add3A, %mul3A_1 : i32
    %add3A_3 = arith.constant 164864 : i32
    %add3A_4 = arith.addi %add3A_3, %mul3A_2 : i32
    "tpu.region"() ({
      %run_scoped3A = tpu.sem_alloc : memref<!tpu.dma_semaphore, #tpu.memory_space<semaphore_mem>>
      %dma_start3A_47 = tpu.memref_slice %arg3[%add3A_4] : memref<204800xi32, #tpu.memory_space<hbm>> -> memref<312xi32, #tpu.memory_space<hbm>>
      %dma_start3A_48 = tpu.memref_slice %arg3[%add3A_4] : memref<204800xi32, #tpu.memory_space<hbm>> -> memref<312xi32, #tpu.memory_space<hbm>>
      tpu.enqueue_dma source(%dma_start3A_48 : memref<312xi32, #tpu.memory_space<hbm>>) target(%arg5 : memref<312xi32, #tpu.memory_space<vmem>>) target_semaphore(%run_scoped3A : memref<!tpu.dma_semaphore, #tpu.memory_space<semaphore_mem>>)
      %dma_wait3A_49 = tpu.memref_slice %arg3[%add3A_4] : memref<204800xi32, #tpu.memory_space<hbm>> -> memref<312xi32, #tpu.memory_space<hbm>>
      %dma_wait3A_50 = tpu.memref_slice %arg3[%add3A_4] : memref<204800xi32, #tpu.memory_space<hbm>> -> memref<312xi32, #tpu.memory_space<hbm>>
      tpu.wait_dma2 semaphore(%run_scoped3A : memref<!tpu.dma_semaphore, #tpu.memory_space<semaphore_mem>>) src(%dma_wait3A_50 : memref<312xi32, #tpu.memory_space<hbm>>) dst(%arg5 : memref<312xi32, #tpu.memory_space<vmem>>)
      tpu.yield
    }) : () -> ()
    %dma_start3A = arith.constant 0 : i32
    %dma_start3A_5 = arith.constant 0 : i32
    %dma_start3A_6 = tpu.memref_slice %arg2[%dma_start3A, %dma_start3A_5] : memref<100000x128xf32, #tpu.memory_space<hbm>> -> memref<100000x128xf32, #tpu.memory_space<hbm>>
    tpu.enqueue_indirect_dma source(%dma_start3A_6 : memref<100000x128xf32, #tpu.memory_space<hbm>>) target(%arg7 : memref<312x128xf32, #tpu.memory_space<vmem>>) offsets(%arg5 : memref<312xi32, #tpu.memory_space<vmem>>) semaphore(%arg9 : memref<!tpu.dma_semaphore, #tpu.memory_space<semaphore_mem>>)
    %add3A_7 = arith.constant 164864 : i32
    %add3A_8 = arith.addi %add3A_7, %mul3A_2 : i32
    %add3A_9 = arith.constant 312 : i32
    %add3A_10 = arith.addi %add3A_8, %add3A_9 : i32
    "tpu.region"() ({
      %run_scoped3A = tpu.sem_alloc : memref<!tpu.dma_semaphore, #tpu.memory_space<semaphore_mem>>
      %dma_start3A_47 = tpu.memref_slice %arg3[%add3A_10] : memref<204800xi32, #tpu.memory_space<hbm>> -> memref<312xi32, #tpu.memory_space<hbm>>
      %dma_start3A_48 = tpu.memref_slice %arg3[%add3A_10] : memref<204800xi32, #tpu.memory_space<hbm>> -> memref<312xi32, #tpu.memory_space<hbm>>
      tpu.enqueue_dma source(%dma_start3A_48 : memref<312xi32, #tpu.memory_space<hbm>>) target(%arg6 : memref<312xi32, #tpu.memory_space<vmem>>) target_semaphore(%run_scoped3A : memref<!tpu.dma_semaphore, #tpu.memory_space<semaphore_mem>>)
      %dma_wait3A_49 = tpu.memref_slice %arg3[%add3A_10] : memref<204800xi32, #tpu.memory_space<hbm>> -> memref<312xi32, #tpu.memory_space<hbm>>
      %dma_wait3A_50 = tpu.memref_slice %arg3[%add3A_10] : memref<204800xi32, #tpu.memory_space<hbm>> -> memref<312xi32, #tpu.memory_space<hbm>>
      tpu.wait_dma2 semaphore(%run_scoped3A : memref<!tpu.dma_semaphore, #tpu.memory_space<semaphore_mem>>) src(%dma_wait3A_50 : memref<312xi32, #tpu.memory_space<hbm>>) dst(%arg6 : memref<312xi32, #tpu.memory_space<vmem>>)
      tpu.yield
    }) : () -> ()
    %dma_start3A_11 = arith.constant 0 : i32
    %dma_start3A_12 = arith.constant 0 : i32
    %dma_start3A_13 = tpu.memref_slice %arg2[%dma_start3A_11, %dma_start3A_12] : memref<100000x128xf32, #tpu.memory_space<hbm>> -> memref<100000x128xf32, #tpu.memory_space<hbm>>
    tpu.enqueue_indirect_dma source(%dma_start3A_13 : memref<100000x128xf32, #tpu.memory_space<hbm>>) target(%arg8 : memref<312x128xf32, #tpu.memory_space<vmem>>) offsets(%arg6 : memref<312xi32, #tpu.memory_space<vmem>>) semaphore(%arg10 : memref<!tpu.dma_semaphore, #tpu.memory_space<semaphore_mem>>)
    %dma_wait3A = arith.constant 0 : i32
    %dma_wait3A_14 = arith.constant 0 : i32
    %dma_wait3A_15 = tpu.memref_slice %arg2[%dma_wait3A, %dma_wait3A_14] : memref<100000x128xf32, #tpu.memory_space<hbm>> -> memref<100000x128xf32, #tpu.memory_space<hbm>>
    tpu.wait_indirect_dma semaphore(%arg9 : memref<!tpu.dma_semaphore, #tpu.memory_space<semaphore_mem>>) src(%dma_wait3A_15 : memref<100000x128xf32, #tpu.memory_space<hbm>>) dst(%arg7 : memref<312x128xf32, #tpu.memory_space<vmem>>)
    %add3A_16 = arith.constant 0 : i32
    %add3A_17 = arith.addi %mul3A_2, %add3A_16 : i32
    "tpu.region"() ({
      %run_scoped3A = tpu.sem_alloc : memref<!tpu.dma_semaphore, #tpu.memory_space<semaphore_mem>>
      %dma_start3A_47 = arith.constant 0 : i32
      %dma_start3A_48 = tpu.memref_slice %arg4[%add3A_17, %dma_start3A_47] : memref<39936x128xf32, #tpu.memory_space<hbm>> -> memref<312x128xf32, #tpu.memory_space<hbm>>
      %dma_start3A_49 = arith.constant 0 : i32
      %dma_start3A_50 = tpu.memref_slice %arg4[%add3A_17, %dma_start3A_49] : memref<39936x128xf32, #tpu.memory_space<hbm>> -> memref<312x128xf32, #tpu.memory_space<hbm>>
      tpu.enqueue_dma source(%arg7 : memref<312x128xf32, #tpu.memory_space<vmem>>) target(%dma_start3A_50 : memref<312x128xf32, #tpu.memory_space<hbm>>) target_semaphore(%run_scoped3A : memref<!tpu.dma_semaphore, #tpu.memory_space<semaphore_mem>>)
      %dma_wait3A_51 = arith.constant 0 : i32
      %dma_wait3A_52 = tpu.memref_slice %arg4[%add3A_17, %dma_wait3A_51] : memref<39936x128xf32, #tpu.memory_space<hbm>> -> memref<312x128xf32, #tpu.memory_space<hbm>>
      %dma_wait3A_53 = arith.constant 0 : i32
      %dma_wait3A_54 = tpu.memref_slice %arg4[%add3A_17, %dma_wait3A_53] : memref<39936x128xf32, #tpu.memory_space<hbm>> -> memref<312x128xf32, #tpu.memory_space<hbm>>
      tpu.wait_dma2 semaphore(%run_scoped3A : memref<!tpu.dma_semaphore, #tpu.memory_space<semaphore_mem>>) src(%arg7 : memref<312x128xf32, #tpu.memory_space<vmem>>) dst(%dma_wait3A_54 : memref<312x128xf32, #tpu.memory_space<hbm>>)
      tpu.yield
    }) : () -> ()
    %add3A_18 = arith.constant 164864 : i32
    %add3A_19 = arith.addi %add3A_18, %mul3A_2 : i32
    %add3A_20 = arith.constant 624 : i32
    %add3A_21 = arith.addi %add3A_19, %add3A_20 : i32
    "tpu.region"() ({
      %run_scoped3A = tpu.sem_alloc : memref<!tpu.dma_semaphore, #tpu.memory_space<semaphore_mem>>
      %dma_start3A_47 = tpu.memref_slice %arg3[%add3A_21] : memref<204800xi32, #tpu.memory_space<hbm>> -> memref<312xi32, #tpu.memory_space<hbm>>
      %dma_start3A_48 = tpu.memref_slice %arg3[%add3A_21] : memref<204800xi32, #tpu.memory_space<hbm>> -> memref<312xi32, #tpu.memory_space<hbm>>
      tpu.enqueue_dma source(%dma_start3A_48 : memref<312xi32, #tpu.memory_space<hbm>>) target(%arg5 : memref<312xi32, #tpu.memory_space<vmem>>) target_semaphore(%run_scoped3A : memref<!tpu.dma_semaphore, #tpu.memory_space<semaphore_mem>>)
      %dma_wait3A_49 = tpu.memref_slice %arg3[%add3A_21] : memref<204800xi32, #tpu.memory_space<hbm>> -> memref<312xi32, #tpu.memory_space<hbm>>
      %dma_wait3A_50 = tpu.memref_slice %arg3[%add3A_21] : memref<204800xi32, #tpu.memory_space<hbm>> -> memref<312xi32, #tpu.memory_space<hbm>>
      tpu.wait_dma2 semaphore(%run_scoped3A : memref<!tpu.dma_semaphore, #tpu.memory_space<semaphore_mem>>) src(%dma_wait3A_50 : memref<312xi32, #tpu.memory_space<hbm>>) dst(%arg5 : memref<312xi32, #tpu.memory_space<vmem>>)
      tpu.yield
    }) : () -> ()
    %dma_start3A_22 = arith.constant 0 : i32
    %dma_start3A_23 = arith.constant 0 : i32
    %dma_start3A_24 = tpu.memref_slice %arg2[%dma_start3A_22, %dma_start3A_23] : memref<100000x128xf32, #tpu.memory_space<hbm>> -> memref<100000x128xf32, #tpu.memory_space<hbm>>
    tpu.enqueue_indirect_dma source(%dma_start3A_24 : memref<100000x128xf32, #tpu.memory_space<hbm>>) target(%arg7 : memref<312x128xf32, #tpu.memory_space<vmem>>) offsets(%arg5 : memref<312xi32, #tpu.memory_space<vmem>>) semaphore(%arg9 : memref<!tpu.dma_semaphore, #tpu.memory_space<semaphore_mem>>)
    %dma_wait3A_25 = arith.constant 0 : i32
    %dma_wait3A_26 = arith.constant 0 : i32
    %dma_wait3A_27 = tpu.memref_slice %arg2[%dma_wait3A_25, %dma_wait3A_26] : memref<100000x128xf32, #tpu.memory_space<hbm>> -> memref<100000x128xf32, #tpu.memory_space<hbm>>
    tpu.wait_indirect_dma semaphore(%arg10 : memref<!tpu.dma_semaphore, #tpu.memory_space<semaphore_mem>>) src(%dma_wait3A_27 : memref<100000x128xf32, #tpu.memory_space<hbm>>) dst(%arg8 : memref<312x128xf32, #tpu.memory_space<vmem>>)
    %add3A_28 = arith.constant 312 : i32
    %add3A_29 = arith.addi %mul3A_2, %add3A_28 : i32
    "tpu.region"() ({
      %run_scoped3A = tpu.sem_alloc : memref<!tpu.dma_semaphore, #tpu.memory_space<semaphore_mem>>
      %dma_start3A_47 = arith.constant 0 : i32
      %dma_start3A_48 = tpu.memref_slice %arg4[%add3A_29, %dma_start3A_47] : memref<39936x128xf32, #tpu.memory_space<hbm>> -> memref<312x128xf32, #tpu.memory_space<hbm>>
      %dma_start3A_49 = arith.constant 0 : i32
      %dma_start3A_50 = tpu.memref_slice %arg4[%add3A_29, %dma_start3A_49] : memref<39936x128xf32, #tpu.memory_space<hbm>> -> memref<312x128xf32, #tpu.memory_space<hbm>>
      tpu.enqueue_dma source(%arg8 : memref<312x128xf32, #tpu.memory_space<vmem>>) target(%dma_start3A_50 : memref<312x128xf32, #tpu.memory_space<hbm>>) target_semaphore(%run_scoped3A : memref<!tpu.dma_semaphore, #tpu.memory_space<semaphore_mem>>)
      %dma_wait3A_51 = arith.constant 0 : i32
      %dma_wait3A_52 = tpu.memref_slice %arg4[%add3A_29, %dma_wait3A_51] : memref<39936x128xf32, #tpu.memory_space<hbm>> -> memref<312x128xf32, #tpu.memory_space<hbm>>
      %dma_wait3A_53 = arith.constant 0 : i32
      %dma_wait3A_54 = tpu.memref_slice %arg4[%add3A_29, %dma_wait3A_53] : memref<39936x128xf32, #tpu.memory_space<hbm>> -> memref<312x128xf32, #tpu.memory_space<hbm>>
      tpu.wait_dma2 semaphore(%run_scoped3A : memref<!tpu.dma_semaphore, #tpu.memory_space<semaphore_mem>>) src(%arg8 : memref<312x128xf32, #tpu.memory_space<vmem>>) dst(%dma_wait3A_54 : memref<312x128xf32, #tpu.memory_space<hbm>>)
      tpu.yield
    }) : () -> ()
    %add3A_30 = arith.constant 164864 : i32
    %add3A_31 = arith.addi %add3A_30, %mul3A_2 : i32
    %add3A_32 = arith.constant 936 : i32
    %add3A_33 = arith.addi %add3A_31, %add3A_32 : i32
    "tpu.region"() ({
      %run_scoped3A = tpu.sem_alloc : memref<!tpu.dma_semaphore, #tpu.memory_space<semaphore_mem>>
      %dma_start3A_47 = tpu.memref_slice %arg3[%add3A_33] : memref<204800xi32, #tpu.memory_space<hbm>> -> memref<312xi32, #tpu.memory_space<hbm>>
      %dma_start3A_48 = tpu.memref_slice %arg3[%add3A_33] : memref<204800xi32, #tpu.memory_space<hbm>> -> memref<312xi32, #tpu.memory_space<hbm>>
      tpu.enqueue_dma source(%dma_start3A_48 : memref<312xi32, #tpu.memory_space<hbm>>) target(%arg6 : memref<312xi32, #tpu.memory_space<vmem>>) target_semaphore(%run_scoped3A : memref<!tpu.dma_semaphore, #tpu.memory_space<semaphore_mem>>)
      %dma_wait3A_49 = tpu.memref_slice %arg3[%add3A_33] : memref<204800xi32, #tpu.memory_space<hbm>> -> memref<312xi32, #tpu.memory_space<hbm>>
      %dma_wait3A_50 = tpu.memref_slice %arg3[%add3A_33] : memref<204800xi32, #tpu.memory_space<hbm>> -> memref<312xi32, #tpu.memory_space<hbm>>
      tpu.wait_dma2 semaphore(%run_scoped3A : memref<!tpu.dma_semaphore, #tpu.memory_space<semaphore_mem>>) src(%dma_wait3A_50 : memref<312xi32, #tpu.memory_space<hbm>>) dst(%arg6 : memref<312xi32, #tpu.memory_space<vmem>>)
      tpu.yield
    }) : () -> ()
    %dma_start3A_34 = arith.constant 0 : i32
    %dma_start3A_35 = arith.constant 0 : i32
    %dma_start3A_36 = tpu.memref_slice %arg2[%dma_start3A_34, %dma_start3A_35] : memref<100000x128xf32, #tpu.memory_space<hbm>> -> memref<100000x128xf32, #tpu.memory_space<hbm>>
    tpu.enqueue_indirect_dma source(%dma_start3A_36 : memref<100000x128xf32, #tpu.memory_space<hbm>>) target(%arg8 : memref<312x128xf32, #tpu.memory_space<vmem>>) offsets(%arg6 : memref<312xi32, #tpu.memory_space<vmem>>) semaphore(%arg10 : memref<!tpu.dma_semaphore, #tpu.memory_space<semaphore_mem>>)
    %dma_wait3A_37 = arith.constant 0 : i32
    %dma_wait3A_38 = arith.constant 0 : i32
    %dma_wait3A_39 = tpu.memref_slice %arg2[%dma_wait3A_37, %dma_wait3A_38] : memref<100000x128xf32, #tpu.memory_space<hbm>> -> memref<100000x128xf32, #tpu.memory_space<hbm>>
    tpu.wait_indirect_dma semaphore(%arg9 : memref<!tpu.dma_semaphore, #tpu.memory_space<semaphore_mem>>) src(%dma_wait3A_39 : memref<100000x128xf32, #tpu.memory_space<hbm>>) dst(%arg7 : memref<312x128xf32, #tpu.memory_space<vmem>>)
    %add3A_40 = arith.constant 624 : i32
    %add3A_41 = arith.addi %mul3A_2, %add3A_40 : i32
    "tpu.region"() ({
      %run_scoped3A = tpu.sem_alloc : memref<!tpu.dma_semaphore, #tpu.memory_space<semaphore_mem>>
      %dma_start3A_47 = arith.constant 0 : i32
      %dma_start3A_48 = tpu.memref_slice %arg4[%add3A_41, %dma_start3A_47] : memref<39936x128xf32, #tpu.memory_space<hbm>> -> memref<312x128xf32, #tpu.memory_space<hbm>>
      %dma_start3A_49 = arith.constant 0 : i32
      %dma_start3A_50 = tpu.memref_slice %arg4[%add3A_41, %dma_start3A_49] : memref<39936x128xf32, #tpu.memory_space<hbm>> -> memref<312x128xf32, #tpu.memory_space<hbm>>
      tpu.enqueue_dma source(%arg7 : memref<312x128xf32, #tpu.memory_space<vmem>>) target(%dma_start3A_50 : memref<312x128xf32, #tpu.memory_space<hbm>>) target_semaphore(%run_scoped3A : memref<!tpu.dma_semaphore, #tpu.memory_space<semaphore_mem>>)
      %dma_wait3A_51 = arith.constant 0 : i32
      %dma_wait3A_52 = tpu.memref_slice %arg4[%add3A_41, %dma_wait3A_51] : memref<39936x128xf32, #tpu.memory_space<hbm>> -> memref<312x128xf32, #tpu.memory_space<hbm>>
      %dma_wait3A_53 = arith.constant 0 : i32
      %dma_wait3A_54 = tpu.memref_slice %arg4[%add3A_41, %dma_wait3A_53] : memref<39936x128xf32, #tpu.memory_space<hbm>> -> memref<312x128xf32, #tpu.memory_space<hbm>>
      tpu.wait_dma2 semaphore(%run_scoped3A : memref<!tpu.dma_semaphore, #tpu.memory_space<semaphore_mem>>) src(%arg7 : memref<312x128xf32, #tpu.memory_space<vmem>>) dst(%dma_wait3A_54 : memref<312x128xf32, #tpu.memory_space<hbm>>)
      tpu.yield
    }) : () -> ()
    %dma_wait3A_42 = arith.constant 0 : i32
    %dma_wait3A_43 = arith.constant 0 : i32
    %dma_wait3A_44 = tpu.memref_slice %arg2[%dma_wait3A_42, %dma_wait3A_43] : memref<100000x128xf32, #tpu.memory_space<hbm>> -> memref<100000x128xf32, #tpu.memory_space<hbm>>
    tpu.wait_indirect_dma semaphore(%arg10 : memref<!tpu.dma_semaphore, #tpu.memory_space<semaphore_mem>>) src(%dma_wait3A_44 : memref<100000x128xf32, #tpu.memory_space<hbm>>) dst(%arg8 : memref<312x128xf32, #tpu.memory_space<vmem>>)
    %add3A_45 = arith.constant 936 : i32
    %add3A_46 = arith.addi %mul3A_2, %add3A_45 : i32
    "tpu.region"() ({
      %run_scoped3A = tpu.sem_alloc : memref<!tpu.dma_semaphore, #tpu.memory_space<semaphore_mem>>
      %dma_start3A_47 = arith.constant 0 : i32
      %dma_start3A_48 = tpu.memref_slice %arg4[%add3A_46, %dma_start3A_47] : memref<39936x128xf32, #tpu.memory_space<hbm>> -> memref<312x128xf32, #tpu.memory_space<hbm>>
      %dma_start3A_49 = arith.constant 0 : i32
      %dma_start3A_50 = tpu.memref_slice %arg4[%add3A_46, %dma_start3A_49] : memref<39936x128xf32, #tpu.memory_space<hbm>> -> memref<312x128xf32, #tpu.memory_space<hbm>>
      tpu.enqueue_dma source(%arg8 : memref<312x128xf32, #tpu.memory_space<vmem>>) target(%dma_start3A_50 : memref<312x128xf32, #tpu.memory_space<hbm>>) target_semaphore(%run_scoped3A : memref<!tpu.dma_semaphore, #tpu.memory_space<semaphore_mem>>)
      %dma_wait3A_51 = arith.constant 0 : i32
      %dma_wait3A_52 = tpu.memref_slice %arg4[%add3A_46, %dma_wait3A_51] : memref<39936x128xf32, #tpu.memory_space<hbm>> -> memref<312x128xf32, #tpu.memory_space<hbm>>
      %dma_wait3A_53 = arith.constant 0 : i32
      %dma_wait3A_54 = tpu.memref_slice %arg4[%add3A_46, %dma_wait3A_53] : memref<39936x128xf32, #tpu.memory_space<hbm>> -> memref<312x128xf32, #tpu.memory_space<hbm>>
      tpu.wait_dma2 semaphore(%run_scoped3A : memref<!tpu.dma_semaphore, #tpu.memory_space<semaphore_mem>>) src(%arg8 : memref<312x128xf32, #tpu.memory_space<vmem>>) dst(%dma_wait3A_54 : memref<312x128xf32, #tpu.memory_space<hbm>>)
      tpu.yield
    }) : () -> ()
    return
  }
}

module attributes {stable_mosaic.version = 14 : i64} {
  func.func @_lambda_(%arg0: i32, %arg1: memref<205824x128xf32, #tpu.memory_space<any>>, %arg2: memref<3072x128xf32, #tpu.memory_space<vmem>>, %arg3: memref<1x1x3072xf32, #tpu.memory_space<vmem>>, %arg4: memref<8x128xf32, #tpu.memory_space<vmem>>, %arg5: memref<8x1xf32, #tpu.memory_space<vmem>>, %arg6: memref<8x1xf32, #tpu.memory_space<vmem>>, %arg7: memref<128xf32, #tpu.memory_space<vmem>>, %arg8: memref<128xf32, #tpu.memory_space<vmem>>, %arg9: memref<3072x128xf32, #tpu.memory_space<vmem>>) attributes {dimension_semantics = [#tpu.dimension_semantics<arbitrary>], iteration_bounds = array<i64: 5>, scalar_prefetch = 0 : i64, scratch_operands = 0 : i64, tpu.core_type = #tpu.core_type<tc>, window_params = [{}, {transform_indices = @transform_1, window_bounds = array<i64: 3072, 128>}, {transform_indices = @transform_2, window_bounds = array<i64: 1, 1, 3072>}, {pipeline_mode = #tpu.pipeline_mode<synchronous>, transform_indices = @transform_3, window_bounds = array<i64: 8, 128>}, {pipeline_mode = #tpu.pipeline_mode<synchronous>, transform_indices = @transform_4, window_bounds = array<i64: 8, 1>}, {pipeline_mode = #tpu.pipeline_mode<synchronous>, transform_indices = @transform_5, window_bounds = array<i64: 8, 1>}, {pipeline_mode = #tpu.pipeline_mode<synchronous>, transform_indices = @transform_6, window_bounds = array<i64: 128>}, {pipeline_mode = #tpu.pipeline_mode<synchronous>, transform_indices = @transform_7, window_bounds = array<i64: 128>}, {transform_indices = @transform_8, window_bounds = array<i64: 3072, 128>}]} {
    %get3A = arith.constant 0 : index
    %get3A_0 = vector.load %arg7[%get3A] : memref<128xf32, #tpu.memory_space<vmem>>, vector<128xf32>
    %reshape3A = vector.shape_cast %get3A_0 : vector<128xf32> to vector<1x128xf32>
    %get3A_1 = arith.constant 0 : index
    %get3A_2 = vector.load %arg8[%get3A_1] : memref<128xf32, #tpu.memory_space<vmem>>, vector<128xf32>
    %reshape3A_3 = vector.shape_cast %get3A_2 : vector<128xf32> to vector<1x128xf32>
    %get3A_4 = arith.constant 0 : index
    %get3A_5 = arith.constant 0 : index
    %get3A_6 = arith.constant 0 : index
    %get3A_7 = vector.load %arg3[%get3A_4, %get3A_5, %get3A_6] : memref<1x1x3072xf32, #tpu.memory_space<vmem>>, vector<1x1x3072xf32>
    %get3A_8 = vector.shape_cast %get3A_7 : vector<1x1x3072xf32> to vector<1x3072xf32>
    %broadcast_in_dim3A = vector.shape_cast %get3A_8 : vector<1x3072xf32> to vector<1x3072xf32>
    %broadcast_in_dim3A_9 = vector.broadcast %broadcast_in_dim3A : vector<1x3072xf32> to vector<8x3072xf32>
    %get3A_10 = arith.constant 0 : index
    %get3A_11 = arith.constant 0 : index
    %get3A_12 = vector.load %arg5[%get3A_10, %get3A_11] : memref<8x1xf32, #tpu.memory_space<vmem>>, vector<8x1xf32>
    %mul3A = vector.broadcast %get3A_12 : vector<8x1xf32> to vector<8x3072xf32>
    %mul3A_13 = arith.mulf %broadcast_in_dim3A_9, %mul3A : vector<8x3072xf32>
    %get3A_14 = arith.constant 0 : index
    %get3A_15 = arith.constant 0 : index
    %get3A_16 = vector.load %arg6[%get3A_14, %get3A_15] : memref<8x1xf32, #tpu.memory_space<vmem>>, vector<8x1xf32>
    %add3A = vector.broadcast %get3A_16 : vector<8x1xf32> to vector<8x3072xf32>
    %add3A_17 = arith.addf %mul3A_13, %add3A : vector<8x3072xf32>
    %sin3A = math.sin %add3A_17 : vector<8x3072xf32>
    %iota3A = tpu.iota {dimensions = array<i32: 0>} : vector<8x3072xi32>
    %eq3A = arith.constant 0 : i32
    %eq3A_18 = vector.broadcast %eq3A : i32 to vector<8x3072xi32>
    %eq3A_19 = arith.cmpi eq, %iota3A, %eq3A_18 : vector<8x3072xi32>
    %select_n3A = arith.select %eq3A_19, %add3A_17, %sin3A : vector<8x3072xi1>, vector<8x3072xf32>
    %get3A_20 = arith.constant 0 : index
    %get3A_21 = arith.constant 0 : index
    %get3A_22 = vector.load %arg4[%get3A_20, %get3A_21] : memref<8x128xf32, #tpu.memory_space<vmem>>, vector<8x128xf32>
    %dot_general3A = arith.constant dense<0.000000e+00> : vector<3072x128xf32>
    %dot_general3A_23 = tpu.matmul %select_n3A, %get3A_22, %dot_general3A {dimension_numbers = #tpu.dot_dimension_numbers<[0], [0], [1], [1], [0, 1, 1, 1], [], []>, transpose_lhs_hint = false} : vector<8x3072xf32>, vector<8x128xf32>, vector<3072x128xf32> -> vector<3072x128xf32>
    %get3A_24 = arith.constant 0 : index
    %get3A_25 = arith.constant 0 : index
    %get3A_26 = vector.load %arg2[%get3A_24, %get3A_25] : memref<3072x128xf32, #tpu.memory_space<vmem>>, vector<3072x128xf32>
    %add3A_27 = arith.addf %get3A_26, %dot_general3A_23 : vector<3072x128xf32>
    %mul3A_28 = arith.constant 0.0883883461 : f32
    %mul3A_29 = vector.broadcast %mul3A_28 : f32 to vector<3072x128xf32>
    %mul3A_30 = arith.mulf %add3A_27, %mul3A_29 : vector<3072x128xf32>
    %reduce_sum3A = arith.constant dense<0.000000e+00> : vector<3072xf32>
    %reduce_sum3A_31 = vector.multi_reduction <add>, %mul3A_30, %reduce_sum3A [1] : vector<3072x128xf32> to vector<3072xf32>
    %broadcast_in_dim3A_32 = vector.shape_cast %reduce_sum3A_31 : vector<3072xf32> to vector<3072x1xf32>
    %div3A = arith.constant 1.280000e+02 : f32
    %div3A_33 = vector.broadcast %div3A : f32 to vector<3072x1xf32>
    %div3A_34 = arith.divf %broadcast_in_dim3A_32, %div3A_33 : vector<3072x1xf32>
    %sub3A = vector.broadcast %div3A_34 : vector<3072x1xf32> to vector<3072x128xf32>
    %sub3A_35 = arith.subf %mul3A_30, %sub3A : vector<3072x128xf32>
    %integer_pow3A = arith.mulf %sub3A_35, %sub3A_35 : vector<3072x128xf32>
    %reduce_sum3A_36 = arith.constant dense<0.000000e+00> : vector<3072xf32>
    %reduce_sum3A_37 = vector.multi_reduction <add>, %integer_pow3A, %reduce_sum3A_36 [1] : vector<3072x128xf32> to vector<3072xf32>
    %broadcast_in_dim3A_38 = vector.shape_cast %reduce_sum3A_37 : vector<3072xf32> to vector<3072x1xf32>
    %div3A_39 = arith.constant 1.280000e+02 : f32
    %div3A_40 = vector.broadcast %div3A_39 : f32 to vector<3072x1xf32>
    %div3A_41 = arith.divf %broadcast_in_dim3A_38, %div3A_40 : vector<3072x1xf32>
    %sub3A_42 = vector.broadcast %div3A_34 : vector<3072x1xf32> to vector<3072x128xf32>
    %sub3A_43 = arith.subf %mul3A_30, %sub3A_42 : vector<3072x128xf32>
    %add3A_44 = arith.constant 9.99999974E-6 : f32
    %add3A_45 = vector.broadcast %add3A_44 : f32 to vector<3072x1xf32>
    %add3A_46 = arith.addf %div3A_41, %add3A_45 : vector<3072x1xf32>
    %sqrt3A = math.sqrt %add3A_46 : vector<3072x1xf32>
    %div3A_47 = vector.broadcast %sqrt3A : vector<3072x1xf32> to vector<3072x128xf32>
    %div3A_48 = arith.divf %sub3A_43, %div3A_47 : vector<3072x128xf32>
    %mul3A_49 = vector.broadcast %reshape3A : vector<1x128xf32> to vector<3072x128xf32>
    %mul3A_50 = arith.mulf %div3A_48, %mul3A_49 : vector<3072x128xf32>
    %add3A_51 = vector.broadcast %reshape3A_3 : vector<1x128xf32> to vector<3072x128xf32>
    %add3A_52 = arith.addf %mul3A_50, %add3A_51 : vector<3072x128xf32>
    %swap3A = arith.constant 0 : index
    %swap3A_53 = arith.constant 0 : index
    %swap3A_54 = vector.load %arg9[%swap3A, %swap3A_53] : memref<3072x128xf32, #tpu.memory_space<vmem>>, vector<3072x128xf32>
    tpu.vector_store %arg9[%swap3A, %swap3A_53], %add3A_52 {strides = array<i32>} : memref<3072x128xf32, #tpu.memory_space<vmem>>, vector<3072x128xf32>,
    return
  }
  func.func @transform_1(%arg0: i32) -> (i32, i32) {
    %c0_i32 = arith.constant 0 : i32
    %c0_i32_0 = arith.constant 0 : i32
    return %arg0, %c0_i32 : i32, i32
  }
  func.func @transform_2(%arg0: i32) -> (i32, i32, i32) {
    %add3A = arith.constant 1 : i32
    %add3A_0 = arith.addi %add3A, %arg0 : i32
    %c0_i32 = arith.constant 0 : i32
    %c0_i32_1 = arith.constant 0 : i32
    %c0_i32_2 = arith.constant 0 : i32
    return %add3A_0, %c0_i32, %c0_i32_1 : i32, i32, i32
  }
  func.func @transform_3(%arg0: i32) -> (i32, i32) {
    %c0_i32 = arith.constant 0 : i32
    %c0_i32_0 = arith.constant 0 : i32
    %c0_i32_1 = arith.constant 0 : i32
    return %c0_i32, %c0_i32_0 : i32, i32
  }
  func.func @transform_4(%arg0: i32) -> (i32, i32) {
    %c0_i32 = arith.constant 0 : i32
    %c0_i32_0 = arith.constant 0 : i32
    %c0_i32_1 = arith.constant 0 : i32
    return %c0_i32, %c0_i32_0 : i32, i32
  }
  func.func @transform_5(%arg0: i32) -> (i32, i32) {
    %c0_i32 = arith.constant 0 : i32
    %c0_i32_0 = arith.constant 0 : i32
    %c0_i32_1 = arith.constant 0 : i32
    return %c0_i32, %c0_i32_0 : i32, i32
  }
  func.func @transform_6(%arg0: i32) -> i32 {
    %c0_i32 = arith.constant 0 : i32
    %c0_i32_0 = arith.constant 0 : i32
    return %c0_i32 : i32
  }
  func.func @transform_7(%arg0: i32) -> i32 {
    %c0_i32 = arith.constant 0 : i32
    %c0_i32_0 = arith.constant 0 : i32
    return %c0_i32 : i32
  }
  func.func @transform_8(%arg0: i32) -> (i32, i32) {
    %add3A = arith.constant 1 : i32
    %add3A_0 = arith.addi %add3A, %arg0 : i32
    %c0_i32 = arith.constant 0 : i32
    %c0_i32_1 = arith.constant 0 : i32
    return %add3A_0, %c0_i32 : i32, i32
  }
}

module attributes {stable_mosaic.version = 14 : i64} {
  func.func @_head_body(%arg0: i32, %arg1: memref<1024x128xf32, #tpu.memory_space<vmem>>, %arg2: memref<1x1x1024xf32, #tpu.memory_space<vmem>>, %arg3: memref<1024x32xf32, #tpu.memory_space<vmem>>, %arg4: memref<8x128xf32, #tpu.memory_space<vmem>>, %arg5: memref<32x128xf32, #tpu.memory_space<vmem>>, %arg6: memref<128xf32, #tpu.memory_space<vmem>>, %arg7: memref<8x1xf32, #tpu.memory_space<vmem>>, %arg8: memref<8x1xf32, #tpu.memory_space<vmem>>, %arg9: memref<128xf32, #tpu.memory_space<vmem>>, %arg10: memref<128xf32, #tpu.memory_space<vmem>>, %arg11: memref<1024x128xf32, #tpu.memory_space<vmem>>) attributes {dimension_semantics = [#tpu.dimension_semantics<arbitrary>], iteration_bounds = array<i64: 3>, scalar_prefetch = 0 : i64, scratch_operands = 0 : i64, tpu.core_type = #tpu.core_type<tc>, window_params = [{transform_indices = @transform_0, window_bounds = array<i64: 1024, 128>}, {transform_indices = @transform_1, window_bounds = array<i64: 1, 1, 1024>}, {pipeline_mode = #tpu.pipeline_mode<synchronous>, transform_indices = @transform_2, window_bounds = array<i64: 1024, 32>}, {pipeline_mode = #tpu.pipeline_mode<synchronous>, transform_indices = @transform_3, window_bounds = array<i64: 8, 128>}, {pipeline_mode = #tpu.pipeline_mode<synchronous>, transform_indices = @transform_4, window_bounds = array<i64: 32, 128>}, {pipeline_mode = #tpu.pipeline_mode<synchronous>, transform_indices = @transform_5, window_bounds = array<i64: 128>}, {pipeline_mode = #tpu.pipeline_mode<synchronous>, transform_indices = @transform_6, window_bounds = array<i64: 8, 1>}, {pipeline_mode = #tpu.pipeline_mode<synchronous>, transform_indices = @transform_7, window_bounds = array<i64: 8, 1>}, {pipeline_mode = #tpu.pipeline_mode<synchronous>, transform_indices = @transform_8, window_bounds = array<i64: 128>}, {pipeline_mode = #tpu.pipeline_mode<synchronous>, transform_indices = @transform_9, window_bounds = array<i64: 128>}, {transform_indices = @transform_10, window_bounds = array<i64: 1024, 128>}]} {
    %get3A = arith.constant 0 : index
    %get3A_0 = vector.load %arg9[%get3A] : memref<128xf32, #tpu.memory_space<vmem>>, vector<128xf32>
    %reshape3A = vector.shape_cast %get3A_0 : vector<128xf32> to vector<1x128xf32>
    %get3A_1 = arith.constant 0 : index
    %get3A_2 = vector.load %arg10[%get3A_1] : memref<128xf32, #tpu.memory_space<vmem>>, vector<128xf32>
    %reshape3A_3 = vector.shape_cast %get3A_2 : vector<128xf32> to vector<1x128xf32>
    %get3A_4 = arith.constant 0 : index
    %get3A_5 = arith.constant 0 : index
    %get3A_6 = arith.constant 0 : index
    %get3A_7 = vector.load %arg2[%get3A_4, %get3A_5, %get3A_6] : memref<1x1x1024xf32, #tpu.memory_space<vmem>>, vector<1x1x1024xf32>
    %get3A_8 = vector.shape_cast %get3A_7 : vector<1x1x1024xf32> to vector<1x1024xf32>
    %broadcast_in_dim3A = vector.shape_cast %get3A_8 : vector<1x1024xf32> to vector<1x1024xf32>
    %broadcast_in_dim3A_9 = vector.broadcast %broadcast_in_dim3A : vector<1x1024xf32> to vector<8x1024xf32>
    %get3A_10 = arith.constant 0 : index
    %get3A_11 = arith.constant 0 : index
    %get3A_12 = vector.load %arg7[%get3A_10, %get3A_11] : memref<8x1xf32, #tpu.memory_space<vmem>>, vector<8x1xf32>
    %mul3A = vector.broadcast %get3A_12 : vector<8x1xf32> to vector<8x1024xf32>
    %mul3A_13 = arith.mulf %broadcast_in_dim3A_9, %mul3A : vector<8x1024xf32>
    %get3A_14 = arith.constant 0 : index
    %get3A_15 = arith.constant 0 : index
    %get3A_16 = vector.load %arg8[%get3A_14, %get3A_15] : memref<8x1xf32, #tpu.memory_space<vmem>>, vector<8x1xf32>
    %add3A = vector.broadcast %get3A_16 : vector<8x1xf32> to vector<8x1024xf32>
    %add3A_17 = arith.addf %mul3A_13, %add3A : vector<8x1024xf32>
    %sin3A = math.sin %add3A_17 : vector<8x1024xf32>
    %iota3A = tpu.iota {dimensions = array<i32: 0>} : vector<8x1024xi32>
    %eq3A = arith.constant 0 : i32
    %eq3A_18 = vector.broadcast %eq3A : i32 to vector<8x1024xi32>
    %eq3A_19 = arith.cmpi eq, %iota3A, %eq3A_18 : vector<8x1024xi32>
    %select_n3A = arith.select %eq3A_19, %add3A_17, %sin3A : vector<8x1024xi1>, vector<8x1024xf32>
    %get3A_20 = arith.constant 0 : index
    %get3A_21 = arith.constant 0 : index
    %get3A_22 = vector.load %arg4[%get3A_20, %get3A_21] : memref<8x128xf32, #tpu.memory_space<vmem>>, vector<8x128xf32>
    %dot_general3A = arith.constant dense<0.000000e+00> : vector<1024x128xf32>
    %dot_general3A_23 = tpu.matmul %select_n3A, %get3A_22, %dot_general3A {dimension_numbers = #tpu.dot_dimension_numbers<[0], [0], [1], [1], [0, 1, 1, 1], [], []>, transpose_lhs_hint = false} : vector<8x1024xf32>, vector<8x128xf32>, vector<1024x128xf32> -> vector<1024x128xf32>
    %get3A_24 = arith.constant 0 : index
    %get3A_25 = arith.constant 0 : index
    %get3A_26 = vector.load %arg1[%get3A_24, %get3A_25] : memref<1024x128xf32, #tpu.memory_space<vmem>>, vector<1024x128xf32>
    %add3A_27 = arith.addf %get3A_26, %dot_general3A_23 : vector<1024x128xf32>
    %mul3A_28 = arith.constant 0.0883883461 : f32
    %mul3A_29 = vector.broadcast %mul3A_28 : f32 to vector<1024x128xf32>
    %mul3A_30 = arith.mulf %add3A_27, %mul3A_29 : vector<1024x128xf32>
    %get3A_31 = arith.constant 0 : index
    %get3A_32 = vector.load %arg6[%get3A_31] : memref<128xf32, #tpu.memory_space<vmem>>, vector<128xf32>
    %reshape3A_33 = vector.shape_cast %get3A_32 : vector<128xf32> to vector<1x128xf32>
    %get3A_34 = arith.constant 0 : index
    %get3A_35 = arith.constant 0 : index
    %get3A_36 = vector.load %arg3[%get3A_34, %get3A_35] : memref<1024x32xf32, #tpu.memory_space<vmem>>, vector<1024x32xf32>
    %get3A_37 = arith.constant 0 : index
    %get3A_38 = arith.constant 0 : index
    %get3A_39 = vector.load %arg5[%get3A_37, %get3A_38] : memref<32x128xf32, #tpu.memory_space<vmem>>, vector<32x128xf32>
    %dot_general3A_40 = arith.constant dense<0.000000e+00> : vector<1024x128xf32>
    %dot_general3A_41 = tpu.matmul %get3A_36, %get3A_39, %dot_general3A_40 {dimension_numbers = #tpu.dot_dimension_numbers<[1], [0], [0], [1], [0, 0, 1, 1], [], []>, transpose_lhs_hint = false} : vector<1024x32xf32>, vector<32x128xf32>, vector<1024x128xf32> -> vector<1024x128xf32>
    %add3A_42 = vector.broadcast %reshape3A_33 : vector<1x128xf32> to vector<1024x128xf32>
    %add3A_43 = arith.addf %add3A_42, %dot_general3A_41 : vector<1024x128xf32>
    %eq3A_44 = arith.constant 0 : i32
    %eq3A_45 = arith.cmpi eq, %arg0, %eq3A_44 : i32
    %select_n3A_46 = arith.select %eq3A_45, %add3A_43, %mul3A_30 : vector<1024x128xf32>
    %reduce_sum3A = arith.constant dense<0.000000e+00> : vector<1024xf32>
    %reduce_sum3A_47 = vector.multi_reduction <add>, %select_n3A_46, %reduce_sum3A [1] : vector<1024x128xf32> to vector<1024xf32>
    %broadcast_in_dim3A_48 = vector.shape_cast %reduce_sum3A_47 : vector<1024xf32> to vector<1024x1xf32>
    %div3A = arith.constant 1.280000e+02 : f32
    %div3A_49 = vector.broadcast %div3A : f32 to vector<1024x1xf32>
    %div3A_50 = arith.divf %broadcast_in_dim3A_48, %div3A_49 : vector<1024x1xf32>
    %sub3A = vector.broadcast %div3A_50 : vector<1024x1xf32> to vector<1024x128xf32>
    %sub3A_51 = arith.subf %select_n3A_46, %sub3A : vector<1024x128xf32>
    %integer_pow3A = arith.mulf %sub3A_51, %sub3A_51 : vector<1024x128xf32>
    %reduce_sum3A_52 = arith.constant dense<0.000000e+00> : vector<1024xf32>
    %reduce_sum3A_53 = vector.multi_reduction <add>, %integer_pow3A, %reduce_sum3A_52 [1] : vector<1024x128xf32> to vector<1024xf32>
    %broadcast_in_dim3A_54 = vector.shape_cast %reduce_sum3A_53 : vector<1024xf32> to vector<1024x1xf32>
    %div3A_55 = arith.constant 1.280000e+02 : f32
    %div3A_56 = vector.broadcast %div3A_55 : f32 to vector<1024x1xf32>
    %div3A_57 = arith.divf %broadcast_in_dim3A_54, %div3A_56 : vector<1024x1xf32>
    %sub3A_58 = vector.broadcast %div3A_50 : vector<1024x1xf32> to vector<1024x128xf32>
    %sub3A_59 = arith.subf %select_n3A_46, %sub3A_58 : vector<1024x128xf32>
    %add3A_60 = arith.constant 9.99999974E-6 : f32
    %add3A_61 = vector.broadcast %add3A_60 : f32 to vector<1024x1xf32>
    %add3A_62 = arith.addf %div3A_57, %add3A_61 : vector<1024x1xf32>
    %sqrt3A = math.sqrt %add3A_62 : vector<1024x1xf32>
    %div3A_63 = vector.broadcast %sqrt3A : vector<1024x1xf32> to vector<1024x128xf32>
    %div3A_64 = arith.divf %sub3A_59, %div3A_63 : vector<1024x128xf32>
    %mul3A_65 = vector.broadcast %reshape3A : vector<1x128xf32> to vector<1024x128xf32>
    %mul3A_66 = arith.mulf %div3A_64, %mul3A_65 : vector<1024x128xf32>
    %add3A_67 = vector.broadcast %reshape3A_3 : vector<1x128xf32> to vector<1024x128xf32>
    %add3A_68 = arith.addf %mul3A_66, %add3A_67 : vector<1024x128xf32>
    %swap3A = arith.constant 0 : index
    %swap3A_69 = arith.constant 0 : index
    %swap3A_70 = vector.load %arg11[%swap3A, %swap3A_69] : memref<1024x128xf32, #tpu.memory_space<vmem>>, vector<1024x128xf32>
    tpu.vector_store %arg11[%swap3A, %swap3A_69], %add3A_68 {strides = array<i32>} : memref<1024x128xf32, #tpu.memory_space<vmem>>, vector<1024x128xf32>,
    return
  }
  func.func @transform_0(%arg0: i32) -> (i32, i32) {
    %sub3A = arith.constant 1 : i32
    %sub3A_0 = arith.subi %arg0, %sub3A : i32
    %max3A = arith.constant 0 : i32
    %max3A_1 = arith.maxsi %sub3A_0, %max3A : i32
    %c0_i32 = arith.constant 0 : i32
    %c0_i32_2 = arith.constant 0 : i32
    return %max3A_1, %c0_i32 : i32, i32
  }
  func.func @transform_1(%arg0: i32) -> (i32, i32, i32) {
    %c0_i32 = arith.constant 0 : i32
    %c0_i32_0 = arith.constant 0 : i32
    %c0_i32_1 = arith.constant 0 : i32
    return %arg0, %c0_i32, %c0_i32_0 : i32, i32, i32
  }
  func.func @transform_2(%arg0: i32) -> (i32, i32) {
    %c0_i32 = arith.constant 0 : i32
    %c0_i32_0 = arith.constant 0 : i32
    %c0_i32_1 = arith.constant 0 : i32
    return %c0_i32, %c0_i32_0 : i32, i32
  }
  func.func @transform_3(%arg0: i32) -> (i32, i32) {
    %c0_i32 = arith.constant 0 : i32
    %c0_i32_0 = arith.constant 0 : i32
    %c0_i32_1 = arith.constant 0 : i32
    return %c0_i32, %c0_i32_0 : i32, i32
  }
  func.func @transform_4(%arg0: i32) -> (i32, i32) {
    %c0_i32 = arith.constant 0 : i32
    %c0_i32_0 = arith.constant 0 : i32
    %c0_i32_1 = arith.constant 0 : i32
    return %c0_i32, %c0_i32_0 : i32, i32
  }
  func.func @transform_5(%arg0: i32) -> i32 {
    %c0_i32 = arith.constant 0 : i32
    %c0_i32_0 = arith.constant 0 : i32
    return %c0_i32 : i32
  }
  func.func @transform_6(%arg0: i32) -> (i32, i32) {
    %c0_i32 = arith.constant 0 : i32
    %c0_i32_0 = arith.constant 0 : i32
    %c0_i32_1 = arith.constant 0 : i32
    return %c0_i32, %c0_i32_0 : i32, i32
  }
  func.func @transform_7(%arg0: i32) -> (i32, i32) {
    %c0_i32 = arith.constant 0 : i32
    %c0_i32_0 = arith.constant 0 : i32
    %c0_i32_1 = arith.constant 0 : i32
    return %c0_i32, %c0_i32_0 : i32, i32
  }
  func.func @transform_8(%arg0: i32) -> i32 {
    %c0_i32 = arith.constant 0 : i32
    %c0_i32_0 = arith.constant 0 : i32
    return %c0_i32 : i32
  }
  func.func @transform_9(%arg0: i32) -> i32 {
    %c0_i32 = arith.constant 0 : i32
    %c0_i32_0 = arith.constant 0 : i32
    return %c0_i32 : i32
  }
  func.func @transform_10(%arg0: i32) -> (i32, i32) {
    %c0_i32 = arith.constant 0 : i32
    %c0_i32_0 = arith.constant 0 : i32
    return %arg0, %c0_i32 : i32, i32
  }
}

module attributes {stable_mosaic.version = 14 : i64} {
  func.func @_lambda_(%arg0: i32, %arg1: memref<205824x128xf32, #tpu.memory_space<any>>, %arg2: memref<3072x128xf32, #tpu.memory_space<vmem>>, %arg3: memref<1x1x3072xf32, #tpu.memory_space<vmem>>, %arg4: memref<8x128xf32, #tpu.memory_space<vmem>>, %arg5: memref<8x1xf32, #tpu.memory_space<vmem>>, %arg6: memref<8x1xf32, #tpu.memory_space<vmem>>, %arg7: memref<128xf32, #tpu.memory_space<vmem>>, %arg8: memref<128xf32, #tpu.memory_space<vmem>>, %arg9: memref<3072x128xf32, #tpu.memory_space<vmem>>) attributes {dimension_semantics = [#tpu.dimension_semantics<arbitrary>], iteration_bounds = array<i64: 12>, scalar_prefetch = 0 : i64, scratch_operands = 0 : i64, tpu.core_type = #tpu.core_type<tc>, window_params = [{}, {transform_indices = @transform_1, window_bounds = array<i64: 3072, 128>}, {transform_indices = @transform_2, window_bounds = array<i64: 1, 1, 3072>}, {pipeline_mode = #tpu.pipeline_mode<synchronous>, transform_indices = @transform_3, window_bounds = array<i64: 8, 128>}, {pipeline_mode = #tpu.pipeline_mode<synchronous>, transform_indices = @transform_4, window_bounds = array<i64: 8, 1>}, {pipeline_mode = #tpu.pipeline_mode<synchronous>, transform_indices = @transform_5, window_bounds = array<i64: 8, 1>}, {pipeline_mode = #tpu.pipeline_mode<synchronous>, transform_indices = @transform_6, window_bounds = array<i64: 128>}, {pipeline_mode = #tpu.pipeline_mode<synchronous>, transform_indices = @transform_7, window_bounds = array<i64: 128>}, {transform_indices = @transform_8, window_bounds = array<i64: 3072, 128>}]} {
    %get3A = arith.constant 0 : index
    %get3A_0 = vector.load %arg7[%get3A] : memref<128xf32, #tpu.memory_space<vmem>>, vector<128xf32>
    %reshape3A = vector.shape_cast %get3A_0 : vector<128xf32> to vector<1x128xf32>
    %get3A_1 = arith.constant 0 : index
    %get3A_2 = vector.load %arg8[%get3A_1] : memref<128xf32, #tpu.memory_space<vmem>>, vector<128xf32>
    %reshape3A_3 = vector.shape_cast %get3A_2 : vector<128xf32> to vector<1x128xf32>
    %get3A_4 = arith.constant 0 : index
    %get3A_5 = arith.constant 0 : index
    %get3A_6 = arith.constant 0 : index
    %get3A_7 = vector.load %arg3[%get3A_4, %get3A_5, %get3A_6] : memref<1x1x3072xf32, #tpu.memory_space<vmem>>, vector<1x1x3072xf32>
    %get3A_8 = vector.shape_cast %get3A_7 : vector<1x1x3072xf32> to vector<1x3072xf32>
    %broadcast_in_dim3A = vector.shape_cast %get3A_8 : vector<1x3072xf32> to vector<1x3072xf32>
    %broadcast_in_dim3A_9 = vector.broadcast %broadcast_in_dim3A : vector<1x3072xf32> to vector<8x3072xf32>
    %get3A_10 = arith.constant 0 : index
    %get3A_11 = arith.constant 0 : index
    %get3A_12 = vector.load %arg5[%get3A_10, %get3A_11] : memref<8x1xf32, #tpu.memory_space<vmem>>, vector<8x1xf32>
    %mul3A = vector.broadcast %get3A_12 : vector<8x1xf32> to vector<8x3072xf32>
    %mul3A_13 = arith.mulf %broadcast_in_dim3A_9, %mul3A : vector<8x3072xf32>
    %get3A_14 = arith.constant 0 : index
    %get3A_15 = arith.constant 0 : index
    %get3A_16 = vector.load %arg6[%get3A_14, %get3A_15] : memref<8x1xf32, #tpu.memory_space<vmem>>, vector<8x1xf32>
    %add3A = vector.broadcast %get3A_16 : vector<8x1xf32> to vector<8x3072xf32>
    %add3A_17 = arith.addf %mul3A_13, %add3A : vector<8x3072xf32>
    %sin3A = math.sin %add3A_17 : vector<8x3072xf32>
    %iota3A = tpu.iota {dimensions = array<i32: 0>} : vector<8x3072xi32>
    %eq3A = arith.constant 0 : i32
    %eq3A_18 = vector.broadcast %eq3A : i32 to vector<8x3072xi32>
    %eq3A_19 = arith.cmpi eq, %iota3A, %eq3A_18 : vector<8x3072xi32>
    %select_n3A = arith.select %eq3A_19, %add3A_17, %sin3A : vector<8x3072xi1>, vector<8x3072xf32>
    %get3A_20 = arith.constant 0 : index
    %get3A_21 = arith.constant 0 : index
    %get3A_22 = vector.load %arg4[%get3A_20, %get3A_21] : memref<8x128xf32, #tpu.memory_space<vmem>>, vector<8x128xf32>
    %dot_general3A = arith.constant dense<0.000000e+00> : vector<3072x128xf32>
    %dot_general3A_23 = tpu.matmul %select_n3A, %get3A_22, %dot_general3A {dimension_numbers = #tpu.dot_dimension_numbers<[0], [0], [1], [1], [0, 1, 1, 1], [], []>, transpose_lhs_hint = false} : vector<8x3072xf32>, vector<8x128xf32>, vector<3072x128xf32> -> vector<3072x128xf32>
    %get3A_24 = arith.constant 0 : index
    %get3A_25 = arith.constant 0 : index
    %get3A_26 = vector.load %arg2[%get3A_24, %get3A_25] : memref<3072x128xf32, #tpu.memory_space<vmem>>, vector<3072x128xf32>
    %add3A_27 = arith.addf %get3A_26, %dot_general3A_23 : vector<3072x128xf32>
    %mul3A_28 = arith.constant 0.0883883461 : f32
    %mul3A_29 = vector.broadcast %mul3A_28 : f32 to vector<3072x128xf32>
    %mul3A_30 = arith.mulf %add3A_27, %mul3A_29 : vector<3072x128xf32>
    %reduce_sum3A = arith.constant dense<0.000000e+00> : vector<3072xf32>
    %reduce_sum3A_31 = vector.multi_reduction <add>, %mul3A_30, %reduce_sum3A [1] : vector<3072x128xf32> to vector<3072xf32>
    %broadcast_in_dim3A_32 = vector.shape_cast %reduce_sum3A_31 : vector<3072xf32> to vector<3072x1xf32>
    %div3A = arith.constant 1.280000e+02 : f32
    %div3A_33 = vector.broadcast %div3A : f32 to vector<3072x1xf32>
    %div3A_34 = arith.divf %broadcast_in_dim3A_32, %div3A_33 : vector<3072x1xf32>
    %sub3A = vector.broadcast %div3A_34 : vector<3072x1xf32> to vector<3072x128xf32>
    %sub3A_35 = arith.subf %mul3A_30, %sub3A : vector<3072x128xf32>
    %integer_pow3A = arith.mulf %sub3A_35, %sub3A_35 : vector<3072x128xf32>
    %reduce_sum3A_36 = arith.constant dense<0.000000e+00> : vector<3072xf32>
    %reduce_sum3A_37 = vector.multi_reduction <add>, %integer_pow3A, %reduce_sum3A_36 [1] : vector<3072x128xf32> to vector<3072xf32>
    %broadcast_in_dim3A_38 = vector.shape_cast %reduce_sum3A_37 : vector<3072xf32> to vector<3072x1xf32>
    %div3A_39 = arith.constant 1.280000e+02 : f32
    %div3A_40 = vector.broadcast %div3A_39 : f32 to vector<3072x1xf32>
    %div3A_41 = arith.divf %broadcast_in_dim3A_38, %div3A_40 : vector<3072x1xf32>
    %sub3A_42 = vector.broadcast %div3A_34 : vector<3072x1xf32> to vector<3072x128xf32>
    %sub3A_43 = arith.subf %mul3A_30, %sub3A_42 : vector<3072x128xf32>
    %add3A_44 = arith.constant 9.99999974E-6 : f32
    %add3A_45 = vector.broadcast %add3A_44 : f32 to vector<3072x1xf32>
    %add3A_46 = arith.addf %div3A_41, %add3A_45 : vector<3072x1xf32>
    %sqrt3A = math.sqrt %add3A_46 : vector<3072x1xf32>
    %div3A_47 = vector.broadcast %sqrt3A : vector<3072x1xf32> to vector<3072x128xf32>
    %div3A_48 = arith.divf %sub3A_43, %div3A_47 : vector<3072x128xf32>
    %mul3A_49 = vector.broadcast %reshape3A : vector<1x128xf32> to vector<3072x128xf32>
    %mul3A_50 = arith.mulf %div3A_48, %mul3A_49 : vector<3072x128xf32>
    %add3A_51 = vector.broadcast %reshape3A_3 : vector<1x128xf32> to vector<3072x128xf32>
    %add3A_52 = arith.addf %mul3A_50, %add3A_51 : vector<3072x128xf32>
    %swap3A = arith.constant 0 : index
    %swap3A_53 = arith.constant 0 : index
    %swap3A_54 = vector.load %arg9[%swap3A, %swap3A_53] : memref<3072x128xf32, #tpu.memory_space<vmem>>, vector<3072x128xf32>
    tpu.vector_store %arg9[%swap3A, %swap3A_53], %add3A_52 {strides = array<i32>} : memref<3072x128xf32, #tpu.memory_space<vmem>>, vector<3072x128xf32>,
    return
  }
  func.func @transform_1(%arg0: i32) -> (i32, i32) {
    %c0_i32 = arith.constant 0 : i32
    %c0_i32_0 = arith.constant 0 : i32
    return %arg0, %c0_i32 : i32, i32
  }
  func.func @transform_2(%arg0: i32) -> (i32, i32, i32) {
    %add3A = arith.constant 6 : i32
    %add3A_0 = arith.addi %add3A, %arg0 : i32
    %c0_i32 = arith.constant 0 : i32
    %c0_i32_1 = arith.constant 0 : i32
    %c0_i32_2 = arith.constant 0 : i32
    return %add3A_0, %c0_i32, %c0_i32_1 : i32, i32, i32
  }
  func.func @transform_3(%arg0: i32) -> (i32, i32) {
    %c0_i32 = arith.constant 0 : i32
    %c0_i32_0 = arith.constant 0 : i32
    %c0_i32_1 = arith.constant 0 : i32
    return %c0_i32, %c0_i32_0 : i32, i32
  }
  func.func @transform_4(%arg0: i32) -> (i32, i32) {
    %c0_i32 = arith.constant 0 : i32
    %c0_i32_0 = arith.constant 0 : i32
    %c0_i32_1 = arith.constant 0 : i32
    return %c0_i32, %c0_i32_0 : i32, i32
  }
  func.func @transform_5(%arg0: i32) -> (i32, i32) {
    %c0_i32 = arith.constant 0 : i32
    %c0_i32_0 = arith.constant 0 : i32
    %c0_i32_1 = arith.constant 0 : i32
    return %c0_i32, %c0_i32_0 : i32, i32
  }
  func.func @transform_6(%arg0: i32) -> i32 {
    %c0_i32 = arith.constant 0 : i32
    %c0_i32_0 = arith.constant 0 : i32
    return %c0_i32 : i32
  }
  func.func @transform_7(%arg0: i32) -> i32 {
    %c0_i32 = arith.constant 0 : i32
    %c0_i32_0 = arith.constant 0 : i32
    return %c0_i32 : i32
  }
  func.func @transform_8(%arg0: i32) -> (i32, i32) {
    %add3A = arith.constant 6 : i32
    %add3A_0 = arith.addi %add3A, %arg0 : i32
    %c0_i32 = arith.constant 0 : i32
    %c0_i32_1 = arith.constant 0 : i32
    return %add3A_0, %c0_i32 : i32, i32
  }
}

module attributes {stable_mosaic.version = 14 : i64} {
  func.func @_lambda_(%arg0: i32, %arg1: memref<205824x128xf32, #tpu.memory_space<any>>, %arg2: memref<3072x128xf32, #tpu.memory_space<vmem>>, %arg3: memref<1x1x3072xf32, #tpu.memory_space<vmem>>, %arg4: memref<8x128xf32, #tpu.memory_space<vmem>>, %arg5: memref<8x1xf32, #tpu.memory_space<vmem>>, %arg6: memref<8x1xf32, #tpu.memory_space<vmem>>, %arg7: memref<128xf32, #tpu.memory_space<vmem>>, %arg8: memref<128xf32, #tpu.memory_space<vmem>>, %arg9: memref<3072x128xf32, #tpu.memory_space<vmem>>) attributes {dimension_semantics = [#tpu.dimension_semantics<arbitrary>], iteration_bounds = array<i64: 16>, scalar_prefetch = 0 : i64, scratch_operands = 0 : i64, tpu.core_type = #tpu.core_type<tc>, window_params = [{}, {transform_indices = @transform_1, window_bounds = array<i64: 3072, 128>}, {transform_indices = @transform_2, window_bounds = array<i64: 1, 1, 3072>}, {pipeline_mode = #tpu.pipeline_mode<synchronous>, transform_indices = @transform_3, window_bounds = array<i64: 8, 128>}, {pipeline_mode = #tpu.pipeline_mode<synchronous>, transform_indices = @transform_4, window_bounds = array<i64: 8, 1>}, {pipeline_mode = #tpu.pipeline_mode<synchronous>, transform_indices = @transform_5, window_bounds = array<i64: 8, 1>}, {pipeline_mode = #tpu.pipeline_mode<synchronous>, transform_indices = @transform_6, window_bounds = array<i64: 128>}, {pipeline_mode = #tpu.pipeline_mode<synchronous>, transform_indices = @transform_7, window_bounds = array<i64: 128>}, {transform_indices = @transform_8, window_bounds = array<i64: 3072, 128>}]} {
    %get3A = arith.constant 0 : index
    %get3A_0 = vector.load %arg7[%get3A] : memref<128xf32, #tpu.memory_space<vmem>>, vector<128xf32>
    %reshape3A = vector.shape_cast %get3A_0 : vector<128xf32> to vector<1x128xf32>
    %get3A_1 = arith.constant 0 : index
    %get3A_2 = vector.load %arg8[%get3A_1] : memref<128xf32, #tpu.memory_space<vmem>>, vector<128xf32>
    %reshape3A_3 = vector.shape_cast %get3A_2 : vector<128xf32> to vector<1x128xf32>
    %get3A_4 = arith.constant 0 : index
    %get3A_5 = arith.constant 0 : index
    %get3A_6 = arith.constant 0 : index
    %get3A_7 = vector.load %arg3[%get3A_4, %get3A_5, %get3A_6] : memref<1x1x3072xf32, #tpu.memory_space<vmem>>, vector<1x1x3072xf32>
    %get3A_8 = vector.shape_cast %get3A_7 : vector<1x1x3072xf32> to vector<1x3072xf32>
    %broadcast_in_dim3A = vector.shape_cast %get3A_8 : vector<1x3072xf32> to vector<1x3072xf32>
    %broadcast_in_dim3A_9 = vector.broadcast %broadcast_in_dim3A : vector<1x3072xf32> to vector<8x3072xf32>
    %get3A_10 = arith.constant 0 : index
    %get3A_11 = arith.constant 0 : index
    %get3A_12 = vector.load %arg5[%get3A_10, %get3A_11] : memref<8x1xf32, #tpu.memory_space<vmem>>, vector<8x1xf32>
    %mul3A = vector.broadcast %get3A_12 : vector<8x1xf32> to vector<8x3072xf32>
    %mul3A_13 = arith.mulf %broadcast_in_dim3A_9, %mul3A : vector<8x3072xf32>
    %get3A_14 = arith.constant 0 : index
    %get3A_15 = arith.constant 0 : index
    %get3A_16 = vector.load %arg6[%get3A_14, %get3A_15] : memref<8x1xf32, #tpu.memory_space<vmem>>, vector<8x1xf32>
    %add3A = vector.broadcast %get3A_16 : vector<8x1xf32> to vector<8x3072xf32>
    %add3A_17 = arith.addf %mul3A_13, %add3A : vector<8x3072xf32>
    %sin3A = math.sin %add3A_17 : vector<8x3072xf32>
    %iota3A = tpu.iota {dimensions = array<i32: 0>} : vector<8x3072xi32>
    %eq3A = arith.constant 0 : i32
    %eq3A_18 = vector.broadcast %eq3A : i32 to vector<8x3072xi32>
    %eq3A_19 = arith.cmpi eq, %iota3A, %eq3A_18 : vector<8x3072xi32>
    %select_n3A = arith.select %eq3A_19, %add3A_17, %sin3A : vector<8x3072xi1>, vector<8x3072xf32>
    %get3A_20 = arith.constant 0 : index
    %get3A_21 = arith.constant 0 : index
    %get3A_22 = vector.load %arg4[%get3A_20, %get3A_21] : memref<8x128xf32, #tpu.memory_space<vmem>>, vector<8x128xf32>
    %dot_general3A = arith.constant dense<0.000000e+00> : vector<3072x128xf32>
    %dot_general3A_23 = tpu.matmul %select_n3A, %get3A_22, %dot_general3A {dimension_numbers = #tpu.dot_dimension_numbers<[0], [0], [1], [1], [0, 1, 1, 1], [], []>, transpose_lhs_hint = false} : vector<8x3072xf32>, vector<8x128xf32>, vector<3072x128xf32> -> vector<3072x128xf32>
    %get3A_24 = arith.constant 0 : index
    %get3A_25 = arith.constant 0 : index
    %get3A_26 = vector.load %arg2[%get3A_24, %get3A_25] : memref<3072x128xf32, #tpu.memory_space<vmem>>, vector<3072x128xf32>
    %add3A_27 = arith.addf %get3A_26, %dot_general3A_23 : vector<3072x128xf32>
    %mul3A_28 = arith.constant 0.0883883461 : f32
    %mul3A_29 = vector.broadcast %mul3A_28 : f32 to vector<3072x128xf32>
    %mul3A_30 = arith.mulf %add3A_27, %mul3A_29 : vector<3072x128xf32>
    %reduce_sum3A = arith.constant dense<0.000000e+00> : vector<3072xf32>
    %reduce_sum3A_31 = vector.multi_reduction <add>, %mul3A_30, %reduce_sum3A [1] : vector<3072x128xf32> to vector<3072xf32>
    %broadcast_in_dim3A_32 = vector.shape_cast %reduce_sum3A_31 : vector<3072xf32> to vector<3072x1xf32>
    %div3A = arith.constant 1.280000e+02 : f32
    %div3A_33 = vector.broadcast %div3A : f32 to vector<3072x1xf32>
    %div3A_34 = arith.divf %broadcast_in_dim3A_32, %div3A_33 : vector<3072x1xf32>
    %sub3A = vector.broadcast %div3A_34 : vector<3072x1xf32> to vector<3072x128xf32>
    %sub3A_35 = arith.subf %mul3A_30, %sub3A : vector<3072x128xf32>
    %integer_pow3A = arith.mulf %sub3A_35, %sub3A_35 : vector<3072x128xf32>
    %reduce_sum3A_36 = arith.constant dense<0.000000e+00> : vector<3072xf32>
    %reduce_sum3A_37 = vector.multi_reduction <add>, %integer_pow3A, %reduce_sum3A_36 [1] : vector<3072x128xf32> to vector<3072xf32>
    %broadcast_in_dim3A_38 = vector.shape_cast %reduce_sum3A_37 : vector<3072xf32> to vector<3072x1xf32>
    %div3A_39 = arith.constant 1.280000e+02 : f32
    %div3A_40 = vector.broadcast %div3A_39 : f32 to vector<3072x1xf32>
    %div3A_41 = arith.divf %broadcast_in_dim3A_38, %div3A_40 : vector<3072x1xf32>
    %sub3A_42 = vector.broadcast %div3A_34 : vector<3072x1xf32> to vector<3072x128xf32>
    %sub3A_43 = arith.subf %mul3A_30, %sub3A_42 : vector<3072x128xf32>
    %add3A_44 = arith.constant 9.99999974E-6 : f32
    %add3A_45 = vector.broadcast %add3A_44 : f32 to vector<3072x1xf32>
    %add3A_46 = arith.addf %div3A_41, %add3A_45 : vector<3072x1xf32>
    %sqrt3A = math.sqrt %add3A_46 : vector<3072x1xf32>
    %div3A_47 = vector.broadcast %sqrt3A : vector<3072x1xf32> to vector<3072x128xf32>
    %div3A_48 = arith.divf %sub3A_43, %div3A_47 : vector<3072x128xf32>
    %mul3A_49 = vector.broadcast %reshape3A : vector<1x128xf32> to vector<3072x128xf32>
    %mul3A_50 = arith.mulf %div3A_48, %mul3A_49 : vector<3072x128xf32>
    %add3A_51 = vector.broadcast %reshape3A_3 : vector<1x128xf32> to vector<3072x128xf32>
    %add3A_52 = arith.addf %mul3A_50, %add3A_51 : vector<3072x128xf32>
    %swap3A = arith.constant 0 : index
    %swap3A_53 = arith.constant 0 : index
    %swap3A_54 = vector.load %arg9[%swap3A, %swap3A_53] : memref<3072x128xf32, #tpu.memory_space<vmem>>, vector<3072x128xf32>
    tpu.vector_store %arg9[%swap3A, %swap3A_53], %add3A_52 {strides = array<i32>} : memref<3072x128xf32, #tpu.memory_space<vmem>>, vector<3072x128xf32>,
    return
  }
  func.func @transform_1(%arg0: i32) -> (i32, i32) {
    %c0_i32 = arith.constant 0 : i32
    %c0_i32_0 = arith.constant 0 : i32
    return %arg0, %c0_i32 : i32, i32
  }
  func.func @transform_2(%arg0: i32) -> (i32, i32, i32) {
    %add3A = arith.constant 18 : i32
    %add3A_0 = arith.addi %add3A, %arg0 : i32
    %c0_i32 = arith.constant 0 : i32
    %c0_i32_1 = arith.constant 0 : i32
    %c0_i32_2 = arith.constant 0 : i32
    return %add3A_0, %c0_i32, %c0_i32_1 : i32, i32, i32
  }
  func.func @transform_3(%arg0: i32) -> (i32, i32) {
    %c0_i32 = arith.constant 0 : i32
    %c0_i32_0 = arith.constant 0 : i32
    %c0_i32_1 = arith.constant 0 : i32
    return %c0_i32, %c0_i32_0 : i32, i32
  }
  func.func @transform_4(%arg0: i32) -> (i32, i32) {
    %c0_i32 = arith.constant 0 : i32
    %c0_i32_0 = arith.constant 0 : i32
    %c0_i32_1 = arith.constant 0 : i32
    return %c0_i32, %c0_i32_0 : i32, i32
  }
  func.func @transform_5(%arg0: i32) -> (i32, i32) {
    %c0_i32 = arith.constant 0 : i32
    %c0_i32_0 = arith.constant 0 : i32
    %c0_i32_1 = arith.constant 0 : i32
    return %c0_i32, %c0_i32_0 : i32, i32
  }
  func.func @transform_6(%arg0: i32) -> i32 {
    %c0_i32 = arith.constant 0 : i32
    %c0_i32_0 = arith.constant 0 : i32
    return %c0_i32 : i32
  }
  func.func @transform_7(%arg0: i32) -> i32 {
    %c0_i32 = arith.constant 0 : i32
    %c0_i32_0 = arith.constant 0 : i32
    return %c0_i32 : i32
  }
  func.func @transform_8(%arg0: i32) -> (i32, i32) {
    %add3A = arith.constant 18 : i32
    %add3A_0 = arith.addi %add3A, %arg0 : i32
    %c0_i32 = arith.constant 0 : i32
    %c0_i32_1 = arith.constant 0 : i32
    return %add3A_0, %c0_i32 : i32, i32
  }
}

module attributes {stable_mosaic.version = 14 : i64} {
  func.func @_lambda_(%arg0: i32, %arg1: memref<205824x128xf32, #tpu.memory_space<any>>, %arg2: memref<3072x128xf32, #tpu.memory_space<vmem>>, %arg3: memref<1x1x3072xf32, #tpu.memory_space<vmem>>, %arg4: memref<8x128xf32, #tpu.memory_space<vmem>>, %arg5: memref<8x1xf32, #tpu.memory_space<vmem>>, %arg6: memref<8x1xf32, #tpu.memory_space<vmem>>, %arg7: memref<128xf32, #tpu.memory_space<vmem>>, %arg8: memref<128xf32, #tpu.memory_space<vmem>>, %arg9: memref<3072x128xf32, #tpu.memory_space<vmem>>) attributes {dimension_semantics = [#tpu.dimension_semantics<arbitrary>], iteration_bounds = array<i64: 20>, scalar_prefetch = 0 : i64, scratch_operands = 0 : i64, tpu.core_type = #tpu.core_type<tc>, window_params = [{}, {transform_indices = @transform_1, window_bounds = array<i64: 3072, 128>}, {transform_indices = @transform_2, window_bounds = array<i64: 1, 1, 3072>}, {pipeline_mode = #tpu.pipeline_mode<synchronous>, transform_indices = @transform_3, window_bounds = array<i64: 8, 128>}, {pipeline_mode = #tpu.pipeline_mode<synchronous>, transform_indices = @transform_4, window_bounds = array<i64: 8, 1>}, {pipeline_mode = #tpu.pipeline_mode<synchronous>, transform_indices = @transform_5, window_bounds = array<i64: 8, 1>}, {pipeline_mode = #tpu.pipeline_mode<synchronous>, transform_indices = @transform_6, window_bounds = array<i64: 128>}, {pipeline_mode = #tpu.pipeline_mode<synchronous>, transform_indices = @transform_7, window_bounds = array<i64: 128>}, {transform_indices = @transform_8, window_bounds = array<i64: 3072, 128>}]} {
    %get3A = arith.constant 0 : index
    %get3A_0 = vector.load %arg7[%get3A] : memref<128xf32, #tpu.memory_space<vmem>>, vector<128xf32>
    %reshape3A = vector.shape_cast %get3A_0 : vector<128xf32> to vector<1x128xf32>
    %get3A_1 = arith.constant 0 : index
    %get3A_2 = vector.load %arg8[%get3A_1] : memref<128xf32, #tpu.memory_space<vmem>>, vector<128xf32>
    %reshape3A_3 = vector.shape_cast %get3A_2 : vector<128xf32> to vector<1x128xf32>
    %get3A_4 = arith.constant 0 : index
    %get3A_5 = arith.constant 0 : index
    %get3A_6 = arith.constant 0 : index
    %get3A_7 = vector.load %arg3[%get3A_4, %get3A_5, %get3A_6] : memref<1x1x3072xf32, #tpu.memory_space<vmem>>, vector<1x1x3072xf32>
    %get3A_8 = vector.shape_cast %get3A_7 : vector<1x1x3072xf32> to vector<1x3072xf32>
    %broadcast_in_dim3A = vector.shape_cast %get3A_8 : vector<1x3072xf32> to vector<1x3072xf32>
    %broadcast_in_dim3A_9 = vector.broadcast %broadcast_in_dim3A : vector<1x3072xf32> to vector<8x3072xf32>
    %get3A_10 = arith.constant 0 : index
    %get3A_11 = arith.constant 0 : index
    %get3A_12 = vector.load %arg5[%get3A_10, %get3A_11] : memref<8x1xf32, #tpu.memory_space<vmem>>, vector<8x1xf32>
    %mul3A = vector.broadcast %get3A_12 : vector<8x1xf32> to vector<8x3072xf32>
    %mul3A_13 = arith.mulf %broadcast_in_dim3A_9, %mul3A : vector<8x3072xf32>
    %get3A_14 = arith.constant 0 : index
    %get3A_15 = arith.constant 0 : index
    %get3A_16 = vector.load %arg6[%get3A_14, %get3A_15] : memref<8x1xf32, #tpu.memory_space<vmem>>, vector<8x1xf32>
    %add3A = vector.broadcast %get3A_16 : vector<8x1xf32> to vector<8x3072xf32>
    %add3A_17 = arith.addf %mul3A_13, %add3A : vector<8x3072xf32>
    %sin3A = math.sin %add3A_17 : vector<8x3072xf32>
    %iota3A = tpu.iota {dimensions = array<i32: 0>} : vector<8x3072xi32>
    %eq3A = arith.constant 0 : i32
    %eq3A_18 = vector.broadcast %eq3A : i32 to vector<8x3072xi32>
    %eq3A_19 = arith.cmpi eq, %iota3A, %eq3A_18 : vector<8x3072xi32>
    %select_n3A = arith.select %eq3A_19, %add3A_17, %sin3A : vector<8x3072xi1>, vector<8x3072xf32>
    %get3A_20 = arith.constant 0 : index
    %get3A_21 = arith.constant 0 : index
    %get3A_22 = vector.load %arg4[%get3A_20, %get3A_21] : memref<8x128xf32, #tpu.memory_space<vmem>>, vector<8x128xf32>
    %dot_general3A = arith.constant dense<0.000000e+00> : vector<3072x128xf32>
    %dot_general3A_23 = tpu.matmul %select_n3A, %get3A_22, %dot_general3A {dimension_numbers = #tpu.dot_dimension_numbers<[0], [0], [1], [1], [0, 1, 1, 1], [], []>, transpose_lhs_hint = false} : vector<8x3072xf32>, vector<8x128xf32>, vector<3072x128xf32> -> vector<3072x128xf32>
    %get3A_24 = arith.constant 0 : index
    %get3A_25 = arith.constant 0 : index
    %get3A_26 = vector.load %arg2[%get3A_24, %get3A_25] : memref<3072x128xf32, #tpu.memory_space<vmem>>, vector<3072x128xf32>
    %add3A_27 = arith.addf %get3A_26, %dot_general3A_23 : vector<3072x128xf32>
    %mul3A_28 = arith.constant 0.0883883461 : f32
    %mul3A_29 = vector.broadcast %mul3A_28 : f32 to vector<3072x128xf32>
    %mul3A_30 = arith.mulf %add3A_27, %mul3A_29 : vector<3072x128xf32>
    %reduce_sum3A = arith.constant dense<0.000000e+00> : vector<3072xf32>
    %reduce_sum3A_31 = vector.multi_reduction <add>, %mul3A_30, %reduce_sum3A [1] : vector<3072x128xf32> to vector<3072xf32>
    %broadcast_in_dim3A_32 = vector.shape_cast %reduce_sum3A_31 : vector<3072xf32> to vector<3072x1xf32>
    %div3A = arith.constant 1.280000e+02 : f32
    %div3A_33 = vector.broadcast %div3A : f32 to vector<3072x1xf32>
    %div3A_34 = arith.divf %broadcast_in_dim3A_32, %div3A_33 : vector<3072x1xf32>
    %sub3A = vector.broadcast %div3A_34 : vector<3072x1xf32> to vector<3072x128xf32>
    %sub3A_35 = arith.subf %mul3A_30, %sub3A : vector<3072x128xf32>
    %integer_pow3A = arith.mulf %sub3A_35, %sub3A_35 : vector<3072x128xf32>
    %reduce_sum3A_36 = arith.constant dense<0.000000e+00> : vector<3072xf32>
    %reduce_sum3A_37 = vector.multi_reduction <add>, %integer_pow3A, %reduce_sum3A_36 [1] : vector<3072x128xf32> to vector<3072xf32>
    %broadcast_in_dim3A_38 = vector.shape_cast %reduce_sum3A_37 : vector<3072xf32> to vector<3072x1xf32>
    %div3A_39 = arith.constant 1.280000e+02 : f32
    %div3A_40 = vector.broadcast %div3A_39 : f32 to vector<3072x1xf32>
    %div3A_41 = arith.divf %broadcast_in_dim3A_38, %div3A_40 : vector<3072x1xf32>
    %sub3A_42 = vector.broadcast %div3A_34 : vector<3072x1xf32> to vector<3072x128xf32>
    %sub3A_43 = arith.subf %mul3A_30, %sub3A_42 : vector<3072x128xf32>
    %add3A_44 = arith.constant 9.99999974E-6 : f32
    %add3A_45 = vector.broadcast %add3A_44 : f32 to vector<3072x1xf32>
    %add3A_46 = arith.addf %div3A_41, %add3A_45 : vector<3072x1xf32>
    %sqrt3A = math.sqrt %add3A_46 : vector<3072x1xf32>
    %div3A_47 = vector.broadcast %sqrt3A : vector<3072x1xf32> to vector<3072x128xf32>
    %div3A_48 = arith.divf %sub3A_43, %div3A_47 : vector<3072x128xf32>
    %mul3A_49 = vector.broadcast %reshape3A : vector<1x128xf32> to vector<3072x128xf32>
    %mul3A_50 = arith.mulf %div3A_48, %mul3A_49 : vector<3072x128xf32>
    %add3A_51 = vector.broadcast %reshape3A_3 : vector<1x128xf32> to vector<3072x128xf32>
    %add3A_52 = arith.addf %mul3A_50, %add3A_51 : vector<3072x128xf32>
    %swap3A = arith.constant 0 : index
    %swap3A_53 = arith.constant 0 : index
    %swap3A_54 = vector.load %arg9[%swap3A, %swap3A_53] : memref<3072x128xf32, #tpu.memory_space<vmem>>, vector<3072x128xf32>
    tpu.vector_store %arg9[%swap3A, %swap3A_53], %add3A_52 {strides = array<i32>} : memref<3072x128xf32, #tpu.memory_space<vmem>>, vector<3072x128xf32>,
    return
  }
  func.func @transform_1(%arg0: i32) -> (i32, i32) {
    %c0_i32 = arith.constant 0 : i32
    %c0_i32_0 = arith.constant 0 : i32
    return %arg0, %c0_i32 : i32, i32
  }
  func.func @transform_2(%arg0: i32) -> (i32, i32, i32) {
    %add3A = arith.constant 34 : i32
    %add3A_0 = arith.addi %add3A, %arg0 : i32
    %c0_i32 = arith.constant 0 : i32
    %c0_i32_1 = arith.constant 0 : i32
    %c0_i32_2 = arith.constant 0 : i32
    return %add3A_0, %c0_i32, %c0_i32_1 : i32, i32, i32
  }
  func.func @transform_3(%arg0: i32) -> (i32, i32) {
    %c0_i32 = arith.constant 0 : i32
    %c0_i32_0 = arith.constant 0 : i32
    %c0_i32_1 = arith.constant 0 : i32
    return %c0_i32, %c0_i32_0 : i32, i32
  }
  func.func @transform_4(%arg0: i32) -> (i32, i32) {
    %c0_i32 = arith.constant 0 : i32
    %c0_i32_0 = arith.constant 0 : i32
    %c0_i32_1 = arith.constant 0 : i32
    return %c0_i32, %c0_i32_0 : i32, i32
  }
  func.func @transform_5(%arg0: i32) -> (i32, i32) {
    %c0_i32 = arith.constant 0 : i32
    %c0_i32_0 = arith.constant 0 : i32
    %c0_i32_1 = arith.constant 0 : i32
    return %c0_i32, %c0_i32_0 : i32, i32
  }
  func.func @transform_6(%arg0: i32) -> i32 {
    %c0_i32 = arith.constant 0 : i32
    %c0_i32_0 = arith.constant 0 : i32
    return %c0_i32 : i32
  }
  func.func @transform_7(%arg0: i32) -> i32 {
    %c0_i32 = arith.constant 0 : i32
    %c0_i32_0 = arith.constant 0 : i32
    return %c0_i32 : i32
  }
  func.func @transform_8(%arg0: i32) -> (i32, i32) {
    %add3A = arith.constant 34 : i32
    %add3A_0 = arith.addi %add3A, %arg0 : i32
    %c0_i32 = arith.constant 0 : i32
    %c0_i32_1 = arith.constant 0 : i32
    return %add3A_0, %c0_i32 : i32, i32
  }
}

module attributes {stable_mosaic.version = 14 : i64} {
  func.func @_lambda_(%arg0: i32, %arg1: memref<205824x128xf32, #tpu.memory_space<any>>, %arg2: memref<3072x128xf32, #tpu.memory_space<vmem>>, %arg3: memref<1x1x3072xf32, #tpu.memory_space<vmem>>, %arg4: memref<8x128xf32, #tpu.memory_space<vmem>>, %arg5: memref<8x1xf32, #tpu.memory_space<vmem>>, %arg6: memref<8x1xf32, #tpu.memory_space<vmem>>, %arg7: memref<128xf32, #tpu.memory_space<vmem>>, %arg8: memref<128xf32, #tpu.memory_space<vmem>>, %arg9: memref<3072x128xf32, #tpu.memory_space<vmem>>) attributes {dimension_semantics = [#tpu.dimension_semantics<arbitrary>], iteration_bounds = array<i64: 13>, scalar_prefetch = 0 : i64, scratch_operands = 0 : i64, tpu.core_type = #tpu.core_type<tc>, window_params = [{}, {transform_indices = @transform_1, window_bounds = array<i64: 3072, 128>}, {transform_indices = @transform_2, window_bounds = array<i64: 1, 1, 3072>}, {pipeline_mode = #tpu.pipeline_mode<synchronous>, transform_indices = @transform_3, window_bounds = array<i64: 8, 128>}, {pipeline_mode = #tpu.pipeline_mode<synchronous>, transform_indices = @transform_4, window_bounds = array<i64: 8, 1>}, {pipeline_mode = #tpu.pipeline_mode<synchronous>, transform_indices = @transform_5, window_bounds = array<i64: 8, 1>}, {pipeline_mode = #tpu.pipeline_mode<synchronous>, transform_indices = @transform_6, window_bounds = array<i64: 128>}, {pipeline_mode = #tpu.pipeline_mode<synchronous>, transform_indices = @transform_7, window_bounds = array<i64: 128>}, {transform_indices = @transform_8, window_bounds = array<i64: 3072, 128>}]} {
    %get3A = arith.constant 0 : index
    %get3A_0 = vector.load %arg7[%get3A] : memref<128xf32, #tpu.memory_space<vmem>>, vector<128xf32>
    %reshape3A = vector.shape_cast %get3A_0 : vector<128xf32> to vector<1x128xf32>
    %get3A_1 = arith.constant 0 : index
    %get3A_2 = vector.load %arg8[%get3A_1] : memref<128xf32, #tpu.memory_space<vmem>>, vector<128xf32>
    %reshape3A_3 = vector.shape_cast %get3A_2 : vector<128xf32> to vector<1x128xf32>
    %get3A_4 = arith.constant 0 : index
    %get3A_5 = arith.constant 0 : index
    %get3A_6 = arith.constant 0 : index
    %get3A_7 = vector.load %arg3[%get3A_4, %get3A_5, %get3A_6] : memref<1x1x3072xf32, #tpu.memory_space<vmem>>, vector<1x1x3072xf32>
    %get3A_8 = vector.shape_cast %get3A_7 : vector<1x1x3072xf32> to vector<1x3072xf32>
    %broadcast_in_dim3A = vector.shape_cast %get3A_8 : vector<1x3072xf32> to vector<1x3072xf32>
    %broadcast_in_dim3A_9 = vector.broadcast %broadcast_in_dim3A : vector<1x3072xf32> to vector<8x3072xf32>
    %get3A_10 = arith.constant 0 : index
    %get3A_11 = arith.constant 0 : index
    %get3A_12 = vector.load %arg5[%get3A_10, %get3A_11] : memref<8x1xf32, #tpu.memory_space<vmem>>, vector<8x1xf32>
    %mul3A = vector.broadcast %get3A_12 : vector<8x1xf32> to vector<8x3072xf32>
    %mul3A_13 = arith.mulf %broadcast_in_dim3A_9, %mul3A : vector<8x3072xf32>
    %get3A_14 = arith.constant 0 : index
    %get3A_15 = arith.constant 0 : index
    %get3A_16 = vector.load %arg6[%get3A_14, %get3A_15] : memref<8x1xf32, #tpu.memory_space<vmem>>, vector<8x1xf32>
    %add3A = vector.broadcast %get3A_16 : vector<8x1xf32> to vector<8x3072xf32>
    %add3A_17 = arith.addf %mul3A_13, %add3A : vector<8x3072xf32>
    %sin3A = math.sin %add3A_17 : vector<8x3072xf32>
    %iota3A = tpu.iota {dimensions = array<i32: 0>} : vector<8x3072xi32>
    %eq3A = arith.constant 0 : i32
    %eq3A_18 = vector.broadcast %eq3A : i32 to vector<8x3072xi32>
    %eq3A_19 = arith.cmpi eq, %iota3A, %eq3A_18 : vector<8x3072xi32>
    %select_n3A = arith.select %eq3A_19, %add3A_17, %sin3A : vector<8x3072xi1>, vector<8x3072xf32>
    %get3A_20 = arith.constant 0 : index
    %get3A_21 = arith.constant 0 : index
    %get3A_22 = vector.load %arg4[%get3A_20, %get3A_21] : memref<8x128xf32, #tpu.memory_space<vmem>>, vector<8x128xf32>
    %dot_general3A = arith.constant dense<0.000000e+00> : vector<3072x128xf32>
    %dot_general3A_23 = tpu.matmul %select_n3A, %get3A_22, %dot_general3A {dimension_numbers = #tpu.dot_dimension_numbers<[0], [0], [1], [1], [0, 1, 1, 1], [], []>, transpose_lhs_hint = false} : vector<8x3072xf32>, vector<8x128xf32>, vector<3072x128xf32> -> vector<3072x128xf32>
    %get3A_24 = arith.constant 0 : index
    %get3A_25 = arith.constant 0 : index
    %get3A_26 = vector.load %arg2[%get3A_24, %get3A_25] : memref<3072x128xf32, #tpu.memory_space<vmem>>, vector<3072x128xf32>
    %add3A_27 = arith.addf %get3A_26, %dot_general3A_23 : vector<3072x128xf32>
    %mul3A_28 = arith.constant 0.0883883461 : f32
    %mul3A_29 = vector.broadcast %mul3A_28 : f32 to vector<3072x128xf32>
    %mul3A_30 = arith.mulf %add3A_27, %mul3A_29 : vector<3072x128xf32>
    %reduce_sum3A = arith.constant dense<0.000000e+00> : vector<3072xf32>
    %reduce_sum3A_31 = vector.multi_reduction <add>, %mul3A_30, %reduce_sum3A [1] : vector<3072x128xf32> to vector<3072xf32>
    %broadcast_in_dim3A_32 = vector.shape_cast %reduce_sum3A_31 : vector<3072xf32> to vector<3072x1xf32>
    %div3A = arith.constant 1.280000e+02 : f32
    %div3A_33 = vector.broadcast %div3A : f32 to vector<3072x1xf32>
    %div3A_34 = arith.divf %broadcast_in_dim3A_32, %div3A_33 : vector<3072x1xf32>
    %sub3A = vector.broadcast %div3A_34 : vector<3072x1xf32> to vector<3072x128xf32>
    %sub3A_35 = arith.subf %mul3A_30, %sub3A : vector<3072x128xf32>
    %integer_pow3A = arith.mulf %sub3A_35, %sub3A_35 : vector<3072x128xf32>
    %reduce_sum3A_36 = arith.constant dense<0.000000e+00> : vector<3072xf32>
    %reduce_sum3A_37 = vector.multi_reduction <add>, %integer_pow3A, %reduce_sum3A_36 [1] : vector<3072x128xf32> to vector<3072xf32>
    %broadcast_in_dim3A_38 = vector.shape_cast %reduce_sum3A_37 : vector<3072xf32> to vector<3072x1xf32>
    %div3A_39 = arith.constant 1.280000e+02 : f32
    %div3A_40 = vector.broadcast %div3A_39 : f32 to vector<3072x1xf32>
    %div3A_41 = arith.divf %broadcast_in_dim3A_38, %div3A_40 : vector<3072x1xf32>
    %sub3A_42 = vector.broadcast %div3A_34 : vector<3072x1xf32> to vector<3072x128xf32>
    %sub3A_43 = arith.subf %mul3A_30, %sub3A_42 : vector<3072x128xf32>
    %add3A_44 = arith.constant 9.99999974E-6 : f32
    %add3A_45 = vector.broadcast %add3A_44 : f32 to vector<3072x1xf32>
    %add3A_46 = arith.addf %div3A_41, %add3A_45 : vector<3072x1xf32>
    %sqrt3A = math.sqrt %add3A_46 : vector<3072x1xf32>
    %div3A_47 = vector.broadcast %sqrt3A : vector<3072x1xf32> to vector<3072x128xf32>
    %div3A_48 = arith.divf %sub3A_43, %div3A_47 : vector<3072x128xf32>
    %mul3A_49 = vector.broadcast %reshape3A : vector<1x128xf32> to vector<3072x128xf32>
    %mul3A_50 = arith.mulf %div3A_48, %mul3A_49 : vector<3072x128xf32>
    %add3A_51 = vector.broadcast %reshape3A_3 : vector<1x128xf32> to vector<3072x128xf32>
    %add3A_52 = arith.addf %mul3A_50, %add3A_51 : vector<3072x128xf32>
    %swap3A = arith.constant 0 : index
    %swap3A_53 = arith.constant 0 : index
    %swap3A_54 = vector.load %arg9[%swap3A, %swap3A_53] : memref<3072x128xf32, #tpu.memory_space<vmem>>, vector<3072x128xf32>
    tpu.vector_store %arg9[%swap3A, %swap3A_53], %add3A_52 {strides = array<i32>} : memref<3072x128xf32, #tpu.memory_space<vmem>>, vector<3072x128xf32>,
    return
  }
  func.func @transform_1(%arg0: i32) -> (i32, i32) {
    %c0_i32 = arith.constant 0 : i32
    %c0_i32_0 = arith.constant 0 : i32
    return %arg0, %c0_i32 : i32, i32
  }
  func.func @transform_2(%arg0: i32) -> (i32, i32, i32) {
    %add3A = arith.constant 54 : i32
    %add3A_0 = arith.addi %add3A, %arg0 : i32
    %c0_i32 = arith.constant 0 : i32
    %c0_i32_1 = arith.constant 0 : i32
    %c0_i32_2 = arith.constant 0 : i32
    return %add3A_0, %c0_i32, %c0_i32_1 : i32, i32, i32
  }
  func.func @transform_3(%arg0: i32) -> (i32, i32) {
    %c0_i32 = arith.constant 0 : i32
    %c0_i32_0 = arith.constant 0 : i32
    %c0_i32_1 = arith.constant 0 : i32
    return %c0_i32, %c0_i32_0 : i32, i32
  }
  func.func @transform_4(%arg0: i32) -> (i32, i32) {
    %c0_i32 = arith.constant 0 : i32
    %c0_i32_0 = arith.constant 0 : i32
    %c0_i32_1 = arith.constant 0 : i32
    return %c0_i32, %c0_i32_0 : i32, i32
  }
  func.func @transform_5(%arg0: i32) -> (i32, i32) {
    %c0_i32 = arith.constant 0 : i32
    %c0_i32_0 = arith.constant 0 : i32
    %c0_i32_1 = arith.constant 0 : i32
    return %c0_i32, %c0_i32_0 : i32, i32
  }
  func.func @transform_6(%arg0: i32) -> i32 {
    %c0_i32 = arith.constant 0 : i32
    %c0_i32_0 = arith.constant 0 : i32
    return %c0_i32 : i32
  }
  func.func @transform_7(%arg0: i32) -> i32 {
    %c0_i32 = arith.constant 0 : i32
    %c0_i32_0 = arith.constant 0 : i32
    return %c0_i32 : i32
  }
  func.func @transform_8(%arg0: i32) -> (i32, i32) {
    %add3A = arith.constant 54 : i32
    %add3A_0 = arith.addi %add3A, %arg0 : i32
    %c0_i32 = arith.constant 0 : i32
    %c0_i32_1 = arith.constant 0 : i32
    return %add3A_0, %c0_i32 : i32, i32
  }
}

</mosaic_0001>

<sc_bundles>
// kernel: kernel.14.cloned.1.call-start
scs
__scs_entry_jumppad:
0x0: {  	(pc) =	sbr.rel $0x88, $3  }
0x1: {  	(tag) =	ssettag $0x0;
	lr =	simm.s32 $0x1  }
0x2: {  	[smem:$0x3F94] =	sst lr;
	_ =	strace $0xD0000000  }
0x3: {  	_ = 	snop  }
0x4: {  	_ = 	snop  }
0x5: {  	_ = 	snop  }
0x6: {  	_ = 	snop  }
0x7: {  	_ = 	snop  }
__scs_overlays_trampoline_lowered:
0x8: {  	[smem:$0x3FA3] =	sst s0  }
0x9: {  	[smem:$0x3FA4] =	sst s1  }
0xa: {  	[smem:$0x3FA5] =	sst s2  }
0xb: {  	[smem:$0x3FA6] =	sst s3  }
0xc: {  	[smem:$0x3FA7] =	sst s4  }
0xd: {  	[smem:$0x3FA8] =	sst s5  }
0xe: {  	[smem:$0x3FA9] =	sst s6  }
0xf: {  	[smem:$0x3FAA] =	sst s7  }
0x10: {  	[smem:$0x3FAB] =	sst s8  }
0x11: {  	[smem:$0x3FAC] =	sst s9;
	s0 =	simm.s32 @!p0 $0x0  }
0x12: {  	s1 =	sld [smem:$0x3F92];
	s0 =	simm.s32 @p0 $0x1  }
0x13: {  	[smem:$0x3FAD] =	sst s0;
	s0 =	simm.s32 @!p1 $0x0  }
0x14: {  	s2 =	sld [smem:$0x3F91];
	s0 =	simm.s32 @p1 $0x1  }
0x15: {  	[smem:$0x3FAE] =	sst s0;
	s0 =	simm.s32 @!p2 $0x0  }
0x16: {  	s3 =	sld [smem:$0x3FDB];
	s0 =	simm.s32 @p2 $0x1  }
0x17: {  	s4 =	simm.s32 $0x1BF5;
	[smem:$0x3FB0] =	sst s0  }
0x18: {  	s0 =	sld [smem:$0x3F93];
	_ =	swait.ge [sflag:s4], $0x0  }
0x19: {  	s7 =	sld [smem:$0x3F94]  }
0x1a: {  	s8 =	sadd.s32 $0xFFFFE003, lr  }
0x1b: {  	s9 =	sadd.s32 $0xFFFFFEF7, lr;
	s5 =	simm.s32 $0xFFFFFFFF;
	p2 =	slt.u32 s8, $0xFFFFF086  }
0x1c: {  	p1 =	slt.u32 s9, $0xF7A;
	s5 =	simm.s32 @!p2 $0x0  }
0x1d: {  	s5 =	simm.s32 @p1 $0x1;
	p0 =	seq.s32 s7, s2  }
0x1e: {  	s7 =	smul.u32 @!p0 $0xF7A, s2;
	p2 =	seq.s32 @!p0 s5, $0x0  }
0x1f: {  	s9 =	smul.u32 $0xF7A, s1;
	s8 =	simm.s32 @!p0 $0x1BF5;
	p2 =	por !p2, p0  }
0x20: {  	[sflag:s8] =	ssyncset.s32 @!p0 $0xFFFFF086;
	s6 =	sadd.s32 @!p0 s3, s7;
	s7 =	simm.s32 @!p0 $0x108  }
0x21: {  	s3 =	sadd.s32 s3, s9;
	s6 =	sadd.s32 @!p0 $0x88, s6;
	s7 =	simm.s32 @p2 $0x1082  }
0x22: {  	[simem:s7], [sflag:s8] =	dma.local @!p0 [hbm:s6], $0xF7A  }
0x23: {  	s9 =	sor.u32 $0xD0000000, s2;
	s6 =	simm.s32 $0x108;
	_ =	swait.ge @!p0 [sflag:s8], $0x0  }
0x24: {  	s3 =	sadd.s32 $0x88, s3;
	s6 =	simm.s32 @!p1 $0x1082;
	[sflag:s4] =	ssyncset.s32 $0xFFFFF086  }
0x25: {  	[simem:s6], [sflag:s4] =	dma.local [hbm:s3], $0xF7A  }
0x26: {  	[smem:$0x3F94] =	sst s1;
	(tag) =	ssettag s2;
	_ =	strace s9  }
0x27: {  	s1 =	sld [smem:$0x3FA4]  }
0x28: {  	s2 =	sld [smem:$0x3FA5]  }
0x29: {  	s4 =	sld [smem:$0x3FA7]  }
0x2a: {  	p0 =	seq.s32 s5, $0x0;
	s5 =	sld [smem:$0x3FA8]  }
0x2b: {  	s6 =	sld [smem:$0x3FA9]  }
0x2c: {  	s7 =	sld [smem:$0x3FAA]  }
0x2d: {  	s3 =	simm.s32 $0x108;
	s8 =	sld [smem:$0x3FAB]  }
0x2e: {  	s3 =	simm.s32 @!p0 $0x1082;
	s9 =	sld [smem:$0x3FAC]  }
0x2f: {  	lr =	sadd.s32 s0, s3;
	s0 =	sld [smem:$0x3FA3]  }
0x30: {  	s3 =	sld [smem:$0x3FA6]  }
0x31: {  	[smem:$0x3FAF] =	sst s10  }
0x32: {  	s10 =	sld [smem:$0x3FAD];
	_ =	sdelay $0x3  }
0x33: {  	p0 =	seq.s32 s10, $0x1;
	s10 =	sld [smem:$0x3FAF];
	_ =	sdelay $0x3  }
0x34: {  	[smem:$0x3FAF] =	sst s10  }
0x35: {  	s10 =	sld [smem:$0x3FAE];
	_ =	sdelay $0x3  }
0x36: {  	p1 =	seq.s32 s10, $0x1;
	s10 =	sld [smem:$0x3FAF];
	_ =	sdelay $0x3  }
0x37: {  	[smem:$0x3FAF] =	sst s10  }
0x38: {  	s10 =	sld [smem:$0x3FB0]  }
0x39: {  	_ = 	snop;
	(pc) =	sbr.ind lr, $3  }
0x3a: {  	_ = 	snop  }
0x3b: {  	_ = 	snop  }
0x3c: {  	p2 =	seq.s32 s10, $0x1;
	s10 =	sld [smem:$0x3FAF]  }
0x3d: {  	_ =	shalt  }
0x3e: {  	_ =	shalt  }
0x3f: {  	_ =	shalt  }
0x40: {  	_ =	shalt  }
0x41: {  	_ =	shalt  }
0x42: {  	_ =	shalt  }
0x43: {  	_ =	shalt  }
0x44: {  	_ =	shalt  }
0x45: {  	_ =	shalt  }
0x46: {  	_ =	shalt  }
0x47: {  	_ =	shalt  }
0x48: {  	_ =	shalt  }
0x49: {  	_ =	shalt  }
0x4a: {  	_ =	shalt  }
0x4b: {  	_ =	shalt  }
0x4c: {  	_ =	shalt  }
0x4d: {  	_ =	shalt  }
0x4e: {  	_ =	shalt  }
0x4f: {  	_ =	shalt  }
0x50: {  	_ =	shalt  }
0x51: {  	_ =	shalt  }
0x52: {  	_ =	shalt  }
0x53: {  	_ =	shalt  }
0x54: {  	_ =	shalt  }
0x55: {  	_ =	shalt  }
0x56: {  	_ =	shalt  }
0x57: {  	_ =	shalt  }
0x58: {  	_ =	shalt  }
0x59: {  	_ =	shalt  }
0x5a: {  	_ =	shalt  }
0x5b: {  	_ =	shalt  }
0x5c: {  	_ =	shalt  }
0x5d: {  	_ =	shalt  }
0x5e: {  	_ =	shalt  }
0x5f: {  	_ =	shalt  }
0x60: {  	_ =	shalt  }
0x61: {  	_ =	shalt  }
0x62: {  	_ =	shalt  }
0x63: {  	_ =	shalt  }
0x64: {  	_ =	shalt  }
0x65: {  	_ =	shalt  }
0x66: {  	_ =	shalt  }
0x67: {  	_ =	shalt  }
0x68: {  	_ =	shalt  }
0x69: {  	_ =	shalt  }
0x6a: {  	_ =	shalt  }
0x6b: {  	_ =	shalt  }
0x6c: {  	_ =	shalt  }
0x6d: {  	_ =	shalt  }
0x6e: {  	_ =	shalt  }
0x6f: {  	_ =	shalt  }
0x70: {  	_ =	shalt  }
0x71: {  	_ =	shalt  }
0x72: {  	_ =	shalt  }
0x73: {  	_ =	shalt  }
0x74: {  	_ =	shalt  }
0x75: {  	_ =	shalt  }
0x76: {  	_ =	shalt  }
0x77: {  	_ =	shalt  }
0x78: {  	_ =	shalt  }
0x79: {  	_ =	shalt  }
0x7a: {  	_ =	shalt  }
0x7b: {  	_ =	shalt  }
0x7c: {  	_ =	shalt  }
0x7d: {  	_ =	shalt  }
0x7e: {  	_ =	shalt  }
0x7f: {  	_ =	shalt  }
0x80: {  	_ =	shalt  }
0x81: {  	_ =	shalt  }
0x82: {  	_ =	shalt  }
0x83: {  	_ =	shalt  }
0x84: {  	_ =	shalt  }
0x85: {  	_ =	shalt  }
0x86: {  	_ =	shalt  }
0x87: {  	_ =	shalt  }
.Lfunc_end0:
.L_simem_size_0:
called_computation_lowered:
.L_overlay_start_0:
0x88: {  	s2 =	sld [smem:$0x3FD9]  }
0x89: {  	s3 =	sld [smem:$0x3FFE];
	_ =	sdelay $0x1  }
0x8a: {  	s1 =	srdreg.scid  }
0x8b: {  	s0 =	sand.u32 $0x1, s1  }
0x8c: {  	s17 =	sshll.u32 s0, $0xA;
	s2 =	sadd.s32 s3, s2  }
0x8d: {  	s2 =	sadd.s32 s2, s17  }
0x8e: {  	[smem:$0x3FBB] =	sst s2  }
0x8f: {  	_ = 	snop  }
0x90: {  	s2 =	sld [smem:$0x3FC6]  }
0x91: {  	s18 =	sld [smem:$0x3FD0];
	(tm) =	ssettm $0x1  }
0x92: {  	s4 =	sld [smem:$0x3FFB];
	_ =	sdelay $0x3  }
0x93: {  	_ =	strace s4  }
0x94: {  	s4 =	sld [smem:$0x3FFC];
	_ =	sdelay $0x3  }
0x95: {  	_ =	strace s4  }
0x96: {  	s4 =	sld [smem:$0x3FFD];
	_ =	sdelay $0x3  }
0x97: {  	_ =	strace s4  }
0x98: {  	_ =	strace $0x8FFFFFFF  }
0x99: {  	s19 =	sld [smem:$0x3FDB];
	_ =	sdelay $0x1  }
0x9a: {  	s5 =	simm.s32 $_scs_section_size  }
0x9b: {  	s6 =	simm.s32 $_size__tile_overlayer_lowered;
	s7 =	simm.s32 $_tile_overlayer_lowered  }
0x9c: {  	s22 =	simm.s32 $0x1BFF;
	s21 =	sshll.u32 s7, $0x1;
	s4 =	sadd.s32 s5, s19  }
0x9d: {  	s8 =	simm.s32 $0x0;
	s20 =	sshll.u32 s6, $0x1;
	s6 =	sadd.s32 s21, s4  }
0x9e: {  	[timem:s8], [sflag:s22] =	dma.local [hbm:s6], s20  }
0x9f: {  	_ =	swait.ge [sflag:s22], s20  }
0xa0: {  	s5 =	ssub.s32 $0x0, s20;
	[sflag:s22] =	ssyncset.done $0x0  }
0xa1: {  	[sflag:s22] =	ssyncadd.s32 s5;
	_ =	sdelay $0x1  }
0xa2: {  	s23 =	simm.s32 $0x1B8B  }
0xa3: {  	_ =	swait.ge [sflag:s23], $0x1  }
0xa4: {  	[sflag:s23] =	ssyncset.done $0x0  }
0xa5: {  	s25 =	simm.s32 $0x1B8E;
	s24 =	sld [smem:$0x3FFE];
	[sflag:s23] =	ssyncadd.s32 $0xFFFFFFFF  }
0xa6: {  	s26 =	simm.s32 $execute0_lowered;
	[smem:$0x3FD2] =	sst s25  }
0xa7: {  	s6 =	sshll.u32 s26, $0x1;
	_ =	strace $0x80000046;
	[dreg:$0x1] =	wrdreg $0xFFFFFFFF  }
0xa8: {  	s28 =	simm.s32 $_size_execute0_lowered;
	s4 =	sadd.s32 s4, s6;
	[dreg:$0x0] =	wrdreg $0x0  }
0xa9: {  	s6 =	sshll.u32 s28, $0x1;
	[dreg:$0x2] =	wrdreg s4  }
0xaa: {  	[dreg:$0x3] =	wrdreg s6  }
0xab: {  	[dreg:$0x4] =	wrdreg $0xC0  }
0xac: {  	_ =	task [dreg:s8], $0x5FFFF  }
0xad: {  	[dreg:$0x1] =	wrdreg $0xFFFFFFFF  }
0xae: {  	[dreg:$0x0] =	wrdreg $0x60  }
0xaf: {  	[dreg:$0x2] =	wrdreg s2  }
0xb0: {  	[dreg:$0x3] =	wrdreg s24  }
0xb1: {  	[dreg:$0x4] =	wrdreg s18  }
0xb2: {  	[dreg:$0x5] =	wrdreg $0x9  }
0xb3: {  	_ =	task.clear_ibuf [dreg:s8], $0x6FFFF;
	_ =	strace $0x90000046  }
0xb4: {  	s29 =	simm.s32 $0x9;
	_ =	strace $0x80000048  }
0xb5: {  	_ =	swait.ge [sflag:s29], $0x1  }
0xb6: {  	[sflag:s29] =	ssyncadd.s32 $0xFFFFFFFF  }
0xb7: {  	_ =	strace $0x90000048  }
0xb8: {  	_ =	sfence  }
0xb9: {  	s30 =	sld [smem:$0x0];
	_ =	sdelay $0x2  }
0xba: {  	s31 =	sshll.u32 s1, $0xD;
	s1 =	sshrl.u32 s1, $0x2  }
0xbb: {  	s3 =	sand.u32 $0x4000, s31;
	s1 =	sadd.s32 s1, s30  }
0xbc: {  	s0 =	sor.u32 s3, s0;
	s1 =	sshll.u32 s1, $0x11  }
0xbd: {  	s0 =	sor.u32 s1, s0  }
0xbe: {  	s0 =	sadd.s32 $0x8F2B, s0  }
0xbf: {  	[sflag:s0] =	ssyncadd.remote.s32 $0x1  }
0xc0: {  	_ =	sfence.sel $0xFFFF  }
0xc1: {  	[dreg:$0x0] =	wrdreg $0xFFFFFFFF;
	(pc) =	sbr.abs _section_cstart, $3  }
0xc2: {  	[dreg:$0x1] =	wrdreg $0xFFFFFFFF  }
0xc3: {  	_ =	task.clear_ibuf [dreg:s8], $0x2FFFF;
	_ =	strace $0x9FFFFFFF  }
0xc4: {  	(tm) =	ssettm $0x7FFFFFFF  }
0xc5: {  	_ =	shalt  }
tec
execute0_lowered:
.L_overlay_start_1:
0x0: {  	(tag) =	ssettag $0x1  }
0x1: {  	s2 =	srdreg.scid  }
0x2: {  	s1 =	rddreg [dreg:$0x0];
	s0 =	stileid.u32;
	s6 =	sand.u32 $0x1, s2  }
0x3: {  	s4 =	rddreg [dreg:$0x1];
	s30 =	sshll.u32 s0, $0x7;
	s3 =	sshll.u32 s6, $0x6  }
0x4: {  	s9 =	rddreg [dreg:$0x2];
	s10 =	sor.u32 s3, s30  }
0x5: {  	s2 =	rddreg [dreg:$0x3];
	s3 =	simm.s32 $0x0;
	s5 =	sshrl.u32 s10, $0x3  }
0x6: {  	s11 =	ssub.s32 $0x2, s6;
	[smem:$0x7FF] =	sst s3;
	s4 =	sadd.s32 s5, s4  }
0x7: {  	_ =	strace $0x80000047;
	s5 =	sadd.s32 $0x3200, s4;
	s4 =	simm.s32 $0x2  }
0x8: {  	[tilespmem:s3], [sflag:$0x2] =	stream.linear.gather [hbm4b:s5+s3], $0x40, $0x38;
	[tilespmem:$0x2080] =	vst v63  }
0x9: {  	s7 =	simm.s32 $0x80;
	s12 =	sshrl.u32 s11, $0x1;
	_ =	swait.ge [sflag:s4], $0x40  }
0xa: {  	s8 =	simm.s32 $0x1;
	s11 =	ssub.s32 s11, s12;
	[sflag:s4] =	ssyncset.done $0x0  }
0xb: {  	s6 =	simm.s32 $0x40;
	s31 =	smax.u32 s11, $0x1;
	[sflag:s4] =	ssyncadd.s32 $0xFFFFFFC0  }
0xc: {  	[tilespmem:s7], [sflag:$0x1] =	stream.indirect.gather [hbm4b:s1+s6], $0x80, s3, s6, $0xb8;
	[tilespmem:$0x2080] =	vst v63  }
0xd: {  	p0 =	sne.s32 s31, $0x1;
	_ =	swait.ge [sflag:s8], $0x2000  }
.Ltmp0:
0xe: {  	s10 =	sshll.u32 s10, $0x4;
	[sflag:s8] =	ssyncset.done $0x0;
	(pc) =	sbr.rel @!p0 .LBB2_2-.Ltmp0, $4  }
0xf: {  	s9 =	sadd.s32 s9, s10;
	[sflag:s8] =	ssyncadd.s32 $0xFFFFE000  }
0x10: {  	[hbm4b:s9+s3] =	stream.linear.scatter [tilespmem:s7], [sflag:$0x2], $0x2000, $0x38;
	[tilespmem:$0x2080] =	vst v63  }
0x11: {  	_ =	swait.ge [sflag:s4], $0x2000  }
0x12: {  	s10 =	sadd.s32 $0xFFFFFFFF, s31;
	[sflag:s4] =	ssyncset.done $0x0  }
.LBB2_1:
0x13: {  	p0 =	sne.s32 s10, $0x1;
	s10 =	sadd.s32 $0xFFFFFFFF, s10;
	[sflag:s4] =	ssyncadd.s32 $0xFFFFE000  }
0x14: {  	[tilespmem:s3], [sflag:$0x2] =	stream.linear.gather [hbm4b:s5+s3], $0x40, $0x38;
	[tilespmem:$0x2080] =	vst v63  }
0x15: {  	_ =	swait.ge [sflag:s4], $0x40  }
0x16: {  	[sflag:s4] =	ssyncset.done $0x0  }
0x17: {  	[sflag:s4] =	ssyncadd.s32 $0xFFFFFFC0  }
0x18: {  	[tilespmem:s7], [sflag:$0x1] =	stream.indirect.gather [hbm4b:s1+s6], $0x80, s3, s6, $0xb8;
	[tilespmem:$0x2080] =	vst v63  }
0x19: {  	_ =	swait.ge [sflag:s8], $0x2000  }
.Ltmp1:
0x1a: {  	[sflag:s8] =	ssyncset.done $0x0;
	(pc) =	sbr.rel @p0 .LBB2_1-.Ltmp1, $4  }
0x1b: {  	[sflag:s8] =	ssyncadd.s32 $0xFFFFE000  }
0x1c: {  	[hbm4b:s9+s3] =	stream.linear.scatter [tilespmem:s7], [sflag:$0x2], $0x2000, $0x38;
	[tilespmem:$0x2080] =	vst v63  }
0x1d: {  	_ =	swait.ge [sflag:s4], $0x2000  }
0x1e: {  	[sflag:s4] =	ssyncset.done $0x0  }
.LBB2_2:
0x1f: {  	[sflag:s4] =	ssyncadd.s32 $0xFFFFE000  }
0x20: {  	_ =	sfence.sel $0x180000  }
0x21: {  	[bflag:$0x0] =	sbarrier.arrive $0xFFFF  }
0x22: {  	p0 =	sne.s32 s0, $0x0;
	_ =	strace $0x90000047  }
0x23: {  	s0 =	sadd.s32 @!p0 $0x100000, s2;
	[bflag:$0x2] =	sbarrier.arrive $0xFFFF  }
0x24: {  	[sflag:s0] =	ssyncadd.tile.s32 @!p0 $0x1;
	_ =	shalt  }
.Lfunc_end2:
_tile_overlayer_lowered:
.L_overlay_start_2:
0x25: {  	(tag) =	ssettag $0x2  }
0x26: {  	s0 =	rddreg [dreg:$0x0];
	s2 =	stileid.u32  }
0x27: {  	s1 =	rddreg [dreg:$0x1];
	p0 =	sne.s32 s2, $0x0  }
0x28: {  	s3 =	rddreg [dreg:$0x2];
	[bflag:$0x3] =	sbarrier.arrive $0xFFFF;
	s2 =	simm.s32 @!p0 $0x1C02  }
0x29: {  	[timem:s3], [sflag:s2] =	dma.local @!p0 [hbm:s0], s1  }
0x2a: {  	s0 =	simm.s32 @!p0 $0x2  }
0x2b: {  	_ =	swait.ge @!p0 [sflag:s0], s1  }
0x2c: {  	s1 =	ssub.s32 @!p0 $0x0, s1;
	[sflag:s0] =	ssyncset.done @!p0 $0x0  }
0x2d: {  	[sflag:s0] =	ssyncadd.s32 @!p0 s1  }
0x2e: {  	[bflag:$0x3] =	sbarrier.arrive $0xFFFF  }
0x2f: {  	_ =	shalt  }

// kernel: kernel.17.cloned.1.call-start
scs
__scs_entry_jumppad:
0x0: {  	(pc) =	sbr.rel $0x88, $3  }
0x1: {  	(tag) =	ssettag $0x0;
	lr =	simm.s32 $0x1  }
0x2: {  	[smem:$0x3F94] =	sst lr;
	_ =	strace $0xD0000000  }
0x3: {  	_ = 	snop  }
0x4: {  	_ = 	snop  }
0x5: {  	_ = 	snop  }
0x6: {  	_ = 	snop  }
0x7: {  	_ = 	snop  }
__scs_overlays_trampoline_lowered:
0x8: {  	[smem:$0x3FA3] =	sst s0  }
0x9: {  	[smem:$0x3FA4] =	sst s1  }
0xa: {  	[smem:$0x3FA5] =	sst s2  }
0xb: {  	[smem:$0x3FA6] =	sst s3  }
0xc: {  	[smem:$0x3FA7] =	sst s4  }
0xd: {  	[smem:$0x3FA8] =	sst s5  }
0xe: {  	[smem:$0x3FA9] =	sst s6  }
0xf: {  	[smem:$0x3FAA] =	sst s7  }
0x10: {  	[smem:$0x3FAB] =	sst s8  }
0x11: {  	[smem:$0x3FAC] =	sst s9;
	s0 =	simm.s32 @!p0 $0x0  }
0x12: {  	s1 =	sld [smem:$0x3F92];
	s0 =	simm.s32 @p0 $0x1  }
0x13: {  	[smem:$0x3FAD] =	sst s0;
	s0 =	simm.s32 @!p1 $0x0  }
0x14: {  	s2 =	sld [smem:$0x3F91];
	s0 =	simm.s32 @p1 $0x1  }
0x15: {  	[smem:$0x3FAE] =	sst s0;
	s0 =	simm.s32 @!p2 $0x0  }
0x16: {  	s3 =	sld [smem:$0x3FDB];
	s0 =	simm.s32 @p2 $0x1  }
0x17: {  	s4 =	simm.s32 $0x1BF5;
	[smem:$0x3FB0] =	sst s0  }
0x18: {  	s0 =	sld [smem:$0x3F93];
	_ =	swait.ge [sflag:s4], $0x0  }
0x19: {  	s7 =	sld [smem:$0x3F94]  }
0x1a: {  	s8 =	sadd.s32 $0xFFFFE003, lr  }
0x1b: {  	s9 =	sadd.s32 $0xFFFFFEF7, lr;
	s5 =	simm.s32 $0xFFFFFFFF;
	p2 =	slt.u32 s8, $0xFFFFF086  }
0x1c: {  	p1 =	slt.u32 s9, $0xF7A;
	s5 =	simm.s32 @!p2 $0x0  }
0x1d: {  	s5 =	simm.s32 @p1 $0x1;
	p0 =	seq.s32 s7, s2  }
0x1e: {  	s7 =	smul.u32 @!p0 $0xF7A, s2;
	p2 =	seq.s32 @!p0 s5, $0x0  }
0x1f: {  	s9 =	smul.u32 $0xF7A, s1;
	s8 =	simm.s32 @!p0 $0x1BF5;
	p2 =	por !p2, p0  }
0x20: {  	[sflag:s8] =	ssyncset.s32 @!p0 $0xFFFFF086;
	s6 =	sadd.s32 @!p0 s3, s7;
	s7 =	simm.s32 @!p0 $0x108  }
0x21: {  	s3 =	sadd.s32 s3, s9;
	s6 =	sadd.s32 @!p0 $0x88, s6;
	s7 =	simm.s32 @p2 $0x1082  }
0x22: {  	[simem:s7], [sflag:s8] =	dma.local @!p0 [hbm:s6], $0xF7A  }
0x23: {  	s9 =	sor.u32 $0xD0000000, s2;
	s6 =	simm.s32 $0x108;
	_ =	swait.ge @!p0 [sflag:s8], $0x0  }
0x24: {  	s3 =	sadd.s32 $0x88, s3;
	s6 =	simm.s32 @!p1 $0x1082;
	[sflag:s4] =	ssyncset.s32 $0xFFFFF086  }
0x25: {  	[simem:s6], [sflag:s4] =	dma.local [hbm:s3], $0xF7A  }
0x26: {  	[smem:$0x3F94] =	sst s1;
	(tag) =	ssettag s2;
	_ =	strace s9  }
0x27: {  	s1 =	sld [smem:$0x3FA4]  }
0x28: {  	s2 =	sld [smem:$0x3FA5]  }
0x29: {  	s4 =	sld [smem:$0x3FA7]  }
0x2a: {  	p0 =	seq.s32 s5, $0x0;
	s5 =	sld [smem:$0x3FA8]  }
0x2b: {  	s6 =	sld [smem:$0x3FA9]  }
0x2c: {  	s7 =	sld [smem:$0x3FAA]  }
0x2d: {  	s3 =	simm.s32 $0x108;
	s8 =	sld [smem:$0x3FAB]  }
0x2e: {  	s3 =	simm.s32 @!p0 $0x1082;
	s9 =	sld [smem:$0x3FAC]  }
0x2f: {  	lr =	sadd.s32 s0, s3;
	s0 =	sld [smem:$0x3FA3]  }
0x30: {  	s3 =	sld [smem:$0x3FA6]  }
0x31: {  	[smem:$0x3FAF] =	sst s10  }
0x32: {  	s10 =	sld [smem:$0x3FAD];
	_ =	sdelay $0x3  }
0x33: {  	p0 =	seq.s32 s10, $0x1;
	s10 =	sld [smem:$0x3FAF];
	_ =	sdelay $0x3  }
0x34: {  	[smem:$0x3FAF] =	sst s10  }
0x35: {  	s10 =	sld [smem:$0x3FAE];
	_ =	sdelay $0x3  }
0x36: {  	p1 =	seq.s32 s10, $0x1;
	s10 =	sld [smem:$0x3FAF];
	_ =	sdelay $0x3  }
0x37: {  	[smem:$0x3FAF] =	sst s10  }
0x38: {  	s10 =	sld [smem:$0x3FB0]  }
0x39: {  	_ = 	snop;
	(pc) =	sbr.ind lr, $3  }
0x3a: {  	_ = 	snop  }
0x3b: {  	_ = 	snop  }
0x3c: {  	p2 =	seq.s32 s10, $0x1;
	s10 =	sld [smem:$0x3FAF]  }
0x3d: {  	_ =	shalt  }
0x3e: {  	_ =	shalt  }
0x3f: {  	_ =	shalt  }
0x40: {  	_ =	shalt  }
0x41: {  	_ =	shalt  }
0x42: {  	_ =	shalt  }
0x43: {  	_ =	shalt  }
0x44: {  	_ =	shalt  }
0x45: {  	_ =	shalt  }
0x46: {  	_ =	shalt  }
0x47: {  	_ =	shalt  }
0x48: {  	_ =	shalt  }
0x49: {  	_ =	shalt  }
0x4a: {  	_ =	shalt  }
0x4b: {  	_ =	shalt  }
0x4c: {  	_ =	shalt  }
0x4d: {  	_ =	shalt  }
0x4e: {  	_ =	shalt  }
0x4f: {  	_ =	shalt  }
0x50: {  	_ =	shalt  }
0x51: {  	_ =	shalt  }
0x52: {  	_ =	shalt  }
0x53: {  	_ =	shalt  }
0x54: {  	_ =	shalt  }
0x55: {  	_ =	shalt  }
0x56: {  	_ =	shalt  }
0x57: {  	_ =	shalt  }
0x58: {  	_ =	shalt  }
0x59: {  	_ =	shalt  }
0x5a: {  	_ =	shalt  }
0x5b: {  	_ =	shalt  }
0x5c: {  	_ =	shalt  }
0x5d: {  	_ =	shalt  }
0x5e: {  	_ =	shalt  }
0x5f: {  	_ =	shalt  }
0x60: {  	_ =	shalt  }
0x61: {  	_ =	shalt  }
0x62: {  	_ =	shalt  }
0x63: {  	_ =	shalt  }
0x64: {  	_ =	shalt  }
0x65: {  	_ =	shalt  }
0x66: {  	_ =	shalt  }
0x67: {  	_ =	shalt  }
0x68: {  	_ =	shalt  }
0x69: {  	_ =	shalt  }
0x6a: {  	_ =	shalt  }
0x6b: {  	_ =	shalt  }
0x6c: {  	_ =	shalt  }
0x6d: {  	_ =	shalt  }
0x6e: {  	_ =	shalt  }
0x6f: {  	_ =	shalt  }
0x70: {  	_ =	shalt  }
0x71: {  	_ =	shalt  }
0x72: {  	_ =	shalt  }
0x73: {  	_ =	shalt  }
0x74: {  	_ =	shalt  }
0x75: {  	_ =	shalt  }
0x76: {  	_ =	shalt  }
0x77: {  	_ =	shalt  }
0x78: {  	_ =	shalt  }
0x79: {  	_ =	shalt  }
0x7a: {  	_ =	shalt  }
0x7b: {  	_ =	shalt  }
0x7c: {  	_ =	shalt  }
0x7d: {  	_ =	shalt  }
0x7e: {  	_ =	shalt  }
0x7f: {  	_ =	shalt  }
0x80: {  	_ =	shalt  }
0x81: {  	_ =	shalt  }
0x82: {  	_ =	shalt  }
0x83: {  	_ =	shalt  }
0x84: {  	_ =	shalt  }
0x85: {  	_ =	shalt  }
0x86: {  	_ =	shalt  }
0x87: {  	_ =	shalt  }
.Lfunc_end0:
.L_simem_size_0:
called_computation.1_lowered:
.L_overlay_start_0:
0x88: {  	s2 =	sld [smem:$0x3FD9]  }
0x89: {  	s3 =	sld [smem:$0x3FFE];
	_ =	sdelay $0x1  }
0x8a: {  	s1 =	srdreg.scid  }
0x8b: {  	s0 =	sand.u32 $0x1, s1  }
0x8c: {  	s17 =	sshll.u32 s0, $0xA;
	s2 =	sadd.s32 s3, s2  }
0x8d: {  	s2 =	sadd.s32 s2, s17  }
0x8e: {  	[smem:$0x3FBB] =	sst s2  }
0x8f: {  	_ = 	snop  }
0x90: {  	s18 =	sld [smem:$0x3FC6];
	(tm) =	ssettm $0x1  }
0x91: {  	s19 =	sld [smem:$0x3FFB];
	_ =	sdelay $0x3  }
0x92: {  	_ =	strace s19  }
0x93: {  	s2 =	sld [smem:$0x3FFC];
	_ =	sdelay $0x3  }
0x94: {  	_ =	strace s2  }
0x95: {  	s2 =	sld [smem:$0x3FFD];
	_ =	sdelay $0x3  }
0x96: {  	_ =	strace s2  }
0x97: {  	_ =	strace $0x8FFFFFFF  }
0x98: {  	s20 =	sld [smem:$0x3FDB];
	_ =	sdelay $0x1  }
0x99: {  	s4 =	simm.s32 $_scs_section_size  }
0x9a: {  	s5 =	simm.s32 $_size__tile_overlayer_lowered;
	s6 =	simm.s32 $_tile_overlayer_lowered  }
0x9b: {  	s7 =	simm.s32 $0x1BFF;
	s21 =	sshll.u32 s6, $0x1;
	s4 =	sadd.s32 s4, s20  }
0x9c: {  	s22 =	simm.s32 $0x0;
	s5 =	sshll.u32 s5, $0x1;
	s6 =	sadd.s32 s21, s4  }
0x9d: {  	[timem:s22], [sflag:s7] =	dma.local [hbm:s6], s5  }
0x9e: {  	_ =	swait.ge [sflag:s7], s5  }
0x9f: {  	s5 =	ssub.s32 $0x0, s5;
	[sflag:s7] =	ssyncset.done $0x0  }
0xa0: {  	[sflag:s7] =	ssyncadd.s32 s5;
	_ =	sdelay $0x1  }
0xa1: {  	s23 =	simm.s32 $0x1B8B  }
0xa2: {  	_ =	swait.ge [sflag:s23], $0x1  }
0xa3: {  	[sflag:s23] =	ssyncset.done $0x0  }
0xa4: {  	[sflag:s23] =	ssyncadd.s32 $0xFFFFFFFF  }
0xa5: {  	s5 =	sld [smem:$0x0]  }
0xa6: {  	s6 =	sand.u32 $0xFFFFFFFE, s1  }
0xa7: {  	p0 =	sne.s32 s1, s6  }
0xa8: {  	s6 =	sshll.u32 @p0 s6, $0xE  }
0xa9: {  	s6 =	sadd.s32 @p0 $0x11B8D, s6;
	s7 =	sshll.u32 @p0 s5, $0x11  }
0xaa: {  	s6 =	sor.u32 @p0 s7, s6  }
0xab: {  	[sflag:s6] =	ssyncadd.remote.s32 @p0 $0x1;
	_ =	sdelay $0x1  }
0xac: {  	s6 =	simm.s32 @p0 $0x1B8D  }
0xad: {  	_ =	swait.eq @p0 [sflag:s6], $0x1  }
0xae: {  	[sflag:s6] =	ssyncadd.s32 @p0 $0xFFFFFFFF  }
0xaf: {  	s7 =	sshll.u32 @!p0 s1, $0xE  }
0xb0: {  	s7 =	sor.u32 @!p0 $0x4000, s7;
	s6 =	simm.s32 @!p0 $0x1B8D  }
0xb1: {  	s5 =	sshll.u32 @!p0 s5, $0x11;
	s7 =	sadd.s32 @!p0 $0x11B8D, s7;
	_ =	swait.eq @!p0 [sflag:s6], $0x1  }
0xb2: {  	s5 =	sor.u32 @!p0 s5, s7;
	[sflag:s6] =	ssyncadd.s32 @!p0 $0xFFFFFFFF  }
0xb3: {  	s25 =	simm.s32 $0x1B8E;
	s24 =	sld [smem:$0x3FFE];
	[sflag:s5] =	ssyncadd.remote.s32 @!p0 $0x1  }
0xb4: {  	s26 =	simm.s32 $execute0_lowered;
	[smem:$0x3FD2] =	sst s25  }
0xb5: {  	s6 =	sshll.u32 s26, $0x1;
	_ =	strace $0x80000049;
	[dreg:$0x1] =	wrdreg $0xFFFFFFFF  }
0xb6: {  	s28 =	simm.s32 $_size_execute0_lowered;
	s4 =	sadd.s32 s4, s6;
	[dreg:$0x0] =	wrdreg $0x0  }
0xb7: {  	s6 =	sshll.u32 s28, $0x1;
	[dreg:$0x2] =	wrdreg s4  }
0xb8: {  	[dreg:$0x3] =	wrdreg s6  }
0xb9: {  	[dreg:$0x4] =	wrdreg $0xC0  }
0xba: {  	_ =	task [dreg:s22], $0x5FFFF  }
0xbb: {  	[dreg:$0x1] =	wrdreg $0xFFFFFFFF  }
0xbc: {  	[dreg:$0x0] =	wrdreg $0x60  }
0xbd: {  	[dreg:$0x2] =	wrdreg s18  }
0xbe: {  	[dreg:$0x3] =	wrdreg s24  }
0xbf: {  	[dreg:$0x4] =	wrdreg $0xA  }
0xc0: {  	_ =	task.clear_ibuf [dreg:s22], $0x5FFFF;
	_ =	strace $0x90000049  }
0xc1: {  	s29 =	simm.s32 $0xA;
	_ =	strace $0x8000004B  }
0xc2: {  	_ =	swait.ge [sflag:s29], $0x1  }
0xc3: {  	[sflag:s29] =	ssyncadd.s32 $0xFFFFFFFF  }
0xc4: {  	_ =	strace $0x9000004B  }
0xc5: {  	_ =	sfence  }
0xc6: {  	s30 =	sld [smem:$0x0];
	_ =	sdelay $0x2  }
0xc7: {  	s31 =	sshll.u32 s1, $0xD;
	s1 =	sshrl.u32 s1, $0x2  }
0xc8: {  	s4 =	sand.u32 $0x4000, s31;
	s1 =	sadd.s32 s1, s30  }
0xc9: {  	s0 =	sor.u32 s4, s0;
	s1 =	sshll.u32 s1, $0x11  }
0xca: {  	s0 =	sor.u32 s1, s0  }
0xcb: {  	s0 =	sadd.s32 $0x8F2B, s0  }
0xcc: {  	[sflag:s0] =	ssyncadd.remote.s32 $0x1  }
0xcd: {  	_ =	sfence.sel $0xFFFF  }
0xce: {  	[dreg:$0x0] =	wrdreg $0xFFFFFFFF;
	(pc) =	sbr.abs _section_cstart, $3  }
0xcf: {  	[dreg:$0x1] =	wrdreg $0xFFFFFFFF  }
0xd0: {  	_ =	task.clear_ibuf [dreg:s22], $0x2FFFF;
	_ =	strace $0x9FFFFFFF  }
0xd1: {  	(tm) =	ssettm $0x7FFFFFFF  }
tec
execute0_lowered:
.L_overlay_start_1:
0x0: {  	(tag) =	ssettag $0x1  }
0x1: {  	s1 =	srdreg.scid;
	s0 =	stileid.u32  }
0x2: {  	s13 =	sand.u32 $0x1, s1;
	s30 =	sshll.u32 s0, $0x1  }
0x3: {  	s14 =	sor.u32 s13, s30  }
0x4: {  	s2 =	rddreg [dreg:$0x0];
	s4 =	smul.u32 $0x1E0, s14  }
0x5: {  	s12 =	rddreg [dreg:$0x1]  }
0x6: {  	s3 =	simm.s32 $0x0;
	s1 =	rddreg [dreg:$0x2];
	s4 =	sshrl.u32 s4, $0x3  }
0x7: {  	[smem:$0x7FF] =	sst s3;
	s8 =	sadd.s32 s4, s12  }
0x8: {  	_ =	strace $0x8000004A;
	s4 =	simm.s32 $0x3;
	s5 =	sadd.s32 $0x3300, s8  }
0x9: {  	[tilespmem:s3], [sflag:$0x3] =	stream.linear.gather [hbm4b:s5+s3], $0xF0, $0x38;
	[tilespmem:$0xF200] =	vst v63  }
0xa: {  	_ =	swait.ge [sflag:s4], $0xF0  }
0xb: {  	[sflag:s4] =	ssyncset.done $0x0  }
0xc: {  	s6 =	simm.s32 $0xF0;
	s7 =	simm.s32 $0x200;
	[sflag:s4] =	ssyncadd.s32 $0xFFFFFF10  }
0xd: {  	[tilespmem:s7], [sflag:$0x1] =	stream.indirect.gather [hbm4b:s2+s6], $0x80, s3, s6, $0xb8;
	[tilespmem:$0xF200] =	vst v63  }
0xe: {  	s9 =	simm.s32 $0x100;
	s8 =	sadd.s32 $0x331E, s8  }
0xf: {  	[tilespmem:s9], [sflag:$0x3] =	stream.linear.gather [hbm4b:s8+s3], $0xF0, $0x38;
	[tilespmem:$0xF200] =	vst v63  }
0x10: {  	_ =	swait.ge [sflag:s4], $0xF0  }
0x11: {  	[sflag:s4] =	ssyncset.done $0x0  }
0x12: {  	s10 =	simm.s32 $0x7A00;
	s11 =	simm.s32 $0x1;
	[sflag:s4] =	ssyncadd.s32 $0xFFFFFF10  }
0x13: {  	[tilespmem:s10], [sflag:$0x2] =	stream.indirect.gather [hbm4b:s2+s6], $0x80, s9, s6, $0xb8;
	[tilespmem:$0xF200] =	vst v63  }
0x14: {  	s15 =	smul.u32 $0x1E00, s14;
	_ =	swait.ge [sflag:s11], $0x7800  }
0x15: {  	s16 =	sadd.s32 $0x9600, s12;
	[sflag:s11] =	ssyncset.done $0x0  }
0x16: {  	s31 =	ssub.s32 $0x2, s13;
	s12 =	sadd.s32 s16, s15;
	[sflag:s11] =	ssyncadd.s32 $0xFFFF8800  }
0x17: {  	[hbm4b:s12+s3] =	stream.linear.scatter [tilespmem:s7], [sflag:$0x3], $0x7800, $0x38;
	[tilespmem:$0xF200] =	vst v63  }
0x18: {  	s17 =	sshrl.u32 s31, $0x1;
	_ =	swait.ge [sflag:s4], $0x7800  }
0x19: {  	s14 =	smul.u32 $0xF000, s14;
	s15 =	ssub.s32 s31, s17;
	[sflag:s4] =	ssyncset.done $0x0  }
0x1a: {  	s13 =	simm.s32 $0x2;
	s15 =	smax.u32 s15, $0x1;
	[sflag:s4] =	ssyncadd.s32 $0xFFFF8800  }
0x1b: {  	s14 =	sshrl.u32 s14, $0x3;
	p0 =	sne.s32 s15, $0x1;
	_ =	swait.ge [sflag:s13], $0x7800  }
.Ltmp0:
0x1c: {  	s14 =	sadd.s32 s16, s14;
	[sflag:s13] =	ssyncset.done $0x0;
	(pc) =	sbr.rel @!p0 .LBB2_2-.Ltmp0, $4  }
0x1d: {  	s14 =	sadd.s32 $0xF00, s14;
	[sflag:s13] =	ssyncadd.s32 $0xFFFF8800  }
0x1e: {  	[hbm4b:s14+s3] =	stream.linear.scatter [tilespmem:s10], [sflag:$0x3], $0x7800, $0x38;
	[tilespmem:$0xF200] =	vst v63  }
0x1f: {  	_ =	swait.ge [sflag:s4], $0x7800  }
0x20: {  	s15 =	sadd.s32 $0xFFFFFFFF, s15;
	[sflag:s4] =	ssyncset.done $0x0  }
.LBB2_1:
0x21: {  	p0 =	sne.s32 s15, $0x1;
	s15 =	sadd.s32 $0xFFFFFFFF, s15;
	[sflag:s4] =	ssyncadd.s32 $0xFFFF8800  }
0x22: {  	[tilespmem:s3], [sflag:$0x3] =	stream.linear.gather [hbm4b:s5+s3], $0xF0, $0x38;
	[tilespmem:$0xF200] =	vst v63  }
0x23: {  	_ =	swait.ge [sflag:s4], $0xF0  }
0x24: {  	[sflag:s4] =	ssyncset.done $0x0  }
0x25: {  	[sflag:s4] =	ssyncadd.s32 $0xFFFFFF10  }
0x26: {  	[tilespmem:s7], [sflag:$0x1] =	stream.indirect.gather [hbm4b:s2+s6], $0x80, s3, s6, $0xb8;
	[tilespmem:$0xF200] =	vst v63  }
0x27: {  	_ = 	snop  }
0x28: {  	[tilespmem:s9], [sflag:$0x3] =	stream.linear.gather [hbm4b:s8+s3], $0xF0, $0x38;
	[tilespmem:$0xF200] =	vst v63  }
0x29: {  	_ =	swait.ge [sflag:s4], $0xF0  }
0x2a: {  	[sflag:s4] =	ssyncset.done $0x0  }
0x2b: {  	[sflag:s4] =	ssyncadd.s32 $0xFFFFFF10  }
0x2c: {  	[tilespmem:s10], [sflag:$0x2] =	stream.indirect.gather [hbm4b:s2+s6], $0x80, s9, s6, $0xb8;
	[tilespmem:$0xF200] =	vst v63  }
0x2d: {  	_ =	swait.ge [sflag:s11], $0x7800  }
0x2e: {  	[sflag:s11] =	ssyncset.done $0x0  }
0x2f: {  	[sflag:s11] =	ssyncadd.s32 $0xFFFF8800  }
0x30: {  	[hbm4b:s12+s3] =	stream.linear.scatter [tilespmem:s7], [sflag:$0x3], $0x7800, $0x38;
	[tilespmem:$0xF200] =	vst v63  }
0x31: {  	_ =	swait.ge [sflag:s4], $0x7800  }
0x32: {  	[sflag:s4] =	ssyncset.done $0x0  }
0x33: {  	[sflag:s4] =	ssyncadd.s32 $0xFFFF8800  }
0x34: {  	_ =	swait.ge [sflag:s13], $0x7800  }
.Ltmp1:
0x35: {  	[sflag:s13] =	ssyncset.done $0x0;
	(pc) =	sbr.rel @p0 .LBB2_1-.Ltmp1, $4  }
0x36: {  	[sflag:s13] =	ssyncadd.s32 $0xFFFF8800  }
0x37: {  	[hbm4b:s14+s3] =	stream.linear.scatter [tilespmem:s10], [sflag:$0x3], $0x7800, $0x38;
	[tilespmem:$0xF200] =	vst v63  }
0x38: {  	_ =	swait.ge [sflag:s4], $0x7800  }
0x39: {  	[sflag:s4] =	ssyncset.done $0x0  }
.LBB2_2:
0x3a: {  	[sflag:s4] =	ssyncadd.s32 $0xFFFF8800  }
0x3b: {  	_ =	sfence.sel $0x180000  }
0x3c: {  	[bflag:$0x0] =	sbarrier.arrive $0xFFFF  }
0x3d: {  	p0 =	sne.s32 s0, $0x0;
	_ =	strace $0x9000004A  }
0x3e: {  	s0 =	sadd.s32 @!p0 $0x100000, s1;
	[bflag:$0x2] =	sbarrier.arrive $0xFFFF  }
0x3f: {  	[sflag:s0] =	ssyncadd.tile.s32 @!p0 $0x1;
	_ =	shalt  }
.Lfunc_end2:
_tile_overlayer_lowered:
.L_overlay_start_2:
0x40: {  	(tag) =	ssettag $0x2  }
0x41: {  	s0 =	rddreg [dreg:$0x0];
	s2 =	stileid.u32  }
0x42: {  	s1 =	rddreg [dreg:$0x1];
	p0 =	sne.s32 s2, $0x0  }
0x43: {  	s3 =	rddreg [dreg:$0x2];
	[bflag:$0x3] =	sbarrier.arrive $0xFFFF;
	s2 =	simm.s32 @!p0 $0x1C03  }
0x44: {  	[timem:s3], [sflag:s2] =	dma.local @!p0 [hbm:s0], s1  }
0x45: {  	s0 =	simm.s32 @!p0 $0x3  }
0x46: {  	_ =	swait.ge @!p0 [sflag:s0], s1  }
0x47: {  	s1 =	ssub.s32 @!p0 $0x0, s1;
	[sflag:s0] =	ssyncset.done @!p0 $0x0  }
0x48: {  	[sflag:s0] =	ssyncadd.s32 @!p0 s1  }
0x49: {  	[bflag:$0x3] =	sbarrier.arrive $0xFFFF  }
0x4a: {  	_ =	shalt  }

// kernel: kernel.20.cloned.1.call-start
scs
__scs_entry_jumppad:
0x0: {  	(pc) =	sbr.rel $0x88, $3  }
0x1: {  	(tag) =	ssettag $0x0;
	lr =	simm.s32 $0x1  }
0x2: {  	[smem:$0x3F94] =	sst lr;
	_ =	strace $0xD0000000  }
0x3: {  	_ = 	snop  }
0x4: {  	_ = 	snop  }
0x5: {  	_ = 	snop  }
0x6: {  	_ = 	snop  }
0x7: {  	_ = 	snop  }
__scs_overlays_trampoline_lowered:
0x8: {  	[smem:$0x3FA3] =	sst s0  }
0x9: {  	[smem:$0x3FA4] =	sst s1  }
0xa: {  	[smem:$0x3FA5] =	sst s2  }
0xb: {  	[smem:$0x3FA6] =	sst s3  }
0xc: {  	[smem:$0x3FA7] =	sst s4  }
0xd: {  	[smem:$0x3FA8] =	sst s5  }
0xe: {  	[smem:$0x3FA9] =	sst s6  }
0xf: {  	[smem:$0x3FAA] =	sst s7  }
0x10: {  	[smem:$0x3FAB] =	sst s8  }
0x11: {  	[smem:$0x3FAC] =	sst s9;
	s0 =	simm.s32 @!p0 $0x0  }
0x12: {  	s1 =	sld [smem:$0x3F92];
	s0 =	simm.s32 @p0 $0x1  }
0x13: {  	[smem:$0x3FAD] =	sst s0;
	s0 =	simm.s32 @!p1 $0x0  }
0x14: {  	s2 =	sld [smem:$0x3F91];
	s0 =	simm.s32 @p1 $0x1  }
0x15: {  	[smem:$0x3FAE] =	sst s0;
	s0 =	simm.s32 @!p2 $0x0  }
0x16: {  	s3 =	sld [smem:$0x3FDB];
	s0 =	simm.s32 @p2 $0x1  }
0x17: {  	s4 =	simm.s32 $0x1BF5;
	[smem:$0x3FB0] =	sst s0  }
0x18: {  	s0 =	sld [smem:$0x3F93];
	_ =	swait.ge [sflag:s4], $0x0  }
0x19: {  	s7 =	sld [smem:$0x3F94]  }
0x1a: {  	s8 =	sadd.s32 $0xFFFFE003, lr  }
0x1b: {  	s9 =	sadd.s32 $0xFFFFFEF7, lr;
	s5 =	simm.s32 $0xFFFFFFFF;
	p2 =	slt.u32 s8, $0xFFFFF086  }
0x1c: {  	p1 =	slt.u32 s9, $0xF7A;
	s5 =	simm.s32 @!p2 $0x0  }
0x1d: {  	s5 =	simm.s32 @p1 $0x1;
	p0 =	seq.s32 s7, s2  }
0x1e: {  	s7 =	smul.u32 @!p0 $0xF7A, s2;
	p2 =	seq.s32 @!p0 s5, $0x0  }
0x1f: {  	s9 =	smul.u32 $0xF7A, s1;
	s8 =	simm.s32 @!p0 $0x1BF5;
	p2 =	por !p2, p0  }
0x20: {  	[sflag:s8] =	ssyncset.s32 @!p0 $0xFFFFF086;
	s6 =	sadd.s32 @!p0 s3, s7;
	s7 =	simm.s32 @!p0 $0x108  }
0x21: {  	s3 =	sadd.s32 s3, s9;
	s6 =	sadd.s32 @!p0 $0x88, s6;
	s7 =	simm.s32 @p2 $0x1082  }
0x22: {  	[simem:s7], [sflag:s8] =	dma.local @!p0 [hbm:s6], $0xF7A  }
0x23: {  	s9 =	sor.u32 $0xD0000000, s2;
	s6 =	simm.s32 $0x108;
	_ =	swait.ge @!p0 [sflag:s8], $0x0  }
0x24: {  	s3 =	sadd.s32 $0x88, s3;
	s6 =	simm.s32 @!p1 $0x1082;
	[sflag:s4] =	ssyncset.s32 $0xFFFFF086  }
0x25: {  	[simem:s6], [sflag:s4] =	dma.local [hbm:s3], $0xF7A  }
0x26: {  	[smem:$0x3F94] =	sst s1;
	(tag) =	ssettag s2;
	_ =	strace s9  }
0x27: {  	s1 =	sld [smem:$0x3FA4]  }
0x28: {  	s2 =	sld [smem:$0x3FA5]  }
0x29: {  	s4 =	sld [smem:$0x3FA7]  }
0x2a: {  	p0 =	seq.s32 s5, $0x0;
	s5 =	sld [smem:$0x3FA8]  }
0x2b: {  	s6 =	sld [smem:$0x3FA9]  }
0x2c: {  	s7 =	sld [smem:$0x3FAA]  }
0x2d: {  	s3 =	simm.s32 $0x108;
	s8 =	sld [smem:$0x3FAB]  }
0x2e: {  	s3 =	simm.s32 @!p0 $0x1082;
	s9 =	sld [smem:$0x3FAC]  }
0x2f: {  	lr =	sadd.s32 s0, s3;
	s0 =	sld [smem:$0x3FA3]  }
0x30: {  	s3 =	sld [smem:$0x3FA6]  }
0x31: {  	[smem:$0x3FAF] =	sst s10  }
0x32: {  	s10 =	sld [smem:$0x3FAD];
	_ =	sdelay $0x3  }
0x33: {  	p0 =	seq.s32 s10, $0x1;
	s10 =	sld [smem:$0x3FAF];
	_ =	sdelay $0x3  }
0x34: {  	[smem:$0x3FAF] =	sst s10  }
0x35: {  	s10 =	sld [smem:$0x3FAE];
	_ =	sdelay $0x3  }
0x36: {  	p1 =	seq.s32 s10, $0x1;
	s10 =	sld [smem:$0x3FAF];
	_ =	sdelay $0x3  }
0x37: {  	[smem:$0x3FAF] =	sst s10  }
0x38: {  	s10 =	sld [smem:$0x3FB0]  }
0x39: {  	_ = 	snop;
	(pc) =	sbr.ind lr, $3  }
0x3a: {  	_ = 	snop  }
0x3b: {  	_ = 	snop  }
0x3c: {  	p2 =	seq.s32 s10, $0x1;
	s10 =	sld [smem:$0x3FAF]  }
0x3d: {  	_ =	shalt  }
0x3e: {  	_ =	shalt  }
0x3f: {  	_ =	shalt  }
0x40: {  	_ =	shalt  }
0x41: {  	_ =	shalt  }
0x42: {  	_ =	shalt  }
0x43: {  	_ =	shalt  }
0x44: {  	_ =	shalt  }
0x45: {  	_ =	shalt  }
0x46: {  	_ =	shalt  }
0x47: {  	_ =	shalt  }
0x48: {  	_ =	shalt  }
0x49: {  	_ =	shalt  }
0x4a: {  	_ =	shalt  }
0x4b: {  	_ =	shalt  }
0x4c: {  	_ =	shalt  }
0x4d: {  	_ =	shalt  }
0x4e: {  	_ =	shalt  }
0x4f: {  	_ =	shalt  }
0x50: {  	_ =	shalt  }
0x51: {  	_ =	shalt  }
0x52: {  	_ =	shalt  }
0x53: {  	_ =	shalt  }
0x54: {  	_ =	shalt  }
0x55: {  	_ =	shalt  }
0x56: {  	_ =	shalt  }
0x57: {  	_ =	shalt  }
0x58: {  	_ =	shalt  }
0x59: {  	_ =	shalt  }
0x5a: {  	_ =	shalt  }
0x5b: {  	_ =	shalt  }
0x5c: {  	_ =	shalt  }
0x5d: {  	_ =	shalt  }
0x5e: {  	_ =	shalt  }
0x5f: {  	_ =	shalt  }
0x60: {  	_ =	shalt  }
0x61: {  	_ =	shalt  }
0x62: {  	_ =	shalt  }
0x63: {  	_ =	shalt  }
0x64: {  	_ =	shalt  }
0x65: {  	_ =	shalt  }
0x66: {  	_ =	shalt  }
0x67: {  	_ =	shalt  }
0x68: {  	_ =	shalt  }
0x69: {  	_ =	shalt  }
0x6a: {  	_ =	shalt  }
0x6b: {  	_ =	shalt  }
0x6c: {  	_ =	shalt  }
0x6d: {  	_ =	shalt  }
0x6e: {  	_ =	shalt  }
0x6f: {  	_ =	shalt  }
0x70: {  	_ =	shalt  }
0x71: {  	_ =	shalt  }
0x72: {  	_ =	shalt  }
0x73: {  	_ =	shalt  }
0x74: {  	_ =	shalt  }
0x75: {  	_ =	shalt  }
0x76: {  	_ =	shalt  }
0x77: {  	_ =	shalt  }
0x78: {  	_ =	shalt  }
0x79: {  	_ =	shalt  }
0x7a: {  	_ =	shalt  }
0x7b: {  	_ =	shalt  }
0x7c: {  	_ =	shalt  }
0x7d: {  	_ =	shalt  }
0x7e: {  	_ =	shalt  }
0x7f: {  	_ =	shalt  }
0x80: {  	_ =	shalt  }
0x81: {  	_ =	shalt  }
0x82: {  	_ =	shalt  }
0x83: {  	_ =	shalt  }
0x84: {  	_ =	shalt  }
0x85: {  	_ =	shalt  }
0x86: {  	_ =	shalt  }
0x87: {  	_ =	shalt  }
.Lfunc_end0:
.L_simem_size_0:
called_computation.2_lowered:
.L_overlay_start_0:
0x88: {  	s2 =	sld [smem:$0x3FD9]  }
0x89: {  	s3 =	sld [smem:$0x3FFE];
	_ =	sdelay $0x1  }
0x8a: {  	s1 =	srdreg.scid  }
0x8b: {  	s0 =	sand.u32 $0x1, s1  }
0x8c: {  	s17 =	sshll.u32 s0, $0xA;
	s2 =	sadd.s32 s3, s2  }
0x8d: {  	s2 =	sadd.s32 s2, s17  }
0x8e: {  	[smem:$0x3FBB] =	sst s2  }
0x8f: {  	_ = 	snop  }
0x90: {  	s18 =	sld [smem:$0x3FC6];
	(tm) =	ssettm $0x1  }
0x91: {  	s19 =	sld [smem:$0x3FFB];
	_ =	sdelay $0x3  }
0x92: {  	_ =	strace s19  }
0x93: {  	s2 =	sld [smem:$0x3FFC];
	_ =	sdelay $0x3  }
0x94: {  	_ =	strace s2  }
0x95: {  	s2 =	sld [smem:$0x3FFD];
	_ =	sdelay $0x3  }
0x96: {  	_ =	strace s2  }
0x97: {  	_ =	strace $0x8FFFFFFF  }
0x98: {  	s20 =	sld [smem:$0x3FDB];
	_ =	sdelay $0x1  }
0x99: {  	s4 =	simm.s32 $_scs_section_size  }
0x9a: {  	s5 =	simm.s32 $_size__tile_overlayer_lowered;
	s6 =	simm.s32 $_tile_overlayer_lowered  }
0x9b: {  	s7 =	simm.s32 $0x1BFF;
	s21 =	sshll.u32 s6, $0x1;
	s4 =	sadd.s32 s4, s20  }
0x9c: {  	s22 =	simm.s32 $0x0;
	s5 =	sshll.u32 s5, $0x1;
	s6 =	sadd.s32 s21, s4  }
0x9d: {  	[timem:s22], [sflag:s7] =	dma.local [hbm:s6], s5  }
0x9e: {  	_ =	swait.ge [sflag:s7], s5  }
0x9f: {  	s5 =	ssub.s32 $0x0, s5;
	[sflag:s7] =	ssyncset.done $0x0  }
0xa0: {  	[sflag:s7] =	ssyncadd.s32 s5;
	_ =	sdelay $0x1  }
0xa1: {  	s23 =	simm.s32 $0x1B8B  }
0xa2: {  	_ =	swait.ge [sflag:s23], $0x1  }
0xa3: {  	[sflag:s23] =	ssyncset.done $0x0  }
0xa4: {  	[sflag:s23] =	ssyncadd.s32 $0xFFFFFFFF  }
0xa5: {  	s5 =	sld [smem:$0x0]  }
0xa6: {  	s6 =	sand.u32 $0xFFFFFFFE, s1  }
0xa7: {  	p0 =	sne.s32 s1, s6  }
0xa8: {  	s6 =	sshll.u32 @p0 s6, $0xE  }
0xa9: {  	s6 =	sadd.s32 @p0 $0x11B8D, s6;
	s7 =	sshll.u32 @p0 s5, $0x11  }
0xaa: {  	s6 =	sor.u32 @p0 s7, s6  }
0xab: {  	[sflag:s6] =	ssyncadd.remote.s32 @p0 $0x1;
	_ =	sdelay $0x1  }
0xac: {  	s6 =	simm.s32 @p0 $0x1B8D  }
0xad: {  	_ =	swait.eq @p0 [sflag:s6], $0x1  }
0xae: {  	[sflag:s6] =	ssyncadd.s32 @p0 $0xFFFFFFFF  }
0xaf: {  	s7 =	sshll.u32 @!p0 s1, $0xE  }
0xb0: {  	s7 =	sor.u32 @!p0 $0x4000, s7;
	s6 =	simm.s32 @!p0 $0x1B8D  }
0xb1: {  	s5 =	sshll.u32 @!p0 s5, $0x11;
	s7 =	sadd.s32 @!p0 $0x11B8D, s7;
	_ =	swait.eq @!p0 [sflag:s6], $0x1  }
0xb2: {  	s5 =	sor.u32 @!p0 s5, s7;
	[sflag:s6] =	ssyncadd.s32 @!p0 $0xFFFFFFFF  }
0xb3: {  	s25 =	simm.s32 $0x1B8E;
	s24 =	sld [smem:$0x3FFE];
	[sflag:s5] =	ssyncadd.remote.s32 @!p0 $0x1  }
0xb4: {  	s26 =	simm.s32 $execute0_lowered;
	[smem:$0x3FD2] =	sst s25  }
0xb5: {  	s6 =	sshll.u32 s26, $0x1;
	_ =	strace $0x8000004C;
	[dreg:$0x1] =	wrdreg $0xFFFFFFFF  }
0xb6: {  	s28 =	simm.s32 $_size_execute0_lowered;
	s4 =	sadd.s32 s4, s6;
	[dreg:$0x0] =	wrdreg $0x0  }
0xb7: {  	s6 =	sshll.u32 s28, $0x1;
	[dreg:$0x2] =	wrdreg s4  }
0xb8: {  	[dreg:$0x3] =	wrdreg s6  }
0xb9: {  	[dreg:$0x4] =	wrdreg $0xC0  }
0xba: {  	_ =	task [dreg:s22], $0x5FFFF  }
0xbb: {  	[dreg:$0x1] =	wrdreg $0xFFFFFFFF  }
0xbc: {  	[dreg:$0x0] =	wrdreg $0x60  }
0xbd: {  	[dreg:$0x2] =	wrdreg s18  }
0xbe: {  	[dreg:$0x3] =	wrdreg s24  }
0xbf: {  	[dreg:$0x4] =	wrdreg $0xB  }
0xc0: {  	_ =	task.clear_ibuf [dreg:s22], $0x5FFFF;
	_ =	strace $0x9000004C  }
0xc1: {  	s29 =	simm.s32 $0xB;
	_ =	strace $0x8000004E  }
0xc2: {  	_ =	swait.ge [sflag:s29], $0x1  }
0xc3: {  	[sflag:s29] =	ssyncadd.s32 $0xFFFFFFFF  }
0xc4: {  	_ =	strace $0x9000004E  }
0xc5: {  	_ =	sfence  }
0xc6: {  	s30 =	sld [smem:$0x0];
	_ =	sdelay $0x2  }
0xc7: {  	s31 =	sshll.u32 s1, $0xD;
	s1 =	sshrl.u32 s1, $0x2  }
0xc8: {  	s4 =	sand.u32 $0x4000, s31;
	s1 =	sadd.s32 s1, s30  }
0xc9: {  	s0 =	sor.u32 s4, s0;
	s1 =	sshll.u32 s1, $0x11  }
0xca: {  	s0 =	sor.u32 s1, s0  }
0xcb: {  	s0 =	sadd.s32 $0x8F2B, s0  }
0xcc: {  	[sflag:s0] =	ssyncadd.remote.s32 $0x1  }
0xcd: {  	_ =	sfence.sel $0xFFFF  }
0xce: {  	[dreg:$0x0] =	wrdreg $0xFFFFFFFF;
	(pc) =	sbr.abs _section_cstart, $3  }
0xcf: {  	[dreg:$0x1] =	wrdreg $0xFFFFFFFF  }
0xd0: {  	_ =	task.clear_ibuf [dreg:s22], $0x2FFFF;
	_ =	strace $0x9FFFFFFF  }
0xd1: {  	(tm) =	ssettm $0x7FFFFFFF  }
tec
execute0_lowered:
.L_overlay_start_1:
0x0: {  	(tag) =	ssettag $0x1  }
0x1: {  	s1 =	srdreg.scid;
	s0 =	stileid.u32  }
0x2: {  	s18 =	sand.u32 $0x1, s1;
	s30 =	sshll.u32 s0, $0x1  }
0x3: {  	s14 =	sor.u32 s18, s30  }
0x4: {  	s2 =	rddreg [dreg:$0x0];
	s4 =	smul.u32 $0x480, s14  }
0x5: {  	s12 =	rddreg [dreg:$0x1]  }
0x6: {  	s3 =	simm.s32 $0x0;
	s1 =	rddreg [dreg:$0x2];
	s4 =	sshrl.u32 s4, $0x3  }
0x7: {  	[smem:$0x7FF] =	sst s3;
	s16 =	sadd.s32 s4, s12  }
0x8: {  	_ =	strace $0x8000004D;
	s4 =	simm.s32 $0x3;
	s5 =	sadd.s32 $0x3A80, s16  }
0x9: {  	[tilespmem:s3], [sflag:$0x3] =	stream.linear.gather [hbm4b:s5+s3], $0x120, $0x38;
	[tilespmem:$0x12300] =	vst v63  }
0xa: {  	_ =	swait.ge [sflag:s4], $0x120  }
0xb: {  	[sflag:s4] =	ssyncset.done $0x0  }
0xc: {  	s6 =	simm.s32 $0x120;
	s7 =	simm.s32 $0x300;
	[sflag:s4] =	ssyncadd.s32 $0xFFFFFEE0  }
0xd: {  	[tilespmem:s7], [sflag:$0x1] =	stream.indirect.gather [hbm4b:s2+s6], $0x80, s3, s6, $0xb8;
	[tilespmem:$0x12300] =	vst v63  }
0xe: {  	s9 =	simm.s32 $0x180;
	s8 =	sadd.s32 $0x3AA4, s16  }
0xf: {  	[tilespmem:s9], [sflag:$0x3] =	stream.linear.gather [hbm4b:s8+s3], $0x120, $0x38;
	[tilespmem:$0x12300] =	vst v63  }
0x10: {  	_ =	swait.ge [sflag:s4], $0x120  }
0x11: {  	[sflag:s4] =	ssyncset.done $0x0  }
0x12: {  	s10 =	simm.s32 $0x9300;
	s11 =	simm.s32 $0x1;
	[sflag:s4] =	ssyncadd.s32 $0xFFFFFEE0  }
0x13: {  	[tilespmem:s10], [sflag:$0x2] =	stream.indirect.gather [hbm4b:s2+s6], $0x80, s9, s6, $0xb8;
	[tilespmem:$0x12300] =	vst v63  }
0x14: {  	s13 =	smul.u32 $0x4800, s14;
	_ =	swait.ge [sflag:s11], $0x9000  }
0x15: {  	s15 =	sadd.s32 $0x45600, s12;
	[sflag:s11] =	ssyncset.done $0x0  }
0x16: {  	s12 =	sadd.s32 s15, s13;
	[sflag:s11] =	ssyncadd.s32 $0xFFFF7000  }
0x17: {  	[hbm4b:s12+s3] =	stream.linear.scatter [tilespmem:s7], [sflag:$0x3], $0x9000, $0x38;
	[tilespmem:$0x12300] =	vst v63  }
0x18: {  	_ =	swait.ge [sflag:s4], $0x9000  }
0x19: {  	[sflag:s4] =	ssyncset.done $0x0  }
0x1a: {  	s13 =	sadd.s32 $0x3AC8, s16;
	[sflag:s4] =	ssyncadd.s32 $0xFFFF7000  }
0x1b: {  	[tilespmem:s3], [sflag:$0x3] =	stream.linear.gather [hbm4b:s13+s3], $0x120, $0x38;
	[tilespmem:$0x12300] =	vst v63  }
0x1c: {  	_ =	swait.ge [sflag:s4], $0x120  }
0x1d: {  	[sflag:s4] =	ssyncset.done $0x0  }
0x1e: {  	s17 =	smul.u32 $0x24000, s14;
	s14 =	simm.s32 $0x2;
	[sflag:s4] =	ssyncadd.s32 $0xFFFFFEE0  }
0x1f: {  	[tilespmem:s7], [sflag:$0x1] =	stream.indirect.gather [hbm4b:s2+s6], $0x80, s3, s6, $0xb8;
	[tilespmem:$0x12300] =	vst v63  }
0x20: {  	s17 =	sshrl.u32 s17, $0x3;
	_ =	swait.ge [sflag:s14], $0x9000  }
0x21: {  	s19 =	sadd.s32 s15, s17;
	[sflag:s14] =	ssyncset.done $0x0  }
0x22: {  	s15 =	sadd.s32 $0x1200, s19;
	[sflag:s14] =	ssyncadd.s32 $0xFFFF7000  }
0x23: {  	[hbm4b:s15+s3] =	stream.linear.scatter [tilespmem:s10], [sflag:$0x3], $0x9000, $0x38;
	[tilespmem:$0x12300] =	vst v63  }
0x24: {  	_ =	swait.ge [sflag:s4], $0x9000  }
0x25: {  	[sflag:s4] =	ssyncset.done $0x0  }
0x26: {  	s16 =	sadd.s32 $0x3AEC, s16;
	[sflag:s4] =	ssyncadd.s32 $0xFFFF7000  }
0x27: {  	[tilespmem:s9], [sflag:$0x3] =	stream.linear.gather [hbm4b:s16+s3], $0x120, $0x38;
	[tilespmem:$0x12300] =	vst v63  }
0x28: {  	_ =	swait.ge [sflag:s4], $0x120  }
0x29: {  	[sflag:s4] =	ssyncset.done $0x0  }
0x2a: {  	[sflag:s4] =	ssyncadd.s32 $0xFFFFFEE0  }
0x2b: {  	[tilespmem:s10], [sflag:$0x2] =	stream.indirect.gather [hbm4b:s2+s6], $0x80, s9, s6, $0xb8;
	[tilespmem:$0x12300] =	vst v63  }
0x2c: {  	_ =	swait.ge [sflag:s11], $0x9000  }
0x2d: {  	[sflag:s11] =	ssyncset.done $0x0  }
0x2e: {  	s18 =	ssub.s32 $0x2, s18;
	s17 =	sadd.s32 $0x2400, s19;
	[sflag:s11] =	ssyncadd.s32 $0xFFFF7000  }
0x2f: {  	[hbm4b:s17+s3] =	stream.linear.scatter [tilespmem:s7], [sflag:$0x3], $0x9000, $0x38;
	[tilespmem:$0x12300] =	vst v63  }
0x30: {  	s20 =	sshrl.u32 s18, $0x1;
	_ =	swait.ge [sflag:s4], $0x9000  }
0x31: {  	s20 =	ssub.s32 s18, s20;
	[sflag:s4] =	ssyncset.done $0x0  }
0x32: {  	s31 =	smax.u32 s20, $0x1;
	[sflag:s4] =	ssyncadd.s32 $0xFFFF7000  }
0x33: {  	p0 =	sne.s32 s31, $0x1;
	_ =	swait.ge [sflag:s14], $0x9000  }
.Ltmp0:
0x34: {  	[sflag:s14] =	ssyncset.done $0x0;
	(pc) =	sbr.rel @!p0 .LBB2_2-.Ltmp0, $4  }
0x35: {  	s18 =	sadd.s32 $0x3600, s19;
	[sflag:s14] =	ssyncadd.s32 $0xFFFF7000  }
0x36: {  	[hbm4b:s18+s3] =	stream.linear.scatter [tilespmem:s10], [sflag:$0x3], $0x9000, $0x38;
	[tilespmem:$0x12300] =	vst v63  }
0x37: {  	_ =	swait.ge [sflag:s4], $0x9000  }
0x38: {  	s19 =	sadd.s32 $0xFFFFFFFF, s31;
	[sflag:s4] =	ssyncset.done $0x0  }
.LBB2_1:
0x39: {  	p0 =	sne.s32 s19, $0x1;
	s19 =	sadd.s32 $0xFFFFFFFF, s19;
	[sflag:s4] =	ssyncadd.s32 $0xFFFF7000  }
0x3a: {  	[tilespmem:s3], [sflag:$0x3] =	stream.linear.gather [hbm4b:s5+s3], $0x120, $0x38;
	[tilespmem:$0x12300] =	vst v63  }
0x3b: {  	_ =	swait.ge [sflag:s4], $0x120  }
0x3c: {  	[sflag:s4] =	ssyncset.done $0x0  }
0x3d: {  	[sflag:s4] =	ssyncadd.s32 $0xFFFFFEE0  }
0x3e: {  	[tilespmem:s7], [sflag:$0x1] =	stream.indirect.gather [hbm4b:s2+s6], $0x80, s3, s6, $0xb8;
	[tilespmem:$0x12300] =	vst v63  }
0x3f: {  	_ = 	snop  }
0x40: {  	[tilespmem:s9], [sflag:$0x3] =	stream.linear.gather [hbm4b:s8+s3], $0x120, $0x38;
	[tilespmem:$0x12300] =	vst v63  }
0x41: {  	_ =	swait.ge [sflag:s4], $0x120  }
0x42: {  	[sflag:s4] =	ssyncset.done $0x0  }
0x43: {  	[sflag:s4] =	ssyncadd.s32 $0xFFFFFEE0  }
0x44: {  	[tilespmem:s10], [sflag:$0x2] =	stream.indirect.gather [hbm4b:s2+s6], $0x80, s9, s6, $0xb8;
	[tilespmem:$0x12300] =	vst v63  }
0x45: {  	_ =	swait.ge [sflag:s11], $0x9000  }
0x46: {  	[sflag:s11] =	ssyncset.done $0x0  }
0x47: {  	[sflag:s11] =	ssyncadd.s32 $0xFFFF7000  }
0x48: {  	[hbm4b:s12+s3] =	stream.linear.scatter [tilespmem:s7], [sflag:$0x3], $0x9000, $0x38;
	[tilespmem:$0x12300] =	vst v63  }
0x49: {  	_ =	swait.ge [sflag:s4], $0x9000  }
0x4a: {  	[sflag:s4] =	ssyncset.done $0x0  }
0x4b: {  	[sflag:s4] =	ssyncadd.s32 $0xFFFF7000  }
0x4c: {  	[tilespmem:s3], [sflag:$0x3] =	stream.linear.gather [hbm4b:s13+s3], $0x120, $0x38;
	[tilespmem:$0x12300] =	vst v63  }
0x4d: {  	_ =	swait.ge [sflag:s4], $0x120  }
0x4e: {  	[sflag:s4] =	ssyncset.done $0x0  }
0x4f: {  	[sflag:s4] =	ssyncadd.s32 $0xFFFFFEE0  }
0x50: {  	[tilespmem:s7], [sflag:$0x1] =	stream.indirect.gather [hbm4b:s2+s6], $0x80, s3, s6, $0xb8;
	[tilespmem:$0x12300] =	vst v63  }
0x51: {  	_ =	swait.ge [sflag:s14], $0x9000  }
0x52: {  	[sflag:s14] =	ssyncset.done $0x0  }
0x53: {  	[sflag:s14] =	ssyncadd.s32 $0xFFFF7000  }
0x54: {  	[hbm4b:s15+s3] =	stream.linear.scatter [tilespmem:s10], [sflag:$0x3], $0x9000, $0x38;
	[tilespmem:$0x12300] =	vst v63  }
0x55: {  	_ =	swait.ge [sflag:s4], $0x9000  }
0x56: {  	[sflag:s4] =	ssyncset.done $0x0  }
0x57: {  	[sflag:s4] =	ssyncadd.s32 $0xFFFF7000  }
0x58: {  	[tilespmem:s9], [sflag:$0x3] =	stream.linear.gather [hbm4b:s16+s3], $0x120, $0x38;
	[tilespmem:$0x12300] =	vst v63  }
0x59: {  	_ =	swait.ge [sflag:s4], $0x120  }
0x5a: {  	[sflag:s4] =	ssyncset.done $0x0  }
0x5b: {  	[sflag:s4] =	ssyncadd.s32 $0xFFFFFEE0  }
0x5c: {  	[tilespmem:s10], [sflag:$0x2] =	stream.indirect.gather [hbm4b:s2+s6], $0x80, s9, s6, $0xb8;
	[tilespmem:$0x12300] =	vst v63  }
0x5d: {  	_ =	swait.ge [sflag:s11], $0x9000  }
0x5e: {  	[sflag:s11] =	ssyncset.done $0x0  }
0x5f: {  	[sflag:s11] =	ssyncadd.s32 $0xFFFF7000  }
0x60: {  	[hbm4b:s17+s3] =	stream.linear.scatter [tilespmem:s7], [sflag:$0x3], $0x9000, $0x38;
	[tilespmem:$0x12300] =	vst v63  }
0x61: {  	_ =	swait.ge [sflag:s4], $0x9000  }
0x62: {  	[sflag:s4] =	ssyncset.done $0x0  }
0x63: {  	[sflag:s4] =	ssyncadd.s32 $0xFFFF7000  }
0x64: {  	_ =	swait.ge [sflag:s14], $0x9000  }
.Ltmp1:
0x65: {  	[sflag:s14] =	ssyncset.done $0x0;
	(pc) =	sbr.rel @p0 .LBB2_1-.Ltmp1, $4  }
0x66: {  	[sflag:s14] =	ssyncadd.s32 $0xFFFF7000  }
0x67: {  	[hbm4b:s18+s3] =	stream.linear.scatter [tilespmem:s10], [sflag:$0x3], $0x9000, $0x38;
	[tilespmem:$0x12300] =	vst v63  }
0x68: {  	_ =	swait.ge [sflag:s4], $0x9000  }
0x69: {  	[sflag:s4] =	ssyncset.done $0x0  }
.LBB2_2:
0x6a: {  	[sflag:s4] =	ssyncadd.s32 $0xFFFF7000  }
0x6b: {  	_ =	sfence.sel $0x180000  }
0x6c: {  	[bflag:$0x0] =	sbarrier.arrive $0xFFFF  }
0x6d: {  	p0 =	sne.s32 s0, $0x0;
	_ =	strace $0x9000004D  }
0x6e: {  	s0 =	sadd.s32 @!p0 $0x100000, s1;
	[bflag:$0x2] =	sbarrier.arrive $0xFFFF  }
0x6f: {  	[sflag:s0] =	ssyncadd.tile.s32 @!p0 $0x1;
	_ =	shalt  }
.Lfunc_end2:
_tile_overlayer_lowered:
.L_overlay_start_2:
0x70: {  	(tag) =	ssettag $0x2  }
0x71: {  	s0 =	rddreg [dreg:$0x0];
	s2 =	stileid.u32  }
0x72: {  	s1 =	rddreg [dreg:$0x1];
	p0 =	sne.s32 s2, $0x0  }
0x73: {  	s3 =	rddreg [dreg:$0x2];
	[bflag:$0x3] =	sbarrier.arrive $0xFFFF;
	s2 =	simm.s32 @!p0 $0x1C03  }
0x74: {  	[timem:s3], [sflag:s2] =	dma.local @!p0 [hbm:s0], s1  }
0x75: {  	s0 =	simm.s32 @!p0 $0x3  }
0x76: {  	_ =	swait.ge @!p0 [sflag:s0], s1  }
0x77: {  	s1 =	ssub.s32 @!p0 $0x0, s1;
	[sflag:s0] =	ssyncset.done @!p0 $0x0  }
0x78: {  	[sflag:s0] =	ssyncadd.s32 @!p0 s1  }
0x79: {  	[bflag:$0x3] =	sbarrier.arrive $0xFFFF  }
0x7a: {  	_ =	shalt  }

// kernel: kernel.23.cloned.1.call-start
scs
__scs_entry_jumppad:
0x0: {  	(pc) =	sbr.rel $0x88, $3  }
0x1: {  	(tag) =	ssettag $0x0;
	lr =	simm.s32 $0x1  }
0x2: {  	[smem:$0x3F94] =	sst lr;
	_ =	strace $0xD0000000  }
0x3: {  	_ = 	snop  }
0x4: {  	_ = 	snop  }
0x5: {  	_ = 	snop  }
0x6: {  	_ = 	snop  }
0x7: {  	_ = 	snop  }
__scs_overlays_trampoline_lowered:
0x8: {  	[smem:$0x3FA3] =	sst s0  }
0x9: {  	[smem:$0x3FA4] =	sst s1  }
0xa: {  	[smem:$0x3FA5] =	sst s2  }
0xb: {  	[smem:$0x3FA6] =	sst s3  }
0xc: {  	[smem:$0x3FA7] =	sst s4  }
0xd: {  	[smem:$0x3FA8] =	sst s5  }
0xe: {  	[smem:$0x3FA9] =	sst s6  }
0xf: {  	[smem:$0x3FAA] =	sst s7  }
0x10: {  	[smem:$0x3FAB] =	sst s8  }
0x11: {  	[smem:$0x3FAC] =	sst s9;
	s0 =	simm.s32 @!p0 $0x0  }
0x12: {  	s1 =	sld [smem:$0x3F92];
	s0 =	simm.s32 @p0 $0x1  }
0x13: {  	[smem:$0x3FAD] =	sst s0;
	s0 =	simm.s32 @!p1 $0x0  }
0x14: {  	s2 =	sld [smem:$0x3F91];
	s0 =	simm.s32 @p1 $0x1  }
0x15: {  	[smem:$0x3FAE] =	sst s0;
	s0 =	simm.s32 @!p2 $0x0  }
0x16: {  	s3 =	sld [smem:$0x3FDB];
	s0 =	simm.s32 @p2 $0x1  }
0x17: {  	s4 =	simm.s32 $0x1BF5;
	[smem:$0x3FB0] =	sst s0  }
0x18: {  	s0 =	sld [smem:$0x3F93];
	_ =	swait.ge [sflag:s4], $0x0  }
0x19: {  	s7 =	sld [smem:$0x3F94]  }
0x1a: {  	s8 =	sadd.s32 $0xFFFFE003, lr  }
0x1b: {  	s9 =	sadd.s32 $0xFFFFFEF7, lr;
	s5 =	simm.s32 $0xFFFFFFFF;
	p2 =	slt.u32 s8, $0xFFFFF086  }
0x1c: {  	p1 =	slt.u32 s9, $0xF7A;
	s5 =	simm.s32 @!p2 $0x0  }
0x1d: {  	s5 =	simm.s32 @p1 $0x1;
	p0 =	seq.s32 s7, s2  }
0x1e: {  	s7 =	smul.u32 @!p0 $0xF7A, s2;
	p2 =	seq.s32 @!p0 s5, $0x0  }
0x1f: {  	s9 =	smul.u32 $0xF7A, s1;
	s8 =	simm.s32 @!p0 $0x1BF5;
	p2 =	por !p2, p0  }
0x20: {  	[sflag:s8] =	ssyncset.s32 @!p0 $0xFFFFF086;
	s6 =	sadd.s32 @!p0 s3, s7;
	s7 =	simm.s32 @!p0 $0x108  }
0x21: {  	s3 =	sadd.s32 s3, s9;
	s6 =	sadd.s32 @!p0 $0x88, s6;
	s7 =	simm.s32 @p2 $0x1082  }
0x22: {  	[simem:s7], [sflag:s8] =	dma.local @!p0 [hbm:s6], $0xF7A  }
0x23: {  	s9 =	sor.u32 $0xD0000000, s2;
	s6 =	simm.s32 $0x108;
	_ =	swait.ge @!p0 [sflag:s8], $0x0  }
0x24: {  	s3 =	sadd.s32 $0x88, s3;
	s6 =	simm.s32 @!p1 $0x1082;
	[sflag:s4] =	ssyncset.s32 $0xFFFFF086  }
0x25: {  	[simem:s6], [sflag:s4] =	dma.local [hbm:s3], $0xF7A  }
0x26: {  	[smem:$0x3F94] =	sst s1;
	(tag) =	ssettag s2;
	_ =	strace s9  }
0x27: {  	s1 =	sld [smem:$0x3FA4]  }
0x28: {  	s2 =	sld [smem:$0x3FA5]  }
0x29: {  	s4 =	sld [smem:$0x3FA7]  }
0x2a: {  	p0 =	seq.s32 s5, $0x0;
	s5 =	sld [smem:$0x3FA8]  }
0x2b: {  	s6 =	sld [smem:$0x3FA9]  }
0x2c: {  	s7 =	sld [smem:$0x3FAA]  }
0x2d: {  	s3 =	simm.s32 $0x108;
	s8 =	sld [smem:$0x3FAB]  }
0x2e: {  	s3 =	simm.s32 @!p0 $0x1082;
	s9 =	sld [smem:$0x3FAC]  }
0x2f: {  	lr =	sadd.s32 s0, s3;
	s0 =	sld [smem:$0x3FA3]  }
0x30: {  	s3 =	sld [smem:$0x3FA6]  }
0x31: {  	[smem:$0x3FAF] =	sst s10  }
0x32: {  	s10 =	sld [smem:$0x3FAD];
	_ =	sdelay $0x3  }
0x33: {  	p0 =	seq.s32 s10, $0x1;
	s10 =	sld [smem:$0x3FAF];
	_ =	sdelay $0x3  }
0x34: {  	[smem:$0x3FAF] =	sst s10  }
0x35: {  	s10 =	sld [smem:$0x3FAE];
	_ =	sdelay $0x3  }
0x36: {  	p1 =	seq.s32 s10, $0x1;
	s10 =	sld [smem:$0x3FAF];
	_ =	sdelay $0x3  }
0x37: {  	[smem:$0x3FAF] =	sst s10  }
0x38: {  	s10 =	sld [smem:$0x3FB0]  }
0x39: {  	_ = 	snop;
	(pc) =	sbr.ind lr, $3  }
0x3a: {  	_ = 	snop  }
0x3b: {  	_ = 	snop  }
0x3c: {  	p2 =	seq.s32 s10, $0x1;
	s10 =	sld [smem:$0x3FAF]  }
0x3d: {  	_ =	shalt  }
0x3e: {  	_ =	shalt  }
0x3f: {  	_ =	shalt  }
0x40: {  	_ =	shalt  }
0x41: {  	_ =	shalt  }
0x42: {  	_ =	shalt  }
0x43: {  	_ =	shalt  }
0x44: {  	_ =	shalt  }
0x45: {  	_ =	shalt  }
0x46: {  	_ =	shalt  }
0x47: {  	_ =	shalt  }
0x48: {  	_ =	shalt  }
0x49: {  	_ =	shalt  }
0x4a: {  	_ =	shalt  }
0x4b: {  	_ =	shalt  }
0x4c: {  	_ =	shalt  }
0x4d: {  	_ =	shalt  }
0x4e: {  	_ =	shalt  }
0x4f: {  	_ =	shalt  }
0x50: {  	_ =	shalt  }
0x51: {  	_ =	shalt  }
0x52: {  	_ =	shalt  }
0x53: {  	_ =	shalt  }
0x54: {  	_ =	shalt  }
0x55: {  	_ =	shalt  }
0x56: {  	_ =	shalt  }
0x57: {  	_ =	shalt  }
0x58: {  	_ =	shalt  }
0x59: {  	_ =	shalt  }
0x5a: {  	_ =	shalt  }
0x5b: {  	_ =	shalt  }
0x5c: {  	_ =	shalt  }
0x5d: {  	_ =	shalt  }
0x5e: {  	_ =	shalt  }
0x5f: {  	_ =	shalt  }
0x60: {  	_ =	shalt  }
0x61: {  	_ =	shalt  }
0x62: {  	_ =	shalt  }
0x63: {  	_ =	shalt  }
0x64: {  	_ =	shalt  }
0x65: {  	_ =	shalt  }
0x66: {  	_ =	shalt  }
0x67: {  	_ =	shalt  }
0x68: {  	_ =	shalt  }
0x69: {  	_ =	shalt  }
0x6a: {  	_ =	shalt  }
0x6b: {  	_ =	shalt  }
0x6c: {  	_ =	shalt  }
0x6d: {  	_ =	shalt  }
0x6e: {  	_ =	shalt  }
0x6f: {  	_ =	shalt  }
0x70: {  	_ =	shalt  }
0x71: {  	_ =	shalt  }
0x72: {  	_ =	shalt  }
0x73: {  	_ =	shalt  }
0x74: {  	_ =	shalt  }
0x75: {  	_ =	shalt  }
0x76: {  	_ =	shalt  }
0x77: {  	_ =	shalt  }
0x78: {  	_ =	shalt  }
0x79: {  	_ =	shalt  }
0x7a: {  	_ =	shalt  }
0x7b: {  	_ =	shalt  }
0x7c: {  	_ =	shalt  }
0x7d: {  	_ =	shalt  }
0x7e: {  	_ =	shalt  }
0x7f: {  	_ =	shalt  }
0x80: {  	_ =	shalt  }
0x81: {  	_ =	shalt  }
0x82: {  	_ =	shalt  }
0x83: {  	_ =	shalt  }
0x84: {  	_ =	shalt  }
0x85: {  	_ =	shalt  }
0x86: {  	_ =	shalt  }
0x87: {  	_ =	shalt  }
.Lfunc_end0:
.L_simem_size_0:
called_computation.3_lowered:
.L_overlay_start_0:
0x88: {  	s2 =	sld [smem:$0x3FD9]  }
0x89: {  	s3 =	sld [smem:$0x3FFE];
	_ =	sdelay $0x1  }
0x8a: {  	s1 =	srdreg.scid  }
0x8b: {  	s0 =	sand.u32 $0x1, s1  }
0x8c: {  	s17 =	sshll.u32 s0, $0xA;
	s2 =	sadd.s32 s3, s2  }
0x8d: {  	s2 =	sadd.s32 s2, s17  }
0x8e: {  	[smem:$0x3FBB] =	sst s2  }
0x8f: {  	_ = 	snop  }
0x90: {  	s18 =	sld [smem:$0x3FC6];
	(tm) =	ssettm $0x1  }
0x91: {  	s19 =	sld [smem:$0x3FFB];
	_ =	sdelay $0x3  }
0x92: {  	_ =	strace s19  }
0x93: {  	s2 =	sld [smem:$0x3FFC];
	_ =	sdelay $0x3  }
0x94: {  	_ =	strace s2  }
0x95: {  	s2 =	sld [smem:$0x3FFD];
	_ =	sdelay $0x3  }
0x96: {  	_ =	strace s2  }
0x97: {  	_ =	strace $0x8FFFFFFF  }
0x98: {  	s20 =	sld [smem:$0x3FDB];
	_ =	sdelay $0x1  }
0x99: {  	s4 =	simm.s32 $_scs_section_size  }
0x9a: {  	s5 =	simm.s32 $_size__tile_overlayer_lowered;
	s6 =	simm.s32 $_tile_overlayer_lowered  }
0x9b: {  	s7 =	simm.s32 $0x1BFF;
	s21 =	sshll.u32 s6, $0x1;
	s4 =	sadd.s32 s4, s20  }
0x9c: {  	s22 =	simm.s32 $0x0;
	s5 =	sshll.u32 s5, $0x1;
	s6 =	sadd.s32 s21, s4  }
0x9d: {  	[timem:s22], [sflag:s7] =	dma.local [hbm:s6], s5  }
0x9e: {  	_ =	swait.ge [sflag:s7], s5  }
0x9f: {  	s5 =	ssub.s32 $0x0, s5;
	[sflag:s7] =	ssyncset.done $0x0  }
0xa0: {  	[sflag:s7] =	ssyncadd.s32 s5;
	_ =	sdelay $0x1  }
0xa1: {  	s23 =	simm.s32 $0x1B8B  }
0xa2: {  	_ =	swait.ge [sflag:s23], $0x1  }
0xa3: {  	[sflag:s23] =	ssyncset.done $0x0  }
0xa4: {  	[sflag:s23] =	ssyncadd.s32 $0xFFFFFFFF  }
0xa5: {  	s5 =	sld [smem:$0x0]  }
0xa6: {  	s6 =	sand.u32 $0xFFFFFFFE, s1  }
0xa7: {  	p0 =	sne.s32 s1, s6  }
0xa8: {  	s6 =	sshll.u32 @p0 s6, $0xE  }
0xa9: {  	s6 =	sadd.s32 @p0 $0x11B8D, s6;
	s7 =	sshll.u32 @p0 s5, $0x11  }
0xaa: {  	s6 =	sor.u32 @p0 s7, s6  }
0xab: {  	[sflag:s6] =	ssyncadd.remote.s32 @p0 $0x1;
	_ =	sdelay $0x1  }
0xac: {  	s6 =	simm.s32 @p0 $0x1B8D  }
0xad: {  	_ =	swait.eq @p0 [sflag:s6], $0x1  }
0xae: {  	[sflag:s6] =	ssyncadd.s32 @p0 $0xFFFFFFFF  }
0xaf: {  	s7 =	sshll.u32 @!p0 s1, $0xE  }
0xb0: {  	s7 =	sor.u32 @!p0 $0x4000, s7;
	s6 =	simm.s32 @!p0 $0x1B8D  }
0xb1: {  	s5 =	sshll.u32 @!p0 s5, $0x11;
	s7 =	sadd.s32 @!p0 $0x11B8D, s7;
	_ =	swait.eq @!p0 [sflag:s6], $0x1  }
0xb2: {  	s5 =	sor.u32 @!p0 s5, s7;
	[sflag:s6] =	ssyncadd.s32 @!p0 $0xFFFFFFFF  }
0xb3: {  	s25 =	simm.s32 $0x1B8E;
	s24 =	sld [smem:$0x3FFE];
	[sflag:s5] =	ssyncadd.remote.s32 @!p0 $0x1  }
0xb4: {  	s26 =	simm.s32 $execute0_lowered;
	[smem:$0x3FD2] =	sst s25  }
0xb5: {  	s6 =	sshll.u32 s26, $0x1;
	_ =	strace $0x8000004F;
	[dreg:$0x1] =	wrdreg $0xFFFFFFFF  }
0xb6: {  	s28 =	simm.s32 $_size_execute0_lowered;
	s4 =	sadd.s32 s4, s6;
	[dreg:$0x0] =	wrdreg $0x0  }
0xb7: {  	s6 =	sshll.u32 s28, $0x1;
	[dreg:$0x2] =	wrdreg s4  }
0xb8: {  	[dreg:$0x3] =	wrdreg s6  }
0xb9: {  	[dreg:$0x4] =	wrdreg $0xC0  }
0xba: {  	_ =	task [dreg:s22], $0x5FFFF  }
0xbb: {  	[dreg:$0x1] =	wrdreg $0xFFFFFFFF  }
0xbc: {  	[dreg:$0x0] =	wrdreg $0x60  }
0xbd: {  	[dreg:$0x2] =	wrdreg s18  }
0xbe: {  	[dreg:$0x3] =	wrdreg s24  }
0xbf: {  	[dreg:$0x4] =	wrdreg $0xC  }
0xc0: {  	_ =	task.clear_ibuf [dreg:s22], $0x5FFFF;
	_ =	strace $0x9000004F  }
0xc1: {  	s29 =	simm.s32 $0xC;
	_ =	strace $0x80000051  }
0xc2: {  	_ =	swait.ge [sflag:s29], $0x1  }
0xc3: {  	[sflag:s29] =	ssyncadd.s32 $0xFFFFFFFF  }
0xc4: {  	_ =	strace $0x90000051  }
0xc5: {  	_ =	sfence  }
0xc6: {  	s30 =	sld [smem:$0x0];
	_ =	sdelay $0x2  }
0xc7: {  	s31 =	sshll.u32 s1, $0xD;
	s1 =	sshrl.u32 s1, $0x2  }
0xc8: {  	s4 =	sand.u32 $0x4000, s31;
	s1 =	sadd.s32 s1, s30  }
0xc9: {  	s0 =	sor.u32 s4, s0;
	s1 =	sshll.u32 s1, $0x11  }
0xca: {  	s0 =	sor.u32 s1, s0  }
0xcb: {  	s0 =	sadd.s32 $0x8F2B, s0  }
0xcc: {  	[sflag:s0] =	ssyncadd.remote.s32 $0x1  }
0xcd: {  	_ =	sfence.sel $0xFFFF  }
0xce: {  	[dreg:$0x0] =	wrdreg $0xFFFFFFFF;
	(pc) =	sbr.abs _section_cstart, $3  }
0xcf: {  	[dreg:$0x1] =	wrdreg $0xFFFFFFFF  }
0xd0: {  	_ =	task.clear_ibuf [dreg:s22], $0x2FFFF;
	_ =	strace $0x9FFFFFFF  }
0xd1: {  	(tm) =	ssettm $0x7FFFFFFF  }
tec
execute0_lowered:
.L_overlay_start_1:
0x0: {  	(tag) =	ssettag $0x1  }
0x1: {  	s1 =	srdreg.scid;
	s0 =	stileid.u32  }
0x2: {  	s21 =	sand.u32 $0x1, s1;
	s30 =	sshll.u32 s0, $0x1  }
0x3: {  	s16 =	sor.u32 s21, s30  }
0x4: {  	s2 =	rddreg [dreg:$0x0];
	s4 =	smul.u32 $0x600, s16  }
0x5: {  	s11 =	rddreg [dreg:$0x1]  }
0x6: {  	s3 =	simm.s32 $0x0;
	s1 =	rddreg [dreg:$0x2];
	s4 =	sshrl.u32 s4, $0x3  }
0x7: {  	[smem:$0x7FF] =	sst s3;
	s19 =	sadd.s32 s4, s11  }
0x8: {  	_ =	strace $0x80000050;
	s4 =	simm.s32 $0x3;
	s5 =	sadd.s32 $0x4C80, s19  }
0x9: {  	[tilespmem:s3], [sflag:$0x3] =	stream.linear.gather [hbm4b:s5+s3], $0x100, $0x38;
	[tilespmem:$0x10200] =	vst v63  }
0xa: {  	_ =	swait.ge [sflag:s4], $0x100  }
0xb: {  	[sflag:s4] =	ssyncset.done $0x0  }
0xc: {  	s6 =	simm.s32 $0x100;
	s7 =	simm.s32 $0x200;
	[sflag:s4] =	ssyncadd.s32 $0xFFFFFF00  }
0xd: {  	[tilespmem:s7], [sflag:$0x1] =	stream.indirect.gather [hbm4b:s2+s6], $0x80, s3, s6, $0xb8;
	[tilespmem:$0x10200] =	vst v63  }
0xe: {  	s8 =	sadd.s32 $0x4CA0, s19  }
0xf: {  	[tilespmem:s6], [sflag:$0x3] =	stream.linear.gather [hbm4b:s8+s3], $0x100, $0x38;
	[tilespmem:$0x10200] =	vst v63  }
0x10: {  	_ =	swait.ge [sflag:s4], $0x100  }
0x11: {  	[sflag:s4] =	ssyncset.done $0x0  }
0x12: {  	s9 =	simm.s32 $0x8200;
	s10 =	simm.s32 $0x1;
	[sflag:s4] =	ssyncadd.s32 $0xFFFFFF00  }
0x13: {  	[tilespmem:s9], [sflag:$0x2] =	stream.indirect.gather [hbm4b:s2+s6], $0x80, s6, s6, $0xb8;
	[tilespmem:$0x10200] =	vst v63  }
0x14: {  	s12 =	smul.u32 $0x6000, s16;
	_ =	swait.ge [sflag:s10], $0x8000  }
0x15: {  	s17 =	sadd.s32 $0xD5600, s11;
	[sflag:s10] =	ssyncset.done $0x0  }
0x16: {  	s11 =	sadd.s32 s17, s12;
	[sflag:s10] =	ssyncadd.s32 $0xFFFF8000  }
0x17: {  	[hbm4b:s11+s3] =	stream.linear.scatter [tilespmem:s7], [sflag:$0x3], $0x8000, $0x38;
	[tilespmem:$0x10200] =	vst v63  }
0x18: {  	_ =	swait.ge [sflag:s4], $0x8000  }
0x19: {  	[sflag:s4] =	ssyncset.done $0x0  }
0x1a: {  	s12 =	sadd.s32 $0x4CC0, s19;
	[sflag:s4] =	ssyncadd.s32 $0xFFFF8000  }
0x1b: {  	[tilespmem:s3], [sflag:$0x3] =	stream.linear.gather [hbm4b:s12+s3], $0x100, $0x38;
	[tilespmem:$0x10200] =	vst v63  }
0x1c: {  	_ =	swait.ge [sflag:s4], $0x100  }
0x1d: {  	[sflag:s4] =	ssyncset.done $0x0  }
0x1e: {  	s13 =	simm.s32 $0x2;
	[sflag:s4] =	ssyncadd.s32 $0xFFFFFF00  }
0x1f: {  	[tilespmem:s7], [sflag:$0x1] =	stream.indirect.gather [hbm4b:s2+s6], $0x80, s3, s6, $0xb8;
	[tilespmem:$0x10200] =	vst v63  }
0x20: {  	_ =	swait.ge [sflag:s13], $0x8000  }
0x21: {  	[sflag:s13] =	ssyncset.done $0x0  }
0x22: {  	s14 =	sadd.s32 $0x1000, s11;
	[sflag:s13] =	ssyncadd.s32 $0xFFFF8000  }
0x23: {  	[hbm4b:s14+s3] =	stream.linear.scatter [tilespmem:s9], [sflag:$0x3], $0x8000, $0x38;
	[tilespmem:$0x10200] =	vst v63  }
0x24: {  	_ =	swait.ge [sflag:s4], $0x8000  }
0x25: {  	[sflag:s4] =	ssyncset.done $0x0  }
0x26: {  	s15 =	sadd.s32 $0x4CE0, s19;
	[sflag:s4] =	ssyncadd.s32 $0xFFFF8000  }
0x27: {  	[tilespmem:s6], [sflag:$0x3] =	stream.linear.gather [hbm4b:s15+s3], $0x100, $0x38;
	[tilespmem:$0x10200] =	vst v63  }
0x28: {  	_ =	swait.ge [sflag:s4], $0x100  }
0x29: {  	[sflag:s4] =	ssyncset.done $0x0  }
0x2a: {  	s16 =	smul.u32 $0x30000, s16;
	[sflag:s4] =	ssyncadd.s32 $0xFFFFFF00  }
0x2b: {  	[tilespmem:s9], [sflag:$0x2] =	stream.indirect.gather [hbm4b:s2+s6], $0x80, s6, s6, $0xb8;
	[tilespmem:$0x10200] =	vst v63  }
0x2c: {  	s16 =	sshrl.u32 s16, $0x3;
	_ =	swait.ge [sflag:s10], $0x8000  }
0x2d: {  	s22 =	sadd.s32 s17, s16;
	[sflag:s10] =	ssyncset.done $0x0  }
0x2e: {  	s16 =	sadd.s32 $0x2000, s22;
	[sflag:s10] =	ssyncadd.s32 $0xFFFF8000  }
0x2f: {  	[hbm4b:s16+s3] =	stream.linear.scatter [tilespmem:s7], [sflag:$0x3], $0x8000, $0x38;
	[tilespmem:$0x10200] =	vst v63  }
0x30: {  	_ =	swait.ge [sflag:s4], $0x8000  }
0x31: {  	[sflag:s4] =	ssyncset.done $0x0  }
0x32: {  	s17 =	sadd.s32 $0x4D00, s19;
	[sflag:s4] =	ssyncadd.s32 $0xFFFF8000  }
0x33: {  	[tilespmem:s3], [sflag:$0x3] =	stream.linear.gather [hbm4b:s17+s3], $0x100, $0x38;
	[tilespmem:$0x10200] =	vst v63  }
0x34: {  	_ =	swait.ge [sflag:s4], $0x100  }
0x35: {  	[sflag:s4] =	ssyncset.done $0x0  }
0x36: {  	[sflag:s4] =	ssyncadd.s32 $0xFFFFFF00  }
0x37: {  	[tilespmem:s7], [sflag:$0x1] =	stream.indirect.gather [hbm4b:s2+s6], $0x80, s3, s6, $0xb8;
	[tilespmem:$0x10200] =	vst v63  }
0x38: {  	_ =	swait.ge [sflag:s13], $0x8000  }
0x39: {  	[sflag:s13] =	ssyncset.done $0x0  }
0x3a: {  	s18 =	sadd.s32 $0x3000, s22;
	[sflag:s13] =	ssyncadd.s32 $0xFFFF8000  }
0x3b: {  	[hbm4b:s18+s3] =	stream.linear.scatter [tilespmem:s9], [sflag:$0x3], $0x8000, $0x38;
	[tilespmem:$0x10200] =	vst v63  }
0x3c: {  	_ =	swait.ge [sflag:s4], $0x8000  }
0x3d: {  	[sflag:s4] =	ssyncset.done $0x0  }
0x3e: {  	s19 =	sadd.s32 $0x4D20, s19;
	[sflag:s4] =	ssyncadd.s32 $0xFFFF8000  }
0x3f: {  	[tilespmem:s6], [sflag:$0x3] =	stream.linear.gather [hbm4b:s19+s3], $0x100, $0x38;
	[tilespmem:$0x10200] =	vst v63  }
0x40: {  	_ =	swait.ge [sflag:s4], $0x100  }
0x41: {  	[sflag:s4] =	ssyncset.done $0x0  }
0x42: {  	[sflag:s4] =	ssyncadd.s32 $0xFFFFFF00  }
0x43: {  	[tilespmem:s9], [sflag:$0x2] =	stream.indirect.gather [hbm4b:s2+s6], $0x80, s6, s6, $0xb8;
	[tilespmem:$0x10200] =	vst v63  }
0x44: {  	_ =	swait.ge [sflag:s10], $0x8000  }
0x45: {  	[sflag:s10] =	ssyncset.done $0x0  }
0x46: {  	s21 =	ssub.s32 $0x2, s21;
	s20 =	sadd.s32 $0x4000, s22;
	[sflag:s10] =	ssyncadd.s32 $0xFFFF8000  }
0x47: {  	[hbm4b:s20+s3] =	stream.linear.scatter [tilespmem:s7], [sflag:$0x3], $0x8000, $0x38;
	[tilespmem:$0x10200] =	vst v63  }
0x48: {  	s23 =	sshrl.u32 s21, $0x1;
	_ =	swait.ge [sflag:s4], $0x8000  }
0x49: {  	s23 =	ssub.s32 s21, s23;
	[sflag:s4] =	ssyncset.done $0x0  }
0x4a: {  	s31 =	smax.u32 s23, $0x1;
	[sflag:s4] =	ssyncadd.s32 $0xFFFF8000  }
0x4b: {  	p0 =	sne.s32 s31, $0x1;
	_ =	swait.ge [sflag:s13], $0x8000  }
.Ltmp0:
0x4c: {  	[sflag:s13] =	ssyncset.done $0x0;
	(pc) =	sbr.rel @!p0 .LBB2_2-.Ltmp0, $4  }
0x4d: {  	s21 =	sadd.s32 $0x5000, s22;
	[sflag:s13] =	ssyncadd.s32 $0xFFFF8000  }
0x4e: {  	[hbm4b:s21+s3] =	stream.linear.scatter [tilespmem:s9], [sflag:$0x3], $0x8000, $0x38;
	[tilespmem:$0x10200] =	vst v63  }
0x4f: {  	_ =	swait.ge [sflag:s4], $0x8000  }
0x50: {  	s22 =	sadd.s32 $0xFFFFFFFF, s31;
	[sflag:s4] =	ssyncset.done $0x0  }
.LBB2_1:
0x51: {  	p0 =	sne.s32 s22, $0x1;
	s22 =	sadd.s32 $0xFFFFFFFF, s22;
	[sflag:s4] =	ssyncadd.s32 $0xFFFF8000  }
0x52: {  	[tilespmem:s3], [sflag:$0x3] =	stream.linear.gather [hbm4b:s5+s3], $0x100, $0x38;
	[tilespmem:$0x10200] =	vst v63  }
0x53: {  	_ =	swait.ge [sflag:s4], $0x100  }
0x54: {  	[sflag:s4] =	ssyncset.done $0x0  }
0x55: {  	[sflag:s4] =	ssyncadd.s32 $0xFFFFFF00  }
0x56: {  	[tilespmem:s7], [sflag:$0x1] =	stream.indirect.gather [hbm4b:s2+s6], $0x80, s3, s6, $0xb8;
	[tilespmem:$0x10200] =	vst v63  }
0x57: {  	_ = 	snop  }
0x58: {  	[tilespmem:s6], [sflag:$0x3] =	stream.linear.gather [hbm4b:s8+s3], $0x100, $0x38;
	[tilespmem:$0x10200] =	vst v63  }
0x59: {  	_ =	swait.ge [sflag:s4], $0x100  }
0x5a: {  	[sflag:s4] =	ssyncset.done $0x0  }
0x5b: {  	[sflag:s4] =	ssyncadd.s32 $0xFFFFFF00  }
0x5c: {  	[tilespmem:s9], [sflag:$0x2] =	stream.indirect.gather [hbm4b:s2+s6], $0x80, s6, s6, $0xb8;
	[tilespmem:$0x10200] =	vst v63  }
0x5d: {  	_ =	swait.ge [sflag:s10], $0x8000  }
0x5e: {  	[sflag:s10] =	ssyncset.done $0x0  }
0x5f: {  	[sflag:s10] =	ssyncadd.s32 $0xFFFF8000  }
0x60: {  	[hbm4b:s11+s3] =	stream.linear.scatter [tilespmem:s7], [sflag:$0x3], $0x8000, $0x38;
	[tilespmem:$0x10200] =	vst v63  }
0x61: {  	_ =	swait.ge [sflag:s4], $0x8000  }
0x62: {  	[sflag:s4] =	ssyncset.done $0x0  }
0x63: {  	[sflag:s4] =	ssyncadd.s32 $0xFFFF8000  }
0x64: {  	[tilespmem:s3], [sflag:$0x3] =	stream.linear.gather [hbm4b:s12+s3], $0x100, $0x38;
	[tilespmem:$0x10200] =	vst v63  }
0x65: {  	_ =	swait.ge [sflag:s4], $0x100  }
0x66: {  	[sflag:s4] =	ssyncset.done $0x0  }
0x67: {  	[sflag:s4] =	ssyncadd.s32 $0xFFFFFF00  }
0x68: {  	[tilespmem:s7], [sflag:$0x1] =	stream.indirect.gather [hbm4b:s2+s6], $0x80, s3, s6, $0xb8;
	[tilespmem:$0x10200] =	vst v63  }
0x69: {  	_ =	swait.ge [sflag:s13], $0x8000  }
0x6a: {  	[sflag:s13] =	ssyncset.done $0x0  }
0x6b: {  	[sflag:s13] =	ssyncadd.s32 $0xFFFF8000  }
0x6c: {  	[hbm4b:s14+s3] =	stream.linear.scatter [tilespmem:s9], [sflag:$0x3], $0x8000, $0x38;
	[tilespmem:$0x10200] =	vst v63  }
0x6d: {  	_ =	swait.ge [sflag:s4], $0x8000  }
0x6e: {  	[sflag:s4] =	ssyncset.done $0x0  }
0x6f: {  	[sflag:s4] =	ssyncadd.s32 $0xFFFF8000  }
0x70: {  	[tilespmem:s6], [sflag:$0x3] =	stream.linear.gather [hbm4b:s15+s3], $0x100, $0x38;
	[tilespmem:$0x10200] =	vst v63  }
0x71: {  	_ =	swait.ge [sflag:s4], $0x100  }
0x72: {  	[sflag:s4] =	ssyncset.done $0x0  }
0x73: {  	[sflag:s4] =	ssyncadd.s32 $0xFFFFFF00  }
0x74: {  	[tilespmem:s9], [sflag:$0x2] =	stream.indirect.gather [hbm4b:s2+s6], $0x80, s6, s6, $0xb8;
	[tilespmem:$0x10200] =	vst v63  }
0x75: {  	_ =	swait.ge [sflag:s10], $0x8000  }
0x76: {  	[sflag:s10] =	ssyncset.done $0x0  }
0x77: {  	[sflag:s10] =	ssyncadd.s32 $0xFFFF8000  }
0x78: {  	[hbm4b:s16+s3] =	stream.linear.scatter [tilespmem:s7], [sflag:$0x3], $0x8000, $0x38;
	[tilespmem:$0x10200] =	vst v63  }
0x79: {  	_ =	swait.ge [sflag:s4], $0x8000  }
0x7a: {  	[sflag:s4] =	ssyncset.done $0x0  }
0x7b: {  	[sflag:s4] =	ssyncadd.s32 $0xFFFF8000  }
0x7c: {  	[tilespmem:s3], [sflag:$0x3] =	stream.linear.gather [hbm4b:s17+s3], $0x100, $0x38;
	[tilespmem:$0x10200] =	vst v63  }
0x7d: {  	_ =	swait.ge [sflag:s4], $0x100  }
0x7e: {  	[sflag:s4] =	ssyncset.done $0x0  }
0x7f: {  	[sflag:s4] =	ssyncadd.s32 $0xFFFFFF00  }
0x80: {  	[tilespmem:s7], [sflag:$0x1] =	stream.indirect.gather [hbm4b:s2+s6], $0x80, s3, s6, $0xb8;
	[tilespmem:$0x10200] =	vst v63  }
0x81: {  	_ =	swait.ge [sflag:s13], $0x8000  }
0x82: {  	[sflag:s13] =	ssyncset.done $0x0  }
0x83: {  	[sflag:s13] =	ssyncadd.s32 $0xFFFF8000  }
0x84: {  	[hbm4b:s18+s3] =	stream.linear.scatter [tilespmem:s9], [sflag:$0x3], $0x8000, $0x38;
	[tilespmem:$0x10200] =	vst v63  }
0x85: {  	_ =	swait.ge [sflag:s4], $0x8000  }
0x86: {  	[sflag:s4] =	ssyncset.done $0x0  }
0x87: {  	[sflag:s4] =	ssyncadd.s32 $0xFFFF8000  }
0x88: {  	[tilespmem:s6], [sflag:$0x3] =	stream.linear.gather [hbm4b:s19+s3], $0x100, $0x38;
	[tilespmem:$0x10200] =	vst v63  }
0x89: {  	_ =	swait.ge [sflag:s4], $0x100  }
0x8a: {  	[sflag:s4] =	ssyncset.done $0x0  }
0x8b: {  	[sflag:s4] =	ssyncadd.s32 $0xFFFFFF00  }
0x8c: {  	[tilespmem:s9], [sflag:$0x2] =	stream.indirect.gather [hbm4b:s2+s6], $0x80, s6, s6, $0xb8;
	[tilespmem:$0x10200] =	vst v63  }
0x8d: {  	_ =	swait.ge [sflag:s10], $0x8000  }
0x8e: {  	[sflag:s10] =	ssyncset.done $0x0  }
0x8f: {  	[sflag:s10] =	ssyncadd.s32 $0xFFFF8000  }
0x90: {  	[hbm4b:s20+s3] =	stream.linear.scatter [tilespmem:s7], [sflag:$0x3], $0x8000, $0x38;
	[tilespmem:$0x10200] =	vst v63  }
0x91: {  	_ =	swait.ge [sflag:s4], $0x8000  }
0x92: {  	[sflag:s4] =	ssyncset.done $0x0  }
0x93: {  	[sflag:s4] =	ssyncadd.s32 $0xFFFF8000  }
0x94: {  	_ =	swait.ge [sflag:s13], $0x8000  }
.Ltmp1:
0x95: {  	[sflag:s13] =	ssyncset.done $0x0;
	(pc) =	sbr.rel @p0 .LBB2_1-.Ltmp1, $4  }
0x96: {  	[sflag:s13] =	ssyncadd.s32 $0xFFFF8000  }
0x97: {  	[hbm4b:s21+s3] =	stream.linear.scatter [tilespmem:s9], [sflag:$0x3], $0x8000, $0x38;
	[tilespmem:$0x10200] =	vst v63  }
0x98: {  	_ =	swait.ge [sflag:s4], $0x8000  }
0x99: {  	[sflag:s4] =	ssyncset.done $0x0  }
.LBB2_2:
0x9a: {  	[sflag:s4] =	ssyncadd.s32 $0xFFFF8000  }
0x9b: {  	_ =	sfence.sel $0x180000  }
0x9c: {  	[bflag:$0x0] =	sbarrier.arrive $0xFFFF  }
0x9d: {  	p0 =	sne.s32 s0, $0x0;
	_ =	strace $0x90000050  }
0x9e: {  	s0 =	sadd.s32 @!p0 $0x100000, s1;
	[bflag:$0x2] =	sbarrier.arrive $0xFFFF  }
0x9f: {  	[sflag:s0] =	ssyncadd.tile.s32 @!p0 $0x1;
	_ =	shalt  }
.Lfunc_end2:
_tile_overlayer_lowered:
.L_overlay_start_2:
0xa0: {  	(tag) =	ssettag $0x2  }
0xa1: {  	s0 =	rddreg [dreg:$0x0];
	s2 =	stileid.u32  }
0xa2: {  	s1 =	rddreg [dreg:$0x1];
	p0 =	sne.s32 s2, $0x0  }
0xa3: {  	s3 =	rddreg [dreg:$0x2];
	[bflag:$0x3] =	sbarrier.arrive $0xFFFF;
	s2 =	simm.s32 @!p0 $0x1C03  }
0xa4: {  	[timem:s3], [sflag:s2] =	dma.local @!p0 [hbm:s0], s1  }
0xa5: {  	s0 =	simm.s32 @!p0 $0x3  }
0xa6: {  	_ =	swait.ge @!p0 [sflag:s0], s1  }
0xa7: {  	s1 =	ssub.s32 @!p0 $0x0, s1;
	[sflag:s0] =	ssyncset.done @!p0 $0x0  }
0xa8: {  	[sflag:s0] =	ssyncadd.s32 @!p0 s1  }
0xa9: {  	[bflag:$0x3] =	sbarrier.arrive $0xFFFF  }
0xaa: {  	_ =	shalt  }

// kernel: kernel.26.cloned.1.call-start
scs
__scs_entry_jumppad:
0x0: {  	(pc) =	sbr.rel $0x88, $3  }
0x1: {  	(tag) =	ssettag $0x0;
	lr =	simm.s32 $0x1  }
0x2: {  	[smem:$0x3F94] =	sst lr;
	_ =	strace $0xD0000000  }
0x3: {  	_ = 	snop  }
0x4: {  	_ = 	snop  }
0x5: {  	_ = 	snop  }
0x6: {  	_ = 	snop  }
0x7: {  	_ = 	snop  }
__scs_overlays_trampoline_lowered:
0x8: {  	[smem:$0x3FA3] =	sst s0  }
0x9: {  	[smem:$0x3FA4] =	sst s1  }
0xa: {  	[smem:$0x3FA5] =	sst s2  }
0xb: {  	[smem:$0x3FA6] =	sst s3  }
0xc: {  	[smem:$0x3FA7] =	sst s4  }
0xd: {  	[smem:$0x3FA8] =	sst s5  }
0xe: {  	[smem:$0x3FA9] =	sst s6  }
0xf: {  	[smem:$0x3FAA] =	sst s7  }
0x10: {  	[smem:$0x3FAB] =	sst s8  }
0x11: {  	[smem:$0x3FAC] =	sst s9;
	s0 =	simm.s32 @!p0 $0x0  }
0x12: {  	s1 =	sld [smem:$0x3F92];
	s0 =	simm.s32 @p0 $0x1  }
0x13: {  	[smem:$0x3FAD] =	sst s0;
	s0 =	simm.s32 @!p1 $0x0  }
0x14: {  	s2 =	sld [smem:$0x3F91];
	s0 =	simm.s32 @p1 $0x1  }
0x15: {  	[smem:$0x3FAE] =	sst s0;
	s0 =	simm.s32 @!p2 $0x0  }
0x16: {  	s3 =	sld [smem:$0x3FDB];
	s0 =	simm.s32 @p2 $0x1  }
0x17: {  	s4 =	simm.s32 $0x1BF5;
	[smem:$0x3FB0] =	sst s0  }
0x18: {  	s0 =	sld [smem:$0x3F93];
	_ =	swait.ge [sflag:s4], $0x0  }
0x19: {  	s7 =	sld [smem:$0x3F94]  }
0x1a: {  	s8 =	sadd.s32 $0xFFFFE003, lr  }
0x1b: {  	s9 =	sadd.s32 $0xFFFFFEF7, lr;
	s5 =	simm.s32 $0xFFFFFFFF;
	p2 =	slt.u32 s8, $0xFFFFF086  }
0x1c: {  	p1 =	slt.u32 s9, $0xF7A;
	s5 =	simm.s32 @!p2 $0x0  }
0x1d: {  	s5 =	simm.s32 @p1 $0x1;
	p0 =	seq.s32 s7, s2  }
0x1e: {  	s7 =	smul.u32 @!p0 $0xF7A, s2;
	p2 =	seq.s32 @!p0 s5, $0x0  }
0x1f: {  	s9 =	smul.u32 $0xF7A, s1;
	s8 =	simm.s32 @!p0 $0x1BF5;
	p2 =	por !p2, p0  }
0x20: {  	[sflag:s8] =	ssyncset.s32 @!p0 $0xFFFFF086;
	s6 =	sadd.s32 @!p0 s3, s7;
	s7 =	simm.s32 @!p0 $0x108  }
0x21: {  	s3 =	sadd.s32 s3, s9;
	s6 =	sadd.s32 @!p0 $0x88, s6;
	s7 =	simm.s32 @p2 $0x1082  }
0x22: {  	[simem:s7], [sflag:s8] =	dma.local @!p0 [hbm:s6], $0xF7A  }
0x23: {  	s9 =	sor.u32 $0xD0000000, s2;
	s6 =	simm.s32 $0x108;
	_ =	swait.ge @!p0 [sflag:s8], $0x0  }
0x24: {  	s3 =	sadd.s32 $0x88, s3;
	s6 =	simm.s32 @!p1 $0x1082;
	[sflag:s4] =	ssyncset.s32 $0xFFFFF086  }
0x25: {  	[simem:s6], [sflag:s4] =	dma.local [hbm:s3], $0xF7A  }
0x26: {  	[smem:$0x3F94] =	sst s1;
	(tag) =	ssettag s2;
	_ =	strace s9  }
0x27: {  	s1 =	sld [smem:$0x3FA4]  }
0x28: {  	s2 =	sld [smem:$0x3FA5]  }
0x29: {  	s4 =	sld [smem:$0x3FA7]  }
0x2a: {  	p0 =	seq.s32 s5, $0x0;
	s5 =	sld [smem:$0x3FA8]  }
0x2b: {  	s6 =	sld [smem:$0x3FA9]  }
0x2c: {  	s7 =	sld [smem:$0x3FAA]  }
0x2d: {  	s3 =	simm.s32 $0x108;
	s8 =	sld [smem:$0x3FAB]  }
0x2e: {  	s3 =	simm.s32 @!p0 $0x1082;
	s9 =	sld [smem:$0x3FAC]  }
0x2f: {  	lr =	sadd.s32 s0, s3;
	s0 =	sld [smem:$0x3FA3]  }
0x30: {  	s3 =	sld [smem:$0x3FA6]  }
0x31: {  	[smem:$0x3FAF] =	sst s10  }
0x32: {  	s10 =	sld [smem:$0x3FAD];
	_ =	sdelay $0x3  }
0x33: {  	p0 =	seq.s32 s10, $0x1;
	s10 =	sld [smem:$0x3FAF];
	_ =	sdelay $0x3  }
0x34: {  	[smem:$0x3FAF] =	sst s10  }
0x35: {  	s10 =	sld [smem:$0x3FAE];
	_ =	sdelay $0x3  }
0x36: {  	p1 =	seq.s32 s10, $0x1;
	s10 =	sld [smem:$0x3FAF];
	_ =	sdelay $0x3  }
0x37: {  	[smem:$0x3FAF] =	sst s10  }
0x38: {  	s10 =	sld [smem:$0x3FB0]  }
0x39: {  	_ = 	snop;
	(pc) =	sbr.ind lr, $3  }
0x3a: {  	_ = 	snop  }
0x3b: {  	_ = 	snop  }
0x3c: {  	p2 =	seq.s32 s10, $0x1;
	s10 =	sld [smem:$0x3FAF]  }
0x3d: {  	_ =	shalt  }
0x3e: {  	_ =	shalt  }
0x3f: {  	_ =	shalt  }
0x40: {  	_ =	shalt  }
0x41: {  	_ =	shalt  }
0x42: {  	_ =	shalt  }
0x43: {  	_ =	shalt  }
0x44: {  	_ =	shalt  }
0x45: {  	_ =	shalt  }
0x46: {  	_ =	shalt  }
0x47: {  	_ =	shalt  }
0x48: {  	_ =	shalt  }
0x49: {  	_ =	shalt  }
0x4a: {  	_ =	shalt  }
0x4b: {  	_ =	shalt  }
0x4c: {  	_ =	shalt  }
0x4d: {  	_ =	shalt  }
0x4e: {  	_ =	shalt  }
0x4f: {  	_ =	shalt  }
0x50: {  	_ =	shalt  }
0x51: {  	_ =	shalt  }
0x52: {  	_ =	shalt  }
0x53: {  	_ =	shalt  }
0x54: {  	_ =	shalt  }
0x55: {  	_ =	shalt  }
0x56: {  	_ =	shalt  }
0x57: {  	_ =	shalt  }
0x58: {  	_ =	shalt  }
0x59: {  	_ =	shalt  }
0x5a: {  	_ =	shalt  }
0x5b: {  	_ =	shalt  }
0x5c: {  	_ =	shalt  }
0x5d: {  	_ =	shalt  }
0x5e: {  	_ =	shalt  }
0x5f: {  	_ =	shalt  }
0x60: {  	_ =	shalt  }
0x61: {  	_ =	shalt  }
0x62: {  	_ =	shalt  }
0x63: {  	_ =	shalt  }
0x64: {  	_ =	shalt  }
0x65: {  	_ =	shalt  }
0x66: {  	_ =	shalt  }
0x67: {  	_ =	shalt  }
0x68: {  	_ =	shalt  }
0x69: {  	_ =	shalt  }
0x6a: {  	_ =	shalt  }
0x6b: {  	_ =	shalt  }
0x6c: {  	_ =	shalt  }
0x6d: {  	_ =	shalt  }
0x6e: {  	_ =	shalt  }
0x6f: {  	_ =	shalt  }
0x70: {  	_ =	shalt  }
0x71: {  	_ =	shalt  }
0x72: {  	_ =	shalt  }
0x73: {  	_ =	shalt  }
0x74: {  	_ =	shalt  }
0x75: {  	_ =	shalt  }
0x76: {  	_ =	shalt  }
0x77: {  	_ =	shalt  }
0x78: {  	_ =	shalt  }
0x79: {  	_ =	shalt  }
0x7a: {  	_ =	shalt  }
0x7b: {  	_ =	shalt  }
0x7c: {  	_ =	shalt  }
0x7d: {  	_ =	shalt  }
0x7e: {  	_ =	shalt  }
0x7f: {  	_ =	shalt  }
0x80: {  	_ =	shalt  }
0x81: {  	_ =	shalt  }
0x82: {  	_ =	shalt  }
0x83: {  	_ =	shalt  }
0x84: {  	_ =	shalt  }
0x85: {  	_ =	shalt  }
0x86: {  	_ =	shalt  }
0x87: {  	_ =	shalt  }
.Lfunc_end0:
.L_simem_size_0:
called_computation.4_lowered:
.L_overlay_start_0:
0x88: {  	s2 =	sld [smem:$0x3FD9]  }
0x89: {  	s3 =	sld [smem:$0x3FFE];
	_ =	sdelay $0x1  }
0x8a: {  	s1 =	srdreg.scid  }
0x8b: {  	s0 =	sand.u32 $0x1, s1  }
0x8c: {  	s17 =	sshll.u32 s0, $0xA;
	s2 =	sadd.s32 s3, s2  }
0x8d: {  	s2 =	sadd.s32 s2, s17  }
0x8e: {  	[smem:$0x3FBB] =	sst s2  }
0x8f: {  	_ = 	snop  }
0x90: {  	s18 =	sld [smem:$0x3FC6];
	(tm) =	ssettm $0x1  }
0x91: {  	s19 =	sld [smem:$0x3FFB];
	_ =	sdelay $0x3  }
0x92: {  	_ =	strace s19  }
0x93: {  	s2 =	sld [smem:$0x3FFC];
	_ =	sdelay $0x3  }
0x94: {  	_ =	strace s2  }
0x95: {  	s2 =	sld [smem:$0x3FFD];
	_ =	sdelay $0x3  }
0x96: {  	_ =	strace s2  }
0x97: {  	_ =	strace $0x8FFFFFFF  }
0x98: {  	s20 =	sld [smem:$0x3FDB];
	_ =	sdelay $0x1  }
0x99: {  	s4 =	simm.s32 $_scs_section_size  }
0x9a: {  	s5 =	simm.s32 $_size__tile_overlayer_lowered;
	s6 =	simm.s32 $_tile_overlayer_lowered  }
0x9b: {  	s7 =	simm.s32 $0x1BFF;
	s21 =	sshll.u32 s6, $0x1;
	s4 =	sadd.s32 s4, s20  }
0x9c: {  	s22 =	simm.s32 $0x0;
	s5 =	sshll.u32 s5, $0x1;
	s6 =	sadd.s32 s21, s4  }
0x9d: {  	[timem:s22], [sflag:s7] =	dma.local [hbm:s6], s5  }
0x9e: {  	_ =	swait.ge [sflag:s7], s5  }
0x9f: {  	s5 =	ssub.s32 $0x0, s5;
	[sflag:s7] =	ssyncset.done $0x0  }
0xa0: {  	[sflag:s7] =	ssyncadd.s32 s5;
	_ =	sdelay $0x1  }
0xa1: {  	s23 =	simm.s32 $0x1B8B  }
0xa2: {  	_ =	swait.ge [sflag:s23], $0x1  }
0xa3: {  	[sflag:s23] =	ssyncset.done $0x0  }
0xa4: {  	[sflag:s23] =	ssyncadd.s32 $0xFFFFFFFF  }
0xa5: {  	s5 =	sld [smem:$0x0]  }
0xa6: {  	s6 =	sand.u32 $0xFFFFFFFE, s1  }
0xa7: {  	p0 =	sne.s32 s1, s6  }
0xa8: {  	s6 =	sshll.u32 @p0 s6, $0xE  }
0xa9: {  	s6 =	sadd.s32 @p0 $0x11B8D, s6;
	s7 =	sshll.u32 @p0 s5, $0x11  }
0xaa: {  	s6 =	sor.u32 @p0 s7, s6  }
0xab: {  	[sflag:s6] =	ssyncadd.remote.s32 @p0 $0x1;
	_ =	sdelay $0x1  }
0xac: {  	s6 =	simm.s32 @p0 $0x1B8D  }
0xad: {  	_ =	swait.eq @p0 [sflag:s6], $0x1  }
0xae: {  	[sflag:s6] =	ssyncadd.s32 @p0 $0xFFFFFFFF  }
0xaf: {  	s7 =	sshll.u32 @!p0 s1, $0xE  }
0xb0: {  	s7 =	sor.u32 @!p0 $0x4000, s7;
	s6 =	simm.s32 @!p0 $0x1B8D  }
0xb1: {  	s5 =	sshll.u32 @!p0 s5, $0x11;
	s7 =	sadd.s32 @!p0 $0x11B8D, s7;
	_ =	swait.eq @!p0 [sflag:s6], $0x1  }
0xb2: {  	s5 =	sor.u32 @!p0 s5, s7;
	[sflag:s6] =	ssyncadd.s32 @!p0 $0xFFFFFFFF  }
0xb3: {  	s25 =	simm.s32 $0x1B8E;
	s24 =	sld [smem:$0x3FFE];
	[sflag:s5] =	ssyncadd.remote.s32 @!p0 $0x1  }
0xb4: {  	s26 =	simm.s32 $execute0_lowered;
	[smem:$0x3FD2] =	sst s25  }
0xb5: {  	s6 =	sshll.u32 s26, $0x1;
	_ =	strace $0x80000052;
	[dreg:$0x1] =	wrdreg $0xFFFFFFFF  }
0xb6: {  	s28 =	simm.s32 $_size_execute0_lowered;
	s4 =	sadd.s32 s4, s6;
	[dreg:$0x0] =	wrdreg $0x0  }
0xb7: {  	s6 =	sshll.u32 s28, $0x1;
	[dreg:$0x2] =	wrdreg s4  }
0xb8: {  	[dreg:$0x3] =	wrdreg s6  }
0xb9: {  	[dreg:$0x4] =	wrdreg $0xC0  }
0xba: {  	_ =	task [dreg:s22], $0x5FFFF  }
0xbb: {  	[dreg:$0x1] =	wrdreg $0xFFFFFFFF  }
0xbc: {  	[dreg:$0x0] =	wrdreg $0x60  }
0xbd: {  	[dreg:$0x2] =	wrdreg s18  }
0xbe: {  	[dreg:$0x3] =	wrdreg s24  }
0xbf: {  	[dreg:$0x4] =	wrdreg $0xD  }
0xc0: {  	_ =	task.clear_ibuf [dreg:s22], $0x5FFFF;
	_ =	strace $0x90000052  }
0xc1: {  	s29 =	simm.s32 $0xD;
	_ =	strace $0x80000054  }
0xc2: {  	_ =	swait.ge [sflag:s29], $0x1  }
0xc3: {  	[sflag:s29] =	ssyncadd.s32 $0xFFFFFFFF  }
0xc4: {  	_ =	strace $0x90000054  }
0xc5: {  	_ =	sfence  }
0xc6: {  	s30 =	sld [smem:$0x0];
	_ =	sdelay $0x2  }
0xc7: {  	s31 =	sshll.u32 s1, $0xD;
	s1 =	sshrl.u32 s1, $0x2  }
0xc8: {  	s4 =	sand.u32 $0x4000, s31;
	s1 =	sadd.s32 s1, s30  }
0xc9: {  	s0 =	sor.u32 s4, s0;
	s1 =	sshll.u32 s1, $0x11  }
0xca: {  	s0 =	sor.u32 s1, s0  }
0xcb: {  	s0 =	sadd.s32 $0x8F2B, s0  }
0xcc: {  	[sflag:s0] =	ssyncadd.remote.s32 $0x1  }
0xcd: {  	_ =	sfence.sel $0xFFFF  }
0xce: {  	[dreg:$0x0] =	wrdreg $0xFFFFFFFF;
	(pc) =	sbr.abs _section_cstart, $3  }
0xcf: {  	[dreg:$0x1] =	wrdreg $0xFFFFFFFF  }
0xd0: {  	_ =	task.clear_ibuf [dreg:s22], $0x2FFFF;
	_ =	strace $0x9FFFFFFF  }
0xd1: {  	(tm) =	ssettm $0x7FFFFFFF  }
tec
execute0_lowered:
.L_overlay_start_1:
0x0: {  	(tag) =	ssettag $0x1  }
0x1: {  	s1 =	srdreg.scid;
	s0 =	stileid.u32  }
0x2: {  	s22 =	sand.u32 $0x1, s1;
	s30 =	sshll.u32 s0, $0x1  }
0x3: {  	s14 =	sor.u32 s22, s30  }
0x4: {  	s2 =	rddreg [dreg:$0x0];
	s4 =	smul.u32 $0x780, s14  }
0x5: {  	s12 =	rddreg [dreg:$0x1]  }
0x6: {  	s3 =	simm.s32 $0x0;
	s1 =	rddreg [dreg:$0x2];
	s4 =	sshrl.u32 s4, $0x3  }
0x7: {  	[smem:$0x7FF] =	sst s3;
	s20 =	sadd.s32 s4, s12  }
0x8: {  	_ =	strace $0x80000053;
	s4 =	simm.s32 $0x3;
	s5 =	sadd.s32 $0x6480, s20  }
0x9: {  	[tilespmem:s3], [sflag:$0x3] =	stream.linear.gather [hbm4b:s5+s3], $0x140, $0x38;
	[tilespmem:$0x14300] =	vst v63  }
0xa: {  	_ =	swait.ge [sflag:s4], $0x140  }
0xb: {  	[sflag:s4] =	ssyncset.done $0x0  }
0xc: {  	s6 =	simm.s32 $0x140;
	s7 =	simm.s32 $0x300;
	[sflag:s4] =	ssyncadd.s32 $0xFFFFFEC0  }
0xd: {  	[tilespmem:s7], [sflag:$0x1] =	stream.indirect.gather [hbm4b:s2+s6], $0x80, s3, s6, $0xb8;
	[tilespmem:$0x14300] =	vst v63  }
0xe: {  	s9 =	simm.s32 $0x180;
	s8 =	sadd.s32 $0x64A8, s20  }
0xf: {  	[tilespmem:s9], [sflag:$0x3] =	stream.linear.gather [hbm4b:s8+s3], $0x140, $0x38;
	[tilespmem:$0x14300] =	vst v63  }
0x10: {  	_ =	swait.ge [sflag:s4], $0x140  }
0x11: {  	[sflag:s4] =	ssyncset.done $0x0  }
0x12: {  	s10 =	simm.s32 $0xA300;
	s11 =	simm.s32 $0x1;
	[sflag:s4] =	ssyncadd.s32 $0xFFFFFEC0  }
0x13: {  	[tilespmem:s10], [sflag:$0x2] =	stream.indirect.gather [hbm4b:s2+s6], $0x80, s9, s6, $0xb8;
	[tilespmem:$0x14300] =	vst v63  }
0x14: {  	s13 =	smul.u32 $0x7800, s14;
	_ =	swait.ge [sflag:s11], $0xA000  }
0x15: {  	s15 =	sadd.s32 $0x195600, s12;
	[sflag:s11] =	ssyncset.done $0x0  }
0x16: {  	s12 =	sadd.s32 s15, s13;
	[sflag:s11] =	ssyncadd.s32 $0xFFFF6000  }
0x17: {  	[hbm4b:s12+s3] =	stream.linear.scatter [tilespmem:s7], [sflag:$0x3], $0xA000, $0x38;
	[tilespmem:$0x14300] =	vst v63  }
0x18: {  	_ =	swait.ge [sflag:s4], $0xA000  }
0x19: {  	[sflag:s4] =	ssyncset.done $0x0  }
0x1a: {  	s13 =	sadd.s32 $0x64D0, s20;
	[sflag:s4] =	ssyncadd.s32 $0xFFFF6000  }
0x1b: {  	[tilespmem:s3], [sflag:$0x3] =	stream.linear.gather [hbm4b:s13+s3], $0x140, $0x38;
	[tilespmem:$0x14300] =	vst v63  }
0x1c: {  	_ =	swait.ge [sflag:s4], $0x140  }
0x1d: {  	[sflag:s4] =	ssyncset.done $0x0  }
0x1e: {  	s16 =	smul.u32 $0x3C000, s14;
	s14 =	simm.s32 $0x2;
	[sflag:s4] =	ssyncadd.s32 $0xFFFFFEC0  }
0x1f: {  	[tilespmem:s7], [sflag:$0x1] =	stream.indirect.gather [hbm4b:s2+s6], $0x80, s3, s6, $0xb8;
	[tilespmem:$0x14300] =	vst v63  }
0x20: {  	s16 =	sshrl.u32 s16, $0x3;
	_ =	swait.ge [sflag:s14], $0xA000  }
0x21: {  	s23 =	sadd.s32 s15, s16;
	[sflag:s14] =	ssyncset.done $0x0  }
0x22: {  	s15 =	sadd.s32 $0x1400, s23;
	[sflag:s14] =	ssyncadd.s32 $0xFFFF6000  }
0x23: {  	[hbm4b:s15+s3] =	stream.linear.scatter [tilespmem:s10], [sflag:$0x3], $0xA000, $0x38;
	[tilespmem:$0x14300] =	vst v63  }
0x24: {  	_ =	swait.ge [sflag:s4], $0xA000  }
0x25: {  	[sflag:s4] =	ssyncset.done $0x0  }
0x26: {  	s16 =	sadd.s32 $0x64F8, s20;
	[sflag:s4] =	ssyncadd.s32 $0xFFFF6000  }
0x27: {  	[tilespmem:s9], [sflag:$0x3] =	stream.linear.gather [hbm4b:s16+s3], $0x140, $0x38;
	[tilespmem:$0x14300] =	vst v63  }
0x28: {  	_ =	swait.ge [sflag:s4], $0x140  }
0x29: {  	[sflag:s4] =	ssyncset.done $0x0  }
0x2a: {  	[sflag:s4] =	ssyncadd.s32 $0xFFFFFEC0  }
0x2b: {  	[tilespmem:s10], [sflag:$0x2] =	stream.indirect.gather [hbm4b:s2+s6], $0x80, s9, s6, $0xb8;
	[tilespmem:$0x14300] =	vst v63  }
0x2c: {  	_ =	swait.ge [sflag:s11], $0xA000  }
0x2d: {  	[sflag:s11] =	ssyncset.done $0x0  }
0x2e: {  	s17 =	sadd.s32 $0x2800, s23;
	[sflag:s11] =	ssyncadd.s32 $0xFFFF6000  }
0x2f: {  	[hbm4b:s17+s3] =	stream.linear.scatter [tilespmem:s7], [sflag:$0x3], $0xA000, $0x38;
	[tilespmem:$0x14300] =	vst v63  }
0x30: {  	_ =	swait.ge [sflag:s4], $0xA000  }
0x31: {  	[sflag:s4] =	ssyncset.done $0x0  }
0x32: {  	s18 =	sadd.s32 $0x6520, s20;
	[sflag:s4] =	ssyncadd.s32 $0xFFFF6000  }
0x33: {  	[tilespmem:s3], [sflag:$0x3] =	stream.linear.gather [hbm4b:s18+s3], $0x140, $0x38;
	[tilespmem:$0x14300] =	vst v63  }
0x34: {  	_ =	swait.ge [sflag:s4], $0x140  }
0x35: {  	[sflag:s4] =	ssyncset.done $0x0  }
0x36: {  	[sflag:s4] =	ssyncadd.s32 $0xFFFFFEC0  }
0x37: {  	[tilespmem:s7], [sflag:$0x1] =	stream.indirect.gather [hbm4b:s2+s6], $0x80, s3, s6, $0xb8;
	[tilespmem:$0x14300] =	vst v63  }
0x38: {  	_ =	swait.ge [sflag:s14], $0xA000  }
0x39: {  	[sflag:s14] =	ssyncset.done $0x0  }
0x3a: {  	s19 =	sadd.s32 $0x3C00, s23;
	[sflag:s14] =	ssyncadd.s32 $0xFFFF6000  }
0x3b: {  	[hbm4b:s19+s3] =	stream.linear.scatter [tilespmem:s10], [sflag:$0x3], $0xA000, $0x38;
	[tilespmem:$0x14300] =	vst v63  }
0x3c: {  	_ =	swait.ge [sflag:s4], $0xA000  }
0x3d: {  	[sflag:s4] =	ssyncset.done $0x0  }
0x3e: {  	s20 =	sadd.s32 $0x6548, s20;
	[sflag:s4] =	ssyncadd.s32 $0xFFFF6000  }
0x3f: {  	[tilespmem:s9], [sflag:$0x3] =	stream.linear.gather [hbm4b:s20+s3], $0x140, $0x38;
	[tilespmem:$0x14300] =	vst v63  }
0x40: {  	_ =	swait.ge [sflag:s4], $0x140  }
0x41: {  	[sflag:s4] =	ssyncset.done $0x0  }
0x42: {  	[sflag:s4] =	ssyncadd.s32 $0xFFFFFEC0  }
0x43: {  	[tilespmem:s10], [sflag:$0x2] =	stream.indirect.gather [hbm4b:s2+s6], $0x80, s9, s6, $0xb8;
	[tilespmem:$0x14300] =	vst v63  }
0x44: {  	_ =	swait.ge [sflag:s11], $0xA000  }
0x45: {  	[sflag:s11] =	ssyncset.done $0x0  }
0x46: {  	s22 =	ssub.s32 $0x2, s22;
	s21 =	sadd.s32 $0x5000, s23;
	[sflag:s11] =	ssyncadd.s32 $0xFFFF6000  }
0x47: {  	[hbm4b:s21+s3] =	stream.linear.scatter [tilespmem:s7], [sflag:$0x3], $0xA000, $0x38;
	[tilespmem:$0x14300] =	vst v63  }
0x48: {  	s24 =	sshrl.u32 s22, $0x1;
	_ =	swait.ge [sflag:s4], $0xA000  }
0x49: {  	s24 =	ssub.s32 s22, s24;
	[sflag:s4] =	ssyncset.done $0x0  }
0x4a: {  	s31 =	smax.u32 s24, $0x1;
	[sflag:s4] =	ssyncadd.s32 $0xFFFF6000  }
0x4b: {  	p0 =	sne.s32 s31, $0x1;
	_ =	swait.ge [sflag:s14], $0xA000  }
.Ltmp0:
0x4c: {  	[sflag:s14] =	ssyncset.done $0x0;
	(pc) =	sbr.rel @!p0 .LBB2_2-.Ltmp0, $4  }
0x4d: {  	s22 =	sadd.s32 $0x6400, s23;
	[sflag:s14] =	ssyncadd.s32 $0xFFFF6000  }
0x4e: {  	[hbm4b:s22+s3] =	stream.linear.scatter [tilespmem:s10], [sflag:$0x3], $0xA000, $0x38;
	[tilespmem:$0x14300] =	vst v63  }
0x4f: {  	_ =	swait.ge [sflag:s4], $0xA000  }
0x50: {  	s23 =	sadd.s32 $0xFFFFFFFF, s31;
	[sflag:s4] =	ssyncset.done $0x0  }
.LBB2_1:
0x51: {  	p0 =	sne.s32 s23, $0x1;
	s23 =	sadd.s32 $0xFFFFFFFF, s23;
	[sflag:s4] =	ssyncadd.s32 $0xFFFF6000  }
0x52: {  	[tilespmem:s3], [sflag:$0x3] =	stream.linear.gather [hbm4b:s5+s3], $0x140, $0x38;
	[tilespmem:$0x14300] =	vst v63  }
0x53: {  	_ =	swait.ge [sflag:s4], $0x140  }
0x54: {  	[sflag:s4] =	ssyncset.done $0x0  }
0x55: {  	[sflag:s4] =	ssyncadd.s32 $0xFFFFFEC0  }
0x56: {  	[tilespmem:s7], [sflag:$0x1] =	stream.indirect.gather [hbm4b:s2+s6], $0x80, s3, s6, $0xb8;
	[tilespmem:$0x14300] =	vst v63  }
0x57: {  	_ = 	snop  }
0x58: {  	[tilespmem:s9], [sflag:$0x3] =	stream.linear.gather [hbm4b:s8+s3], $0x140, $0x38;
	[tilespmem:$0x14300] =	vst v63  }
0x59: {  	_ =	swait.ge [sflag:s4], $0x140  }
0x5a: {  	[sflag:s4] =	ssyncset.done $0x0  }
0x5b: {  	[sflag:s4] =	ssyncadd.s32 $0xFFFFFEC0  }
0x5c: {  	[tilespmem:s10], [sflag:$0x2] =	stream.indirect.gather [hbm4b:s2+s6], $0x80, s9, s6, $0xb8;
	[tilespmem:$0x14300] =	vst v63  }
0x5d: {  	_ =	swait.ge [sflag:s11], $0xA000  }
0x5e: {  	[sflag:s11] =	ssyncset.done $0x0  }
0x5f: {  	[sflag:s11] =	ssyncadd.s32 $0xFFFF6000  }
0x60: {  	[hbm4b:s12+s3] =	stream.linear.scatter [tilespmem:s7], [sflag:$0x3], $0xA000, $0x38;
	[tilespmem:$0x14300] =	vst v63  }
0x61: {  	_ =	swait.ge [sflag:s4], $0xA000  }
0x62: {  	[sflag:s4] =	ssyncset.done $0x0  }
0x63: {  	[sflag:s4] =	ssyncadd.s32 $0xFFFF6000  }
0x64: {  	[tilespmem:s3], [sflag:$0x3] =	stream.linear.gather [hbm4b:s13+s3], $0x140, $0x38;
	[tilespmem:$0x14300] =	vst v63  }
0x65: {  	_ =	swait.ge [sflag:s4], $0x140  }
0x66: {  	[sflag:s4] =	ssyncset.done $0x0  }
0x67: {  	[sflag:s4] =	ssyncadd.s32 $0xFFFFFEC0  }
0x68: {  	[tilespmem:s7], [sflag:$0x1] =	stream.indirect.gather [hbm4b:s2+s6], $0x80, s3, s6, $0xb8;
	[tilespmem:$0x14300] =	vst v63  }
0x69: {  	_ =	swait.ge [sflag:s14], $0xA000  }
0x6a: {  	[sflag:s14] =	ssyncset.done $0x0  }
0x6b: {  	[sflag:s14] =	ssyncadd.s32 $0xFFFF6000  }
0x6c: {  	[hbm4b:s15+s3] =	stream.linear.scatter [tilespmem:s10], [sflag:$0x3], $0xA000, $0x38;
	[tilespmem:$0x14300] =	vst v63  }
0x6d: {  	_ =	swait.ge [sflag:s4], $0xA000  }
0x6e: {  	[sflag:s4] =	ssyncset.done $0x0  }
0x6f: {  	[sflag:s4] =	ssyncadd.s32 $0xFFFF6000  }
0x70: {  	[tilespmem:s9], [sflag:$0x3] =	stream.linear.gather [hbm4b:s16+s3], $0x140, $0x38;
	[tilespmem:$0x14300] =	vst v63  }
0x71: {  	_ =	swait.ge [sflag:s4], $0x140  }
0x72: {  	[sflag:s4] =	ssyncset.done $0x0  }
0x73: {  	[sflag:s4] =	ssyncadd.s32 $0xFFFFFEC0  }
0x74: {  	[tilespmem:s10], [sflag:$0x2] =	stream.indirect.gather [hbm4b:s2+s6], $0x80, s9, s6, $0xb8;
	[tilespmem:$0x14300] =	vst v63  }
0x75: {  	_ =	swait.ge [sflag:s11], $0xA000  }
0x76: {  	[sflag:s11] =	ssyncset.done $0x0  }
0x77: {  	[sflag:s11] =	ssyncadd.s32 $0xFFFF6000  }
0x78: {  	[hbm4b:s17+s3] =	stream.linear.scatter [tilespmem:s7], [sflag:$0x3], $0xA000, $0x38;
	[tilespmem:$0x14300] =	vst v63  }
0x79: {  	_ =	swait.ge [sflag:s4], $0xA000  }
0x7a: {  	[sflag:s4] =	ssyncset.done $0x0  }
0x7b: {  	[sflag:s4] =	ssyncadd.s32 $0xFFFF6000  }
0x7c: {  	[tilespmem:s3], [sflag:$0x3] =	stream.linear.gather [hbm4b:s18+s3], $0x140, $0x38;
	[tilespmem:$0x14300] =	vst v63  }
0x7d: {  	_ =	swait.ge [sflag:s4], $0x140  }
0x7e: {  	[sflag:s4] =	ssyncset.done $0x0  }
0x7f: {  	[sflag:s4] =	ssyncadd.s32 $0xFFFFFEC0  }
0x80: {  	[tilespmem:s7], [sflag:$0x1] =	stream.indirect.gather [hbm4b:s2+s6], $0x80, s3, s6, $0xb8;
	[tilespmem:$0x14300] =	vst v63  }
0x81: {  	_ =	swait.ge [sflag:s14], $0xA000  }
0x82: {  	[sflag:s14] =	ssyncset.done $0x0  }
0x83: {  	[sflag:s14] =	ssyncadd.s32 $0xFFFF6000  }
0x84: {  	[hbm4b:s19+s3] =	stream.linear.scatter [tilespmem:s10], [sflag:$0x3], $0xA000, $0x38;
	[tilespmem:$0x14300] =	vst v63  }
0x85: {  	_ =	swait.ge [sflag:s4], $0xA000  }
0x86: {  	[sflag:s4] =	ssyncset.done $0x0  }
0x87: {  	[sflag:s4] =	ssyncadd.s32 $0xFFFF6000  }
0x88: {  	[tilespmem:s9], [sflag:$0x3] =	stream.linear.gather [hbm4b:s20+s3], $0x140, $0x38;
	[tilespmem:$0x14300] =	vst v63  }
0x89: {  	_ =	swait.ge [sflag:s4], $0x140  }
0x8a: {  	[sflag:s4] =	ssyncset.done $0x0  }
0x8b: {  	[sflag:s4] =	ssyncadd.s32 $0xFFFFFEC0  }
0x8c: {  	[tilespmem:s10], [sflag:$0x2] =	stream.indirect.gather [hbm4b:s2+s6], $0x80, s9, s6, $0xb8;
	[tilespmem:$0x14300] =	vst v63  }
0x8d: {  	_ =	swait.ge [sflag:s11], $0xA000  }
0x8e: {  	[sflag:s11] =	ssyncset.done $0x0  }
0x8f: {  	[sflag:s11] =	ssyncadd.s32 $0xFFFF6000  }
0x90: {  	[hbm4b:s21+s3] =	stream.linear.scatter [tilespmem:s7], [sflag:$0x3], $0xA000, $0x38;
	[tilespmem:$0x14300] =	vst v63  }
0x91: {  	_ =	swait.ge [sflag:s4], $0xA000  }
0x92: {  	[sflag:s4] =	ssyncset.done $0x0  }
0x93: {  	[sflag:s4] =	ssyncadd.s32 $0xFFFF6000  }
0x94: {  	_ =	swait.ge [sflag:s14], $0xA000  }
.Ltmp1:
0x95: {  	[sflag:s14] =	ssyncset.done $0x0;
	(pc) =	sbr.rel @p0 .LBB2_1-.Ltmp1, $4  }
0x96: {  	[sflag:s14] =	ssyncadd.s32 $0xFFFF6000  }
0x97: {  	[hbm4b:s22+s3] =	stream.linear.scatter [tilespmem:s10], [sflag:$0x3], $0xA000, $0x38;
	[tilespmem:$0x14300] =	vst v63  }
0x98: {  	_ =	swait.ge [sflag:s4], $0xA000  }
0x99: {  	[sflag:s4] =	ssyncset.done $0x0  }
.LBB2_2:
0x9a: {  	[sflag:s4] =	ssyncadd.s32 $0xFFFF6000  }
0x9b: {  	_ =	sfence.sel $0x180000  }
0x9c: {  	[bflag:$0x0] =	sbarrier.arrive $0xFFFF  }
0x9d: {  	p0 =	sne.s32 s0, $0x0;
	_ =	strace $0x90000053  }
0x9e: {  	s0 =	sadd.s32 @!p0 $0x100000, s1;
	[bflag:$0x2] =	sbarrier.arrive $0xFFFF  }
0x9f: {  	[sflag:s0] =	ssyncadd.tile.s32 @!p0 $0x1;
	_ =	shalt  }
.Lfunc_end2:
_tile_overlayer_lowered:
.L_overlay_start_2:
0xa0: {  	(tag) =	ssettag $0x2  }
0xa1: {  	s0 =	rddreg [dreg:$0x0];
	s2 =	stileid.u32  }
0xa2: {  	s1 =	rddreg [dreg:$0x1];
	p0 =	sne.s32 s2, $0x0  }
0xa3: {  	s3 =	rddreg [dreg:$0x2];
	[bflag:$0x3] =	sbarrier.arrive $0xFFFF;
	s2 =	simm.s32 @!p0 $0x1C03  }
0xa4: {  	[timem:s3], [sflag:s2] =	dma.local @!p0 [hbm:s0], s1  }
0xa5: {  	s0 =	simm.s32 @!p0 $0x3  }
0xa6: {  	_ =	swait.ge @!p0 [sflag:s0], s1  }
0xa7: {  	s1 =	ssub.s32 @!p0 $0x0, s1;
	[sflag:s0] =	ssyncset.done @!p0 $0x0  }
0xa8: {  	[sflag:s0] =	ssyncadd.s32 @!p0 s1  }
0xa9: {  	[bflag:$0x3] =	sbarrier.arrive $0xFFFF  }
0xaa: {  	_ =	shalt  }

// kernel: kernel.29.cloned.1.call-start
scs
__scs_entry_jumppad:
0x0: {  	(pc) =	sbr.rel $0x88, $3  }
0x1: {  	(tag) =	ssettag $0x0;
	lr =	simm.s32 $0x1  }
0x2: {  	[smem:$0x3F94] =	sst lr;
	_ =	strace $0xD0000000  }
0x3: {  	_ = 	snop  }
0x4: {  	_ = 	snop  }
0x5: {  	_ = 	snop  }
0x6: {  	_ = 	snop  }
0x7: {  	_ = 	snop  }
__scs_overlays_trampoline_lowered:
0x8: {  	[smem:$0x3FA3] =	sst s0  }
0x9: {  	[smem:$0x3FA4] =	sst s1  }
0xa: {  	[smem:$0x3FA5] =	sst s2  }
0xb: {  	[smem:$0x3FA6] =	sst s3  }
0xc: {  	[smem:$0x3FA7] =	sst s4  }
0xd: {  	[smem:$0x3FA8] =	sst s5  }
0xe: {  	[smem:$0x3FA9] =	sst s6  }
0xf: {  	[smem:$0x3FAA] =	sst s7  }
0x10: {  	[smem:$0x3FAB] =	sst s8  }
0x11: {  	[smem:$0x3FAC] =	sst s9;
	s0 =	simm.s32 @!p0 $0x0  }
0x12: {  	s1 =	sld [smem:$0x3F92];
	s0 =	simm.s32 @p0 $0x1  }
0x13: {  	[smem:$0x3FAD] =	sst s0;
	s0 =	simm.s32 @!p1 $0x0  }
0x14: {  	s2 =	sld [smem:$0x3F91];
	s0 =	simm.s32 @p1 $0x1  }
0x15: {  	[smem:$0x3FAE] =	sst s0;
	s0 =	simm.s32 @!p2 $0x0  }
0x16: {  	s3 =	sld [smem:$0x3FDB];
	s0 =	simm.s32 @p2 $0x1  }
0x17: {  	s4 =	simm.s32 $0x1BF5;
	[smem:$0x3FB0] =	sst s0  }
0x18: {  	s0 =	sld [smem:$0x3F93];
	_ =	swait.ge [sflag:s4], $0x0  }
0x19: {  	s7 =	sld [smem:$0x3F94]  }
0x1a: {  	s8 =	sadd.s32 $0xFFFFE003, lr  }
0x1b: {  	s9 =	sadd.s32 $0xFFFFFEF7, lr;
	s5 =	simm.s32 $0xFFFFFFFF;
	p2 =	slt.u32 s8, $0xFFFFF086  }
0x1c: {  	p1 =	slt.u32 s9, $0xF7A;
	s5 =	simm.s32 @!p2 $0x0  }
0x1d: {  	s5 =	simm.s32 @p1 $0x1;
	p0 =	seq.s32 s7, s2  }
0x1e: {  	s7 =	smul.u32 @!p0 $0xF7A, s2;
	p2 =	seq.s32 @!p0 s5, $0x0  }
0x1f: {  	s9 =	smul.u32 $0xF7A, s1;
	s8 =	simm.s32 @!p0 $0x1BF5;
	p2 =	por !p2, p0  }
0x20: {  	[sflag:s8] =	ssyncset.s32 @!p0 $0xFFFFF086;
	s6 =	sadd.s32 @!p0 s3, s7;
	s7 =	simm.s32 @!p0 $0x108  }
0x21: {  	s3 =	sadd.s32 s3, s9;
	s6 =	sadd.s32 @!p0 $0x88, s6;
	s7 =	simm.s32 @p2 $0x1082  }
0x22: {  	[simem:s7], [sflag:s8] =	dma.local @!p0 [hbm:s6], $0xF7A  }
0x23: {  	s9 =	sor.u32 $0xD0000000, s2;
	s6 =	simm.s32 $0x108;
	_ =	swait.ge @!p0 [sflag:s8], $0x0  }
0x24: {  	s3 =	sadd.s32 $0x88, s3;
	s6 =	simm.s32 @!p1 $0x1082;
	[sflag:s4] =	ssyncset.s32 $0xFFFFF086  }
0x25: {  	[simem:s6], [sflag:s4] =	dma.local [hbm:s3], $0xF7A  }
0x26: {  	[smem:$0x3F94] =	sst s1;
	(tag) =	ssettag s2;
	_ =	strace s9  }
0x27: {  	s1 =	sld [smem:$0x3FA4]  }
0x28: {  	s2 =	sld [smem:$0x3FA5]  }
0x29: {  	s4 =	sld [smem:$0x3FA7]  }
0x2a: {  	p0 =	seq.s32 s5, $0x0;
	s5 =	sld [smem:$0x3FA8]  }
0x2b: {  	s6 =	sld [smem:$0x3FA9]  }
0x2c: {  	s7 =	sld [smem:$0x3FAA]  }
0x2d: {  	s3 =	simm.s32 $0x108;
	s8 =	sld [smem:$0x3FAB]  }
0x2e: {  	s3 =	simm.s32 @!p0 $0x1082;
	s9 =	sld [smem:$0x3FAC]  }
0x2f: {  	lr =	sadd.s32 s0, s3;
	s0 =	sld [smem:$0x3FA3]  }
0x30: {  	s3 =	sld [smem:$0x3FA6]  }
0x31: {  	[smem:$0x3FAF] =	sst s10  }
0x32: {  	s10 =	sld [smem:$0x3FAD];
	_ =	sdelay $0x3  }
0x33: {  	p0 =	seq.s32 s10, $0x1;
	s10 =	sld [smem:$0x3FAF];
	_ =	sdelay $0x3  }
0x34: {  	[smem:$0x3FAF] =	sst s10  }
0x35: {  	s10 =	sld [smem:$0x3FAE];
	_ =	sdelay $0x3  }
0x36: {  	p1 =	seq.s32 s10, $0x1;
	s10 =	sld [smem:$0x3FAF];
	_ =	sdelay $0x3  }
0x37: {  	[smem:$0x3FAF] =	sst s10  }
0x38: {  	s10 =	sld [smem:$0x3FB0]  }
0x39: {  	_ = 	snop;
	(pc) =	sbr.ind lr, $3  }
0x3a: {  	_ = 	snop  }
0x3b: {  	_ = 	snop  }
0x3c: {  	p2 =	seq.s32 s10, $0x1;
	s10 =	sld [smem:$0x3FAF]  }
0x3d: {  	_ =	shalt  }
0x3e: {  	_ =	shalt  }
0x3f: {  	_ =	shalt  }
0x40: {  	_ =	shalt  }
0x41: {  	_ =	shalt  }
0x42: {  	_ =	shalt  }
0x43: {  	_ =	shalt  }
0x44: {  	_ =	shalt  }
0x45: {  	_ =	shalt  }
0x46: {  	_ =	shalt  }
0x47: {  	_ =	shalt  }
0x48: {  	_ =	shalt  }
0x49: {  	_ =	shalt  }
0x4a: {  	_ =	shalt  }
0x4b: {  	_ =	shalt  }
0x4c: {  	_ =	shalt  }
0x4d: {  	_ =	shalt  }
0x4e: {  	_ =	shalt  }
0x4f: {  	_ =	shalt  }
0x50: {  	_ =	shalt  }
0x51: {  	_ =	shalt  }
0x52: {  	_ =	shalt  }
0x53: {  	_ =	shalt  }
0x54: {  	_ =	shalt  }
0x55: {  	_ =	shalt  }
0x56: {  	_ =	shalt  }
0x57: {  	_ =	shalt  }
0x58: {  	_ =	shalt  }
0x59: {  	_ =	shalt  }
0x5a: {  	_ =	shalt  }
0x5b: {  	_ =	shalt  }
0x5c: {  	_ =	shalt  }
0x5d: {  	_ =	shalt  }
0x5e: {  	_ =	shalt  }
0x5f: {  	_ =	shalt  }
0x60: {  	_ =	shalt  }
0x61: {  	_ =	shalt  }
0x62: {  	_ =	shalt  }
0x63: {  	_ =	shalt  }
0x64: {  	_ =	shalt  }
0x65: {  	_ =	shalt  }
0x66: {  	_ =	shalt  }
0x67: {  	_ =	shalt  }
0x68: {  	_ =	shalt  }
0x69: {  	_ =	shalt  }
0x6a: {  	_ =	shalt  }
0x6b: {  	_ =	shalt  }
0x6c: {  	_ =	shalt  }
0x6d: {  	_ =	shalt  }
0x6e: {  	_ =	shalt  }
0x6f: {  	_ =	shalt  }
0x70: {  	_ =	shalt  }
0x71: {  	_ =	shalt  }
0x72: {  	_ =	shalt  }
0x73: {  	_ =	shalt  }
0x74: {  	_ =	shalt  }
0x75: {  	_ =	shalt  }
0x76: {  	_ =	shalt  }
0x77: {  	_ =	shalt  }
0x78: {  	_ =	shalt  }
0x79: {  	_ =	shalt  }
0x7a: {  	_ =	shalt  }
0x7b: {  	_ =	shalt  }
0x7c: {  	_ =	shalt  }
0x7d: {  	_ =	shalt  }
0x7e: {  	_ =	shalt  }
0x7f: {  	_ =	shalt  }
0x80: {  	_ =	shalt  }
0x81: {  	_ =	shalt  }
0x82: {  	_ =	shalt  }
0x83: {  	_ =	shalt  }
0x84: {  	_ =	shalt  }
0x85: {  	_ =	shalt  }
0x86: {  	_ =	shalt  }
0x87: {  	_ =	shalt  }
.Lfunc_end0:
.L_simem_size_0:
called_computation.5_lowered:
.L_overlay_start_0:
0x88: {  	s2 =	sld [smem:$0x3FD9]  }
0x89: {  	s3 =	sld [smem:$0x3FFE];
	_ =	sdelay $0x1  }
0x8a: {  	s1 =	srdreg.scid  }
0x8b: {  	s0 =	sand.u32 $0x1, s1  }
0x8c: {  	s17 =	sshll.u32 s0, $0xA;
	s2 =	sadd.s32 s3, s2  }
0x8d: {  	s2 =	sadd.s32 s2, s17  }
0x8e: {  	[smem:$0x3FBB] =	sst s2  }
0x8f: {  	_ = 	snop  }
0x90: {  	s18 =	sld [smem:$0x3FC6];
	(tm) =	ssettm $0x1  }
0x91: {  	s19 =	sld [smem:$0x3FFB];
	_ =	sdelay $0x3  }
0x92: {  	_ =	strace s19  }
0x93: {  	s2 =	sld [smem:$0x3FFC];
	_ =	sdelay $0x3  }
0x94: {  	_ =	strace s2  }
0x95: {  	s2 =	sld [smem:$0x3FFD];
	_ =	sdelay $0x3  }
0x96: {  	_ =	strace s2  }
0x97: {  	_ =	strace $0x8FFFFFFF  }
0x98: {  	s20 =	sld [smem:$0x3FDB];
	_ =	sdelay $0x1  }
0x99: {  	s4 =	simm.s32 $_scs_section_size  }
0x9a: {  	s5 =	simm.s32 $_size__tile_overlayer_lowered;
	s6 =	simm.s32 $_tile_overlayer_lowered  }
0x9b: {  	s7 =	simm.s32 $0x1BFF;
	s21 =	sshll.u32 s6, $0x1;
	s4 =	sadd.s32 s4, s20  }
0x9c: {  	s22 =	simm.s32 $0x0;
	s5 =	sshll.u32 s5, $0x1;
	s6 =	sadd.s32 s21, s4  }
0x9d: {  	[timem:s22], [sflag:s7] =	dma.local [hbm:s6], s5  }
0x9e: {  	_ =	swait.ge [sflag:s7], s5  }
0x9f: {  	s5 =	ssub.s32 $0x0, s5;
	[sflag:s7] =	ssyncset.done $0x0  }
0xa0: {  	[sflag:s7] =	ssyncadd.s32 s5;
	_ =	sdelay $0x1  }
0xa1: {  	s23 =	simm.s32 $0x1B8B  }
0xa2: {  	_ =	swait.ge [sflag:s23], $0x1  }
0xa3: {  	[sflag:s23] =	ssyncset.done $0x0  }
0xa4: {  	[sflag:s23] =	ssyncadd.s32 $0xFFFFFFFF  }
0xa5: {  	s5 =	sld [smem:$0x0]  }
0xa6: {  	s6 =	sand.u32 $0xFFFFFFFE, s1  }
0xa7: {  	p0 =	sne.s32 s1, s6  }
0xa8: {  	s6 =	sshll.u32 @p0 s6, $0xE  }
0xa9: {  	s6 =	sadd.s32 @p0 $0x11B8D, s6;
	s7 =	sshll.u32 @p0 s5, $0x11  }
0xaa: {  	s6 =	sor.u32 @p0 s7, s6  }
0xab: {  	[sflag:s6] =	ssyncadd.remote.s32 @p0 $0x1;
	_ =	sdelay $0x1  }
0xac: {  	s6 =	simm.s32 @p0 $0x1B8D  }
0xad: {  	_ =	swait.eq @p0 [sflag:s6], $0x1  }
0xae: {  	[sflag:s6] =	ssyncadd.s32 @p0 $0xFFFFFFFF  }
0xaf: {  	s7 =	sshll.u32 @!p0 s1, $0xE  }
0xb0: {  	s7 =	sor.u32 @!p0 $0x4000, s7;
	s6 =	simm.s32 @!p0 $0x1B8D  }
0xb1: {  	s5 =	sshll.u32 @!p0 s5, $0x11;
	s7 =	sadd.s32 @!p0 $0x11B8D, s7;
	_ =	swait.eq @!p0 [sflag:s6], $0x1  }
0xb2: {  	s5 =	sor.u32 @!p0 s5, s7;
	[sflag:s6] =	ssyncadd.s32 @!p0 $0xFFFFFFFF  }
0xb3: {  	s25 =	simm.s32 $0x1B8E;
	s24 =	sld [smem:$0x3FFE];
	[sflag:s5] =	ssyncadd.remote.s32 @!p0 $0x1  }
0xb4: {  	s26 =	simm.s32 $execute0_lowered;
	[smem:$0x3FD2] =	sst s25  }
0xb5: {  	s6 =	sshll.u32 s26, $0x1;
	_ =	strace $0x80000055;
	[dreg:$0x1] =	wrdreg $0xFFFFFFFF  }
0xb6: {  	s28 =	simm.s32 $_size_execute0_lowered;
	s4 =	sadd.s32 s4, s6;
	[dreg:$0x0] =	wrdreg $0x0  }
0xb7: {  	s6 =	sshll.u32 s28, $0x1;
	[dreg:$0x2] =	wrdreg s4  }
0xb8: {  	[dreg:$0x3] =	wrdreg s6  }
0xb9: {  	[dreg:$0x4] =	wrdreg $0xC0  }
0xba: {  	_ =	task [dreg:s22], $0x5FFFF  }
0xbb: {  	[dreg:$0x1] =	wrdreg $0xFFFFFFFF  }
0xbc: {  	[dreg:$0x0] =	wrdreg $0x60  }
0xbd: {  	[dreg:$0x2] =	wrdreg s18  }
0xbe: {  	[dreg:$0x3] =	wrdreg s24  }
0xbf: {  	[dreg:$0x4] =	wrdreg $0xE  }
0xc0: {  	_ =	task.clear_ibuf [dreg:s22], $0x5FFFF;
	_ =	strace $0x90000055  }
0xc1: {  	s29 =	simm.s32 $0xE;
	_ =	strace $0x80000057  }
0xc2: {  	_ =	swait.ge [sflag:s29], $0x1  }
0xc3: {  	[sflag:s29] =	ssyncadd.s32 $0xFFFFFFFF  }
0xc4: {  	_ =	strace $0x90000057  }
0xc5: {  	_ =	sfence  }
0xc6: {  	s30 =	sld [smem:$0x0];
	_ =	sdelay $0x2  }
0xc7: {  	s31 =	sshll.u32 s1, $0xD;
	s1 =	sshrl.u32 s1, $0x2  }
0xc8: {  	s4 =	sand.u32 $0x4000, s31;
	s1 =	sadd.s32 s1, s30  }
0xc9: {  	s0 =	sor.u32 s4, s0;
	s1 =	sshll.u32 s1, $0x11  }
0xca: {  	s0 =	sor.u32 s1, s0  }
0xcb: {  	s0 =	sadd.s32 $0x8F2B, s0  }
0xcc: {  	[sflag:s0] =	ssyncadd.remote.s32 $0x1  }
0xcd: {  	_ =	sfence.sel $0xFFFF  }
0xce: {  	[dreg:$0x0] =	wrdreg $0xFFFFFFFF;
	(pc) =	sbr.abs _section_cstart, $3  }
0xcf: {  	[dreg:$0x1] =	wrdreg $0xFFFFFFFF  }
0xd0: {  	_ =	task.clear_ibuf [dreg:s22], $0x2FFFF;
	_ =	strace $0x9FFFFFFF  }
0xd1: {  	(tm) =	ssettm $0x7FFFFFFF  }
tec
execute0_lowered:
.L_overlay_start_1:
0x0: {  	(tag) =	ssettag $0x1  }
0x1: {  	s1 =	srdreg.scid;
	s0 =	stileid.u32  }
0x2: {  	s18 =	sand.u32 $0x1, s1;
	s29 =	sshll.u32 s0, $0x1  }
0x3: {  	s14 =	sor.u32 s18, s29  }
0x4: {  	s2 =	rddreg [dreg:$0x0];
	s16 =	smul.u32 $0x4E0, s14  }
0x5: {  	s12 =	rddreg [dreg:$0x1];
	s3 =	simm.s32 $0x0  }
0x6: {  	s1 =	rddreg [dreg:$0x2];
	s17 =	sadd.s32 $0x3200, s12;
	s4 =	sshrl.u32 s16, $0x3  }
0x7: {  	[smem:$0x7FF] =	sst s3;
	s13 =	sadd.s32 s17, s4  }
0x8: {  	_ =	strace $0x80000056;
	s4 =	simm.s32 $0x3;
	s5 =	sadd.s32 $0x5080, s13  }
0x9: {  	[tilespmem:s3], [sflag:$0x3] =	stream.linear.gather [hbm4b:s5+s3], $0x138, $0x38;
	[tilespmem:$0x13B00] =	vst v63  }
0xa: {  	_ =	swait.ge [sflag:s4], $0x138  }
0xb: {  	s7 =	simm.s32 $0x300;
	s6 =	sadd.s32 $0x28538, s16;
	[sflag:s4] =	ssyncset.done $0x0  }
0xc: {  	s8 =	sshrl.u32 s6, $0x3;
	s6 =	simm.s32 $0x138;
	[sflag:s4] =	ssyncadd.s32 $0xFFFFFEC8  }
0xd: {  	[tilespmem:s7], [sflag:$0x1] =	stream.indirect.gather [hbm4b:s2+s6], $0x80, s3, s6, $0xb8;
	[tilespmem:$0x13B00] =	vst v63  }
0xe: {  	s9 =	simm.s32 $0x180;
	s8 =	sadd.s32 s17, s8  }
0xf: {  	[tilespmem:s9], [sflag:$0x3] =	stream.linear.gather [hbm4b:s8+s3], $0x138, $0x38;
	[tilespmem:$0x13B00] =	vst v63  }
0x10: {  	_ =	swait.ge [sflag:s4], $0x138  }
0x11: {  	[sflag:s4] =	ssyncset.done $0x0  }
0x12: {  	s10 =	simm.s32 $0x9F00;
	s11 =	simm.s32 $0x1;
	[sflag:s4] =	ssyncadd.s32 $0xFFFFFEC8  }
0x13: {  	[tilespmem:s10], [sflag:$0x2] =	stream.indirect.gather [hbm4b:s2+s6], $0x80, s9, s6, $0xb8;
	[tilespmem:$0x13B00] =	vst v63  }
0x14: {  	s15 =	smul.u32 $0x4E00, s14;
	_ =	swait.ge [sflag:s11], $0x9C00  }
0x15: {  	s19 =	sadd.s32 $0x285600, s12;
	[sflag:s11] =	ssyncset.done $0x0  }
0x16: {  	s12 =	sadd.s32 s19, s15;
	[sflag:s11] =	ssyncadd.s32 $0xFFFF6400  }
0x17: {  	[hbm4b:s12+s3] =	stream.linear.scatter [tilespmem:s7], [sflag:$0x3], $0x9C00, $0x38;
	[tilespmem:$0x13B00] =	vst v63  }
0x18: {  	_ =	swait.ge [sflag:s4], $0x9C00  }
0x19: {  	[sflag:s4] =	ssyncset.done $0x0  }
0x1a: {  	s13 =	sadd.s32 $0x50CE, s13;
	[sflag:s4] =	ssyncadd.s32 $0xFFFF6400  }
0x1b: {  	[tilespmem:s3], [sflag:$0x3] =	stream.linear.gather [hbm4b:s13+s3], $0x138, $0x38;
	[tilespmem:$0x13B00] =	vst v63  }
0x1c: {  	_ =	swait.ge [sflag:s4], $0x138  }
0x1d: {  	[sflag:s4] =	ssyncset.done $0x0  }
0x1e: {  	s30 =	smul.u32 $0x27000, s14;
	s14 =	simm.s32 $0x2;
	[sflag:s4] =	ssyncadd.s32 $0xFFFFFEC8  }
0x1f: {  	[tilespmem:s7], [sflag:$0x1] =	stream.indirect.gather [hbm4b:s2+s6], $0x80, s3, s6, $0xb8;
	[tilespmem:$0x13B00] =	vst v63  }
0x20: {  	s15 =	sshrl.u32 s30, $0x3;
	_ =	swait.ge [sflag:s14], $0x9C00  }
0x21: {  	s19 =	sadd.s32 s19, s15;
	[sflag:s14] =	ssyncset.done $0x0  }
0x22: {  	s15 =	sadd.s32 $0x1380, s19;
	[sflag:s14] =	ssyncadd.s32 $0xFFFF6400  }
0x23: {  	[hbm4b:s15+s3] =	stream.linear.scatter [tilespmem:s10], [sflag:$0x3], $0x9C00, $0x38;
	[tilespmem:$0x13B00] =	vst v63  }
0x24: {  	s16 =	sadd.s32 $0x287A8, s16;
	_ =	swait.ge [sflag:s4], $0x9C00  }
0x25: {  	s16 =	sshrl.u32 s16, $0x3;
	[sflag:s4] =	ssyncset.done $0x0  }
0x26: {  	s16 =	sadd.s32 s17, s16;
	[sflag:s4] =	ssyncadd.s32 $0xFFFF6400  }
0x27: {  	[tilespmem:s9], [sflag:$0x3] =	stream.linear.gather [hbm4b:s16+s3], $0x138, $0x38;
	[tilespmem:$0x13B00] =	vst v63  }
0x28: {  	_ =	swait.ge [sflag:s4], $0x138  }
0x29: {  	[sflag:s4] =	ssyncset.done $0x0  }
0x2a: {  	[sflag:s4] =	ssyncadd.s32 $0xFFFFFEC8  }
0x2b: {  	[tilespmem:s10], [sflag:$0x2] =	stream.indirect.gather [hbm4b:s2+s6], $0x80, s9, s6, $0xb8;
	[tilespmem:$0x13B00] =	vst v63  }
0x2c: {  	_ =	swait.ge [sflag:s11], $0x9C00  }
0x2d: {  	[sflag:s11] =	ssyncset.done $0x0  }
0x2e: {  	s18 =	ssub.s32 $0x2, s18;
	s17 =	sadd.s32 $0x2700, s19;
	[sflag:s11] =	ssyncadd.s32 $0xFFFF6400  }
0x2f: {  	[hbm4b:s17+s3] =	stream.linear.scatter [tilespmem:s7], [sflag:$0x3], $0x9C00, $0x38;
	[tilespmem:$0x13B00] =	vst v63  }
0x30: {  	s20 =	sshrl.u32 s18, $0x1;
	_ =	swait.ge [sflag:s4], $0x9C00  }
0x31: {  	s20 =	ssub.s32 s18, s20;
	[sflag:s4] =	ssyncset.done $0x0  }
0x32: {  	s31 =	smax.u32 s20, $0x1;
	[sflag:s4] =	ssyncadd.s32 $0xFFFF6400  }
0x33: {  	p0 =	sne.s32 s31, $0x1;
	_ =	swait.ge [sflag:s14], $0x9C00  }
.Ltmp0:
0x34: {  	[sflag:s14] =	ssyncset.done $0x0;
	(pc) =	sbr.rel @!p0 .LBB2_2-.Ltmp0, $4  }
0x35: {  	s18 =	sadd.s32 $0x3A80, s19;
	[sflag:s14] =	ssyncadd.s32 $0xFFFF6400  }
0x36: {  	[hbm4b:s18+s3] =	stream.linear.scatter [tilespmem:s10], [sflag:$0x3], $0x9C00, $0x38;
	[tilespmem:$0x13B00] =	vst v63  }
0x37: {  	_ =	swait.ge [sflag:s4], $0x9C00  }
0x38: {  	s19 =	sadd.s32 $0xFFFFFFFF, s31;
	[sflag:s4] =	ssyncset.done $0x0  }
.LBB2_1:
0x39: {  	p0 =	sne.s32 s19, $0x1;
	s19 =	sadd.s32 $0xFFFFFFFF, s19;
	[sflag:s4] =	ssyncadd.s32 $0xFFFF6400  }
0x3a: {  	[tilespmem:s3], [sflag:$0x3] =	stream.linear.gather [hbm4b:s5+s3], $0x138, $0x38;
	[tilespmem:$0x13B00] =	vst v63  }
0x3b: {  	_ =	swait.ge [sflag:s4], $0x138  }
0x3c: {  	[sflag:s4] =	ssyncset.done $0x0  }
0x3d: {  	[sflag:s4] =	ssyncadd.s32 $0xFFFFFEC8  }
0x3e: {  	[tilespmem:s7], [sflag:$0x1] =	stream.indirect.gather [hbm4b:s2+s6], $0x80, s3, s6, $0xb8;
	[tilespmem:$0x13B00] =	vst v63  }
0x3f: {  	_ = 	snop  }
0x40: {  	[tilespmem:s9], [sflag:$0x3] =	stream.linear.gather [hbm4b:s8+s3], $0x138, $0x38;
	[tilespmem:$0x13B00] =	vst v63  }
0x41: {  	_ =	swait.ge [sflag:s4], $0x138  }
0x42: {  	[sflag:s4] =	ssyncset.done $0x0  }
0x43: {  	[sflag:s4] =	ssyncadd.s32 $0xFFFFFEC8  }
0x44: {  	[tilespmem:s10], [sflag:$0x2] =	stream.indirect.gather [hbm4b:s2+s6], $0x80, s9, s6, $0xb8;
	[tilespmem:$0x13B00] =	vst v63  }
0x45: {  	_ =	swait.ge [sflag:s11], $0x9C00  }
0x46: {  	[sflag:s11] =	ssyncset.done $0x0  }
0x47: {  	[sflag:s11] =	ssyncadd.s32 $0xFFFF6400  }
0x48: {  	[hbm4b:s12+s3] =	stream.linear.scatter [tilespmem:s7], [sflag:$0x3], $0x9C00, $0x38;
	[tilespmem:$0x13B00] =	vst v63  }
0x49: {  	_ =	swait.ge [sflag:s4], $0x9C00  }
0x4a: {  	[sflag:s4] =	ssyncset.done $0x0  }
0x4b: {  	[sflag:s4] =	ssyncadd.s32 $0xFFFF6400  }
0x4c: {  	[tilespmem:s3], [sflag:$0x3] =	stream.linear.gather [hbm4b:s13+s3], $0x138, $0x38;
	[tilespmem:$0x13B00] =	vst v63  }
0x4d: {  	_ =	swait.ge [sflag:s4], $0x138  }
0x4e: {  	[sflag:s4] =	ssyncset.done $0x0  }
0x4f: {  	[sflag:s4] =	ssyncadd.s32 $0xFFFFFEC8  }
0x50: {  	[tilespmem:s7], [sflag:$0x1] =	stream.indirect.gather [hbm4b:s2+s6], $0x80, s3, s6, $0xb8;
	[tilespmem:$0x13B00] =	vst v63  }
0x51: {  	_ =	swait.ge [sflag:s14], $0x9C00  }
0x52: {  	[sflag:s14] =	ssyncset.done $0x0  }
0x53: {  	[sflag:s14] =	ssyncadd.s32 $0xFFFF6400  }
0x54: {  	[hbm4b:s15+s3] =	stream.linear.scatter [tilespmem:s10], [sflag:$0x3], $0x9C00, $0x38;
	[tilespmem:$0x13B00] =	vst v63  }
0x55: {  	_ =	swait.ge [sflag:s4], $0x9C00  }
0x56: {  	[sflag:s4] =	ssyncset.done $0x0  }
0x57: {  	[sflag:s4] =	ssyncadd.s32 $0xFFFF6400  }
0x58: {  	[tilespmem:s9], [sflag:$0x3] =	stream.linear.gather [hbm4b:s16+s3], $0x138, $0x38;
	[tilespmem:$0x13B00] =	vst v63  }
0x59: {  	_ =	swait.ge [sflag:s4], $0x138  }
0x5a: {  	[sflag:s4] =	ssyncset.done $0x0  }
0x5b: {  	[sflag:s4] =	ssyncadd.s32 $0xFFFFFEC8  }
0x5c: {  	[tilespmem:s10], [sflag:$0x2] =	stream.indirect.gather [hbm4b:s2+s6], $0x80, s9, s6, $0xb8;
	[tilespmem:$0x13B00] =	vst v63  }
0x5d: {  	_ =	swait.ge [sflag:s11], $0x9C00  }
0x5e: {  	[sflag:s11] =	ssyncset.done $0x0  }
0x5f: {  	[sflag:s11] =	ssyncadd.s32 $0xFFFF6400  }
0x60: {  	[hbm4b:s17+s3] =	stream.linear.scatter [tilespmem:s7], [sflag:$0x3], $0x9C00, $0x38;
	[tilespmem:$0x13B00] =	vst v63  }
0x61: {  	_ =	swait.ge [sflag:s4], $0x9C00  }
0x62: {  	[sflag:s4] =	ssyncset.done $0x0  }
0x63: {  	[sflag:s4] =	ssyncadd.s32 $0xFFFF6400  }
0x64: {  	_ =	swait.ge [sflag:s14], $0x9C00  }
.Ltmp1:
0x65: {  	[sflag:s14] =	ssyncset.done $0x0;
	(pc) =	sbr.rel @p0 .LBB2_1-.Ltmp1, $4  }
0x66: {  	[sflag:s14] =	ssyncadd.s32 $0xFFFF6400  }
0x67: {  	[hbm4b:s18+s3] =	stream.linear.scatter [tilespmem:s10], [sflag:$0x3], $0x9C00, $0x38;
	[tilespmem:$0x13B00] =	vst v63  }
0x68: {  	_ =	swait.ge [sflag:s4], $0x9C00  }
0x69: {  	[sflag:s4] =	ssyncset.done $0x0  }
.LBB2_2:
0x6a: {  	[sflag:s4] =	ssyncadd.s32 $0xFFFF6400  }
0x6b: {  	_ =	sfence.sel $0x180000  }
0x6c: {  	[bflag:$0x0] =	sbarrier.arrive $0xFFFF  }
0x6d: {  	p0 =	sne.s32 s0, $0x0;
	_ =	strace $0x90000056  }
0x6e: {  	s0 =	sadd.s32 @!p0 $0x100000, s1;
	[bflag:$0x2] =	sbarrier.arrive $0xFFFF  }
0x6f: {  	[sflag:s0] =	ssyncadd.tile.s32 @!p0 $0x1;
	_ =	shalt  }
.Lfunc_end2:
_tile_overlayer_lowered:
.L_overlay_start_2:
0x70: {  	(tag) =	ssettag $0x2  }
0x71: {  	s0 =	rddreg [dreg:$0x0];
	s2 =	stileid.u32  }
0x72: {  	s1 =	rddreg [dreg:$0x1];
	p0 =	sne.s32 s2, $0x0  }
0x73: {  	s3 =	rddreg [dreg:$0x2];
	[bflag:$0x3] =	sbarrier.arrive $0xFFFF;
	s2 =	simm.s32 @!p0 $0x1C03  }
0x74: {  	[timem:s3], [sflag:s2] =	dma.local @!p0 [hbm:s0], s1  }
0x75: {  	s0 =	simm.s32 @!p0 $0x3  }
0x76: {  	_ =	swait.ge @!p0 [sflag:s0], s1  }
0x77: {  	s1 =	ssub.s32 @!p0 $0x0, s1;
	[sflag:s0] =	ssyncset.done @!p0 $0x0  }
0x78: {  	[sflag:s0] =	ssyncadd.s32 @!p0 s1  }
0x79: {  	[bflag:$0x3] =	sbarrier.arrive $0xFFFF  }
0x7a: {  	_ =	shalt  }

</sc_bundles>
